<compile_context>
chip_gen: v7x
topology: tpu7x:2x2x1
jax: 0.10.2.dev20260603
libtpu: 0.0.44.dev20260713+nightly
codegen_flags: <defaults>
</compile_context>

<pallas_src>
import functools

import jax
import jax.numpy as jnp
from jax import lax
from jax.experimental import pallas as pl
from jax.experimental.pallas import tpu as pltpu
from jax.experimental.pallas import tpu_sc as plsc

B, H, HG, E, K, C = 2048, 1024, 512, 8, 2, 3

BMG = 512
LOG2_BMG = 9
NBLK = B * K // BMG + E
NPAD = NBLK * BMG
NW = 32
TPW = B // NW

BM1 = 512
BM5 = 1024
LANEPAD = 128



def _pack_bf16_pair(xbf):
    n = xbf.shape[1] // 2
    lo = lax.bitcast_convert_type(xbf[:, :n], jnp.uint16).astype(jnp.uint32)
    hi = lax.bitcast_convert_type(xbf[:, n:], jnp.uint16).astype(jnp.uint32)
    return lax.bitcast_convert_type(lo | (hi << 16), jnp.int32)


def _unpack_bf16_pair(xi):
    u = lax.bitcast_convert_type(xi, jnp.uint32)
    lo = lax.bitcast_convert_type((u & 0xFFFF).astype(jnp.uint16), jnp.bfloat16)
    hi = lax.bitcast_convert_type((u >> 16).astype(jnp.uint16), jnp.bfloat16)
    return jnp.concatenate([lo, hi], axis=1)


def _layernorm(h, g, b):
    mu = jnp.mean(h, axis=-1, keepdims=True)
    var = jnp.mean((h - mu) ** 2, axis=-1, keepdims=True)
    return (h - mu) / jnp.sqrt(var + 1e-5) * g + b


def _gating_body(x_ref, gW1_ref, gb1_ref, glng_ref, glnb_ref, gW2_ref, gb2_ref,
                 probs_ref, combine_ref, w1_ref, w2_ref, rt_ref,
                 bg_ref, bvalid_ref, counts_ref, xp_ref, carry_ref):
    i = pl.program_id(0)

    @pl.when(i == 0)
    def _():
        carry_ref[...] = jnp.zeros_like(carry_ref)

    x = x_ref[...]
    xp_ref[...] = _pack_bf16_pair(x.astype(jnp.bfloat16))
    h = jnp.dot(x, gW1_ref[...], preferred_element_type=jnp.float32) + gb1_ref[...]
    h = jax.nn.gelu(_layernorm(h, glng_ref[...], glnb_ref[...]))
    logits = jnp.dot(h, gW2_ref[...], preferred_element_type=jnp.float32) + gb2_ref[...]
    probs = jax.nn.softmax(logits, axis=-1)

    lane = lax.broadcasted_iota(jnp.int32, probs.shape, 1)
    i1 = jnp.argmax(probs, axis=-1)[:, None]
    oh1 = lane == i1
    p2m = jnp.where(oh1, -jnp.inf, probs)
    i2 = jnp.argmax(p2m, axis=-1)[:, None]
    oh2 = lane == i2
    sel = oh1 | oh2
    probs_ref[...] = probs
    combine_ref[...] = jnp.where(sel, probs, 0.0)
    w1_ref[...] = jnp.sum(jnp.where(oh1, probs, 0.0), axis=1, keepdims=True)
    w2_ref[...] = jnp.sum(jnp.where(oh2, probs, 0.0), axis=1, keepdims=True)

    selsum = oh1.astype(jnp.float32) + oh2.astype(jnp.float32)
    r = lax.broadcasted_iota(jnp.int32, (BM1, BM1), 0)
    c = lax.broadcasted_iota(jnp.int32, (BM1, BM1), 1)
    tril = (c < r).astype(jnp.float32)
    excl = jnp.dot(tril, selsum, preferred_element_type=jnp.float32)
    excl = excl + carry_ref[...]
    r1 = jnp.sum(jnp.where(oh1, excl, 0.0), axis=1, keepdims=True).astype(jnp.int32)
    r2 = jnp.sum(jnp.where(oh2, excl, 0.0), axis=1, keepdims=True).astype(jnp.int32)
    rt_ref[...] = jnp.concatenate(
        [jnp.transpose(i1), jnp.transpose(i2),
         jnp.transpose(r1), jnp.transpose(r2)], axis=0)
    new_carry = carry_ref[...] + jnp.sum(selsum, axis=0, keepdims=True)
    carry_ref[...] = new_carry

    counts = new_carry.astype(jnp.int32)
    jj = lax.broadcasted_iota(jnp.int32, (1, LANEPAD), 1)
    bg = jnp.zeros((1, LANEPAD), jnp.int32)
    cpad = jnp.zeros((1, LANEPAD), jnp.int32)
    cum_run = jnp.int32(0)
    for e in range(E):
        cnt_e = jnp.sum(jnp.where(lane[:1] == e, counts, 0))
        cpad = cpad + jnp.where(jj == e, cum_run << LOG2_BMG, 0)
        cum_run = cum_run + ((cnt_e + (BMG - 1)) >> LOG2_BMG)
        bg = bg + (jj >= cum_run).astype(jnp.int32)
    bvalid_ref[...] = (jj < cum_run).astype(jnp.int32)
    bg_ref[...] = jnp.minimum(bg, E - 1)
    counts_ref[...] = cpad


def _dispatch_body(offs_hbm, rt_hbm, x_hbm,
                   xs_hbm, pos1_hbm, pos2_hbm,
                   offs, e1v, e2v, r1v, r2v, p1v, p2v, xbuf, sem, sem2):
    wid = lax.axis_index("s") * 2 + lax.axis_index("c")
    base = wid * TPW
    cp_x = pltpu.async_copy(x_hbm.at[pl.ds(base, TPW)], xbuf, sem)
    pltpu.sync_copy(offs_hbm.at[0, pl.ds(0, 16)], offs)

    pltpu.sync_copy(rt_hbm.at[0, pl.ds(base, TPW)], e1v)
    pltpu.sync_copy(rt_hbm.at[1, pl.ds(base, TPW)], e2v)
    pltpu.sync_copy(rt_hbm.at[2, pl.ds(base, TPW)], r1v)
    pltpu.sync_copy(rt_hbm.at[3, pl.ds(base, TPW)], r2v)
    for c4 in range(TPW // 16):
        sl = pl.ds(c4 * 16, 16)
        e1c, e2c = e1v[sl], e2v[sl]
        ov = offs[...]
        p1 = r1v[sl]
        p2 = r2v[sl]
        for e in range(E):
            off_e = ov[e]
            p1 = p1 + jnp.where(e1c == e, off_e, 0)
            p2 = p2 + jnp.where(e2c == e, off_e, 0)
        p1v[sl] = p1
        p2v[sl] = p2
    pltpu.sync_copy(p1v, pos1_hbm.at[pl.ds(base, TPW)])
    pltpu.sync_copy(p2v, pos2_hbm.at[pl.ds(base, TPW)])

    cp_x.wait()
    c1 = pltpu.async_copy(xbuf, xs_hbm.at[p1v], sem)
    c2 = pltpu.async_copy(xbuf, xs_hbm.at[p2v], sem2)
    c1.wait()
    c2.wait()


def _gmm_body(bg_ref, bvalid_ref, xs_ref, eW_ref, cW1_ref, z_ref, cw1bf_ref):
    j = pl.program_id(0)

    @pl.when(j == 0)
    def _():
        cw1bf_ref[...] = cW1_ref[...].astype(jnp.bfloat16)

    @pl.when(bvalid_ref[0, j] == 1)
    def _():
        xb = _unpack_bf16_pair(xs_ref[...])
        y = jnp.dot(xb, eW_ref[0].astype(jnp.bfloat16),
                    preferred_element_type=jnp.float32)
        z = jnp.dot(y.astype(jnp.bfloat16), cw1bf_ref[...],
                    preferred_element_type=jnp.float32)
        z_ref[...] = _pack_bf16_pair(z.astype(jnp.bfloat16))


def _combine_body(pos1_hbm, pos2_hbm, z_hbm, zg0_hbm, zg1_hbm,
                  idx0, idx1, buf0, buf1, sem, sem2):
    wid = lax.axis_index("s") * 2 + lax.axis_index("c")
    base = wid * TPW
    hw = TPW // 2
    pltpu.sync_copy(pos1_hbm.at[pl.ds(base, TPW)], idx0)
    pltpu.sync_copy(pos2_hbm.at[pl.ds(base, TPW)], idx1)
    cA = pltpu.async_copy(z_hbm.at[idx0.at[pl.ds(0, hw)]], buf0, sem)
    cB = pltpu.async_copy(z_hbm.at[idx0.at[pl.ds(hw, hw)]], buf1, sem2)
    cA.wait()
    pltpu.sync_copy(buf0, zg0_hbm.at[pl.ds(base, hw)])
    cC = pltpu.async_copy(z_hbm.at[idx1.at[pl.ds(0, hw)]], buf0, sem)
    cB.wait()
    pltpu.sync_copy(buf1, zg0_hbm.at[pl.ds(base + hw, hw)])
    cD = pltpu.async_copy(z_hbm.at[idx1.at[pl.ds(hw, hw)]], buf1, sem2)
    cC.wait()
    pltpu.sync_copy(buf0, zg1_hbm.at[pl.ds(base, hw)])
    cD.wait()
    pltpu.sync_copy(buf1, zg1_hbm.at[pl.ds(base + hw, hw)])


def _classifier_body(zg0_ref, zg1_ref, w1_ref, w2_ref, comb_ref, eb_ref,
                     cW1_ref, cb1_ref, clng_ref, clnb_ref, cW2_ref, cb2_ref,
                     out_ref):
    ebW1 = jnp.dot(eb_ref[...], cW1_ref[...], preferred_element_type=jnp.float32)
    zg0 = _unpack_bf16_pair(zg0_ref[...]).astype(jnp.float32)
    zg1 = _unpack_bf16_pair(zg1_ref[...]).astype(jnp.float32)
    u = (zg0 * w1_ref[...] + zg1 * w2_ref[...]
         + jnp.dot(comb_ref[...], ebW1, preferred_element_type=jnp.float32)
         + cb1_ref[...])
    h = jax.nn.relu(_layernorm(u, clng_ref[...], clnb_ref[...]))
    out_ref[...] = jnp.dot(h, cW2_ref[...],
                           preferred_element_type=jnp.float32) + cb2_ref[...]


def _stage2_dispatch(counts, rt, xp):
    mesh = plsc.VectorSubcoreMesh(core_axis_name="c", subcore_axis_name="s")
    dispatch = functools.partial(
        pl.kernel, mesh=mesh,
        out_type=[
            jax.ShapeDtypeStruct((NPAD, H // 2), jnp.int32),
            jax.ShapeDtypeStruct((B,), jnp.int32),
            jax.ShapeDtypeStruct((B,), jnp.int32),
        ],
        scratch_types=[
            pltpu.VMEM((16,), jnp.int32),
            pltpu.VMEM((TPW,), jnp.int32),
            pltpu.VMEM((TPW,), jnp.int32),
            pltpu.VMEM((TPW,), jnp.int32),
            pltpu.VMEM((TPW,), jnp.int32),
            pltpu.VMEM((TPW,), jnp.int32),
            pltpu.VMEM((TPW,), jnp.int32),
            pltpu.VMEM((TPW, H // 2), jnp.int32),
            pltpu.SemaphoreType.DMA,
            pltpu.SemaphoreType.DMA,
        ],
    )(_dispatch_body)
    return dispatch(counts, rt, xp)


def _stage4_combine(pos1, pos2, z):
    mesh = plsc.VectorSubcoreMesh(core_axis_name="c", subcore_axis_name="s")
    combgather = functools.partial(
        pl.kernel, mesh=mesh,
        out_type=[
            jax.ShapeDtypeStruct((B, HG // 2), jnp.int32),
            jax.ShapeDtypeStruct((B, HG // 2), jnp.int32),
        ],
        scratch_types=[
            pltpu.VMEM((TPW,), jnp.int32),
            pltpu.VMEM((TPW,), jnp.int32),
            pltpu.VMEM((TPW // 2, HG // 2), jnp.int32),
            pltpu.VMEM((TPW // 2, HG // 2), jnp.int32),
            pltpu.SemaphoreType.DMA,
            pltpu.SemaphoreType.DMA,
        ],
    )(_combine_body)
    return combgather(pos1, pos2, z)


def kernel(x, gW1, gb1, gln_g, gln_b, gW2, gb2, eW, eb, cW1, cb1, cln_g, cln_b, cW2, cb2):
    nb1 = B // BM1
    full = lambda shape: pl.BlockSpec(shape, lambda i: (0,) * len(shape))

    (probs, combine, w1, w2, rt, bg, bvalid, counts, xp) = pl.pallas_call(
        _gating_body,
        grid=(nb1,),
        in_specs=[
            pl.BlockSpec((BM1, H), lambda i: (i, 0)),
            full((H, HG)), full((1, HG)), full((1, HG)), full((1, HG)),
            full((HG, E)), full((1, E)),
        ],
        out_specs=[
            pl.BlockSpec((BM1, E), lambda i: (i, 0)),
            pl.BlockSpec((BM1, E), lambda i: (i, 0)),
            pl.BlockSpec((BM1, 1), lambda i: (i, 0)),
            pl.BlockSpec((BM1, 1), lambda i: (i, 0)),
            pl.BlockSpec((4, BM1), lambda i: (0, i)),
            full((1, LANEPAD)), full((1, LANEPAD)), full((1, LANEPAD)),
            pl.BlockSpec((BM1, H // 2), lambda i: (i, 0)),
        ],
        out_shape=[
            jax.ShapeDtypeStruct((B, E), jnp.float32),
            jax.ShapeDtypeStruct((B, E), jnp.float32),
            jax.ShapeDtypeStruct((B, 1), jnp.float32),
            jax.ShapeDtypeStruct((B, 1), jnp.float32),
            jax.ShapeDtypeStruct((4, B), jnp.int32),
            jax.ShapeDtypeStruct((1, LANEPAD), jnp.int32),
            jax.ShapeDtypeStruct((1, LANEPAD), jnp.int32),
            jax.ShapeDtypeStruct((1, LANEPAD), jnp.int32),
            jax.ShapeDtypeStruct((B, H // 2), jnp.int32),
        ],
        scratch_shapes=[pltpu.VMEM((1, E), jnp.float32)],
        compiler_params=pltpu.CompilerParams(
            dimension_semantics=("arbitrary",)),
    )(x, gW1, gb1.reshape(1, HG), gln_g.reshape(1, HG), gln_b.reshape(1, HG),
      gW2, gb2.reshape(1, E))

    xs, pos1, pos2 = _stage2_dispatch(counts, rt, xp)

    z = pl.pallas_call(
        _gmm_body,
        grid_spec=pltpu.PrefetchScalarGridSpec(
            num_scalar_prefetch=2,
            grid=(NBLK,),
            in_specs=[
                pl.BlockSpec((BMG, H // 2), lambda j, bg, bv: (bv[0, j] * j, 0)),
                pl.BlockSpec((1, H, H), lambda j, bg, bv: (bg[0, j], 0, 0)),
                pl.BlockSpec((H, HG), lambda j, bg, bv: (0, 0)),
            ],
            out_specs=pl.BlockSpec(
                (BMG, HG // 2), lambda j, bg, bv: (jnp.where(bv[0, j] == 1, j, NBLK), 0)),
            scratch_shapes=[pltpu.VMEM((H, HG), jnp.bfloat16)],
        ),
        out_shape=jax.ShapeDtypeStruct(((NBLK + 1) * BMG, HG // 2), jnp.int32),
        compiler_params=pltpu.CompilerParams(
            dimension_semantics=("arbitrary",)),
    )(bg, bvalid, xs, eW, cW1)

    zg0, zg1 = _stage4_combine(pos1, pos2, z)

    nb5 = B // BM5
    logits = pl.pallas_call(
        _classifier_body,
        grid=(nb5,),
        in_specs=[
            pl.BlockSpec((BM5, HG // 2), lambda i: (i, 0)),
            pl.BlockSpec((BM5, HG // 2), lambda i: (i, 0)),
            pl.BlockSpec((BM5, 1), lambda i: (i, 0)),
            pl.BlockSpec((BM5, 1), lambda i: (i, 0)),
            pl.BlockSpec((BM5, E), lambda i: (i, 0)),
            full((E, H)),
            full((H, HG)), full((1, HG)), full((1, HG)), full((1, HG)),
            full((HG, C)), full((1, C)),
        ],
        out_specs=pl.BlockSpec((BM5, C), lambda i: (i, 0)),
        out_shape=jax.ShapeDtypeStruct((B, C), jnp.float32),
        compiler_params=pltpu.CompilerParams(
            dimension_semantics=("parallel",)),
    )(zg0, zg1, w1, w2, combine, eb,
      cW1, cb1.reshape(1, HG), cln_g.reshape(1, HG), cln_b.reshape(1, HG),
      cW2, cb2.reshape(1, C))

    return logits, probs

# --- scband reference (transcript-rebuilt; emitter-appended) ---
"""Pipeline reference for scband-mo-econtradiction-classifier-16149077033522 (READ-ONLY COPY).

The authoritative reference and input builder live on the scoring server;
editing this copy changes nothing except your own understanding.
"""

import jax, jax.numpy as jnp
import numpy as np

B, H, HG, E, K, C = 2048, 1024, 512, 8, 2, 3


def _ln(x, g, b):
    mu = jnp.mean(x, axis=-1, keepdims=True)
    var = jnp.var(x, axis=-1, keepdims=True)
    return (x - mu) / jnp.sqrt(var + 1e-5) * g + b


def setup_inputs(seed: int = 0) -> dict:
    key = jax.random.key(seed)
    ks = jax.random.split(key, 8)
    s = lambda k, sh: (jax.random.normal(k, sh, dtype=jnp.float32) * 0.02)
    return {
        'x': jax.random.normal(ks[0], (B, H), dtype=jnp.float32),
        'gW1': s(ks[1], (H, HG)), 'gb1': jnp.zeros((HG,), jnp.float32),
        'gln_g': jnp.ones((HG,), jnp.float32), 'gln_b': jnp.zeros((HG,), jnp.float32),
        'gW2': s(ks[2], (HG, E)), 'gb2': jnp.zeros((E,), jnp.float32),
        'eW': s(ks[3], (E, H, H)), 'eb': jnp.zeros((E, H), jnp.float32),
        'cW1': s(ks[4], (H, HG)), 'cb1': jnp.zeros((HG,), jnp.float32),
        'cln_g': jnp.ones((HG,), jnp.float32), 'cln_b': jnp.zeros((HG,), jnp.float32),
        'cW2': s(ks[5], (HG, C)), 'cb2': jnp.zeros((C,), jnp.float32),
    }


def reference(x, gW1, gb1, gln_g, gln_b, gW2, gb2, eW, eb, cW1, cb1, cln_g, cln_b, cW2, cb2):
    # Sparse gating network: Linear -> LayerNorm -> GELU -> Linear -> softmax
    h = jax.nn.gelu(_ln(x @ gW1 + gb1, gln_g, gln_b))
    gating_probs = jax.nn.softmax(h @ gW2 + gb2, axis=-1)
    # top-k expert selection (probs are NOT renormalized, matching torch code)
    top_v, top_i = jax.lax.top_k(gating_probs, K)  # [B,K]
    onehot = jax.nn.one_hot(top_i, E, dtype=x.dtype)  # [B,K,E]
    combine = jnp.sum(top_v[..., None] * onehot, axis=1)  # [B,E] gate weight per expert (0 if not selected)
    # Expert encoders (CLS-embedding producing transform per expert); dispatch realized as masked combine
    expert_out = jnp.einsum('bh,ehd->ebd', x, eW) + eb[:, None, :]  # [E,B,H]
    classifier_in = jnp.einsum('be,ebd->bd', combine, expert_out)  # weighted sum of selected experts' CLS embds
    # Classifier head: Linear -> LayerNorm -> ReLU -> Linear
    ch = jax.nn.relu(_ln(classifier_in @ cW1 + cb1, cln_g, cln_b))
    classifier_logits = ch @ cW2 + cb2
    return classifier_logits, gating_probs

if __name__ == "__main__":
    import jax
    _d = setup_inputs()
    print(jax.jit(kernel)(*tuple(_d.values())))

</pallas_src>

<mosaic_0001>
#map = affine_map<(d0, d1) -> (0, 0)>
#map1 = affine_map<(d0, d1) -> (0)>
module attributes {stable_mosaic.version = 14 : i64} {
  func.func @_dispatch_body(%arg0: i32, %arg1: i32, %arg2: memref<1x128xi32, #tpu.memory_space<hbm>>, %arg3: memref<4x2048xi32, #tpu.memory_space<hbm>>, %arg4: memref<2048x512xi32, #tpu.memory_space<hbm>>, %arg5: memref<8192x512xi32, #tpu.memory_space<hbm>>, %arg6: memref<2048xi32, #tpu.memory_space<hbm>>, %arg7: memref<2048xi32, #tpu.memory_space<hbm>>, %arg8: memref<16xi32, #tpu.memory_space<vmem>>, %arg9: memref<64xi32, #tpu.memory_space<vmem>>, %arg10: memref<64xi32, #tpu.memory_space<vmem>>, %arg11: memref<64xi32, #tpu.memory_space<vmem>>, %arg12: memref<64xi32, #tpu.memory_space<vmem>>, %arg13: memref<64xi32, #tpu.memory_space<vmem>>, %arg14: memref<64xi32, #tpu.memory_space<vmem>>, %arg15: memref<64x512xi32, #tpu.memory_space<vmem>>, %arg16: memref<!tpu.dma_semaphore, #tpu.memory_space<semaphore_mem>>, %arg17: memref<!tpu.dma_semaphore, #tpu.memory_space<semaphore_mem>>) attributes {dimension_semantics = [#tpu.dimension_semantics<core_parallel>, #tpu.dimension_semantics<subcore_parallel>], iteration_bounds = array<i64: 2, 16>, scalar_prefetch = 0 : i64, scratch_operands = 10 : i64, tpu.core_type = #tpu.core_type<sc_vector_subcore>, window_params = [{transform_indices = #map}, {transform_indices = #map}, {transform_indices = #map}, {transform_indices = #map}, {transform_indices = #map1}, {transform_indices = #map1}]} {
    %mul3A = arith.constant 2 : i32
    %mul3A_0 = arith.muli %arg1, %mul3A : i32
    %add3A = arith.addi %mul3A_0, %arg0 : i32
    %mul3A_1 = arith.constant 64 : i32
    %mul3A_2 = arith.muli %add3A, %mul3A_1 : i32
    %dma_start3A = arith.constant 0 : i32
    %dma_start3A_3 = tpu.memref_slice %arg4[%mul3A_2, %dma_start3A] : memref<2048x512xi32, #tpu.memory_space<hbm>> -> memref<64x512xi32, #tpu.memory_space<hbm>>
    %dma_start3A_4 = arith.constant 0 : i32
    %dma_start3A_5 = tpu.memref_slice %arg4[%mul3A_2, %dma_start3A_4] : memref<2048x512xi32, #tpu.memory_space<hbm>> -> memref<64x512xi32, #tpu.memory_space<hbm>>
    tpu.enqueue_dma source(%dma_start3A_5 : memref<64x512xi32, #tpu.memory_space<hbm>>) target(%arg15 : memref<64x512xi32, #tpu.memory_space<vmem>>) target_semaphore(%arg16 : memref<!tpu.dma_semaphore, #tpu.memory_space<semaphore_mem>>)
    %run_scoped3A = arith.constant 0 : i32
    "tpu.region"() ({
      %run_scoped3A_685 = tpu.sem_alloc : memref<!tpu.dma_semaphore, #tpu.memory_space<semaphore_mem>>
      %dma_start3A_686 = arith.constant 0 : i32
      %dma_start3A_687 = tpu.memref_slice %arg2[%run_scoped3A, %dma_start3A_686] : memref<1x128xi32, #tpu.memory_space<hbm>> -> memref<1x16xi32, #tpu.memory_space<hbm>>
      %dma_start3A_688 = tpu.memref_squeeze %dma_start3A_687 : memref<1x16xi32, #tpu.memory_space<hbm>> -> memref<16xi32, #tpu.memory_space<hbm>>
      %dma_start3A_689 = arith.constant 0 : i32
      %dma_start3A_690 = tpu.memref_slice %arg2[%run_scoped3A, %dma_start3A_689] : memref<1x128xi32, #tpu.memory_space<hbm>> -> memref<1x16xi32, #tpu.memory_space<hbm>>
      %dma_start3A_691 = tpu.memref_squeeze %dma_start3A_690 : memref<1x16xi32, #tpu.memory_space<hbm>> -> memref<16xi32, #tpu.memory_space<hbm>>
      tpu.enqueue_dma source(%dma_start3A_691 : memref<16xi32, #tpu.memory_space<hbm>>) target(%arg8 : memref<16xi32, #tpu.memory_space<vmem>>) target_semaphore(%run_scoped3A_685 : memref<!tpu.dma_semaphore, #tpu.memory_space<semaphore_mem>>)
      %dma_wait3A_692 = arith.constant 0 : i32
      %dma_wait3A_693 = tpu.memref_slice %arg2[%run_scoped3A, %dma_wait3A_692] : memref<1x128xi32, #tpu.memory_space<hbm>> -> memref<1x16xi32, #tpu.memory_space<hbm>>
      %dma_wait3A_694 = tpu.memref_squeeze %dma_wait3A_693 : memref<1x16xi32, #tpu.memory_space<hbm>> -> memref<16xi32, #tpu.memory_space<hbm>>
      %dma_wait3A_695 = arith.constant 0 : i32
      %dma_wait3A_696 = tpu.memref_slice %arg2[%run_scoped3A, %dma_wait3A_695] : memref<1x128xi32, #tpu.memory_space<hbm>> -> memref<1x16xi32, #tpu.memory_space<hbm>>
      %dma_wait3A_697 = tpu.memref_squeeze %dma_wait3A_696 : memref<1x16xi32, #tpu.memory_space<hbm>> -> memref<16xi32, #tpu.memory_space<hbm>>
      tpu.wait_dma2 semaphore(%run_scoped3A_685 : memref<!tpu.dma_semaphore, #tpu.memory_space<semaphore_mem>>) src(%dma_wait3A_697 : memref<16xi32, #tpu.memory_space<hbm>>) dst(%arg8 : memref<16xi32, #tpu.memory_space<vmem>>)
      tpu.yield
    }) : () -> ()
    %run_scoped3A_6 = arith.constant 0 : i32
    "tpu.region"() ({
      %run_scoped3A_685 = tpu.sem_alloc : memref<!tpu.dma_semaphore, #tpu.memory_space<semaphore_mem>>
      %dma_start3A_686 = tpu.memref_slice %arg3[%run_scoped3A_6, %mul3A_2] : memref<4x2048xi32, #tpu.memory_space<hbm>> -> memref<1x64xi32, #tpu.memory_space<hbm>>
      %dma_start3A_687 = tpu.memref_squeeze %dma_start3A_686 : memref<1x64xi32, #tpu.memory_space<hbm>> -> memref<64xi32, #tpu.memory_space<hbm>>
      %dma_start3A_688 = tpu.memref_slice %arg3[%run_scoped3A_6, %mul3A_2] : memref<4x2048xi32, #tpu.memory_space<hbm>> -> memref<1x64xi32, #tpu.memory_space<hbm>>
      %dma_start3A_689 = tpu.memref_squeeze %dma_start3A_688 : memref<1x64xi32, #tpu.memory_space<hbm>> -> memref<64xi32, #tpu.memory_space<hbm>>
      tpu.enqueue_dma source(%dma_start3A_689 : memref<64xi32, #tpu.memory_space<hbm>>) target(%arg9 : memref<64xi32, #tpu.memory_space<vmem>>) target_semaphore(%run_scoped3A_685 : memref<!tpu.dma_semaphore, #tpu.memory_space<semaphore_mem>>)
      %dma_wait3A_690 = tpu.memref_slice %arg3[%run_scoped3A_6, %mul3A_2] : memref<4x2048xi32, #tpu.memory_space<hbm>> -> memref<1x64xi32, #tpu.memory_space<hbm>>
      %dma_wait3A_691 = tpu.memref_squeeze %dma_wait3A_690 : memref<1x64xi32, #tpu.memory_space<hbm>> -> memref<64xi32, #tpu.memory_space<hbm>>
      %dma_wait3A_692 = tpu.memref_slice %arg3[%run_scoped3A_6, %mul3A_2] : memref<4x2048xi32, #tpu.memory_space<hbm>> -> memref<1x64xi32, #tpu.memory_space<hbm>>
      %dma_wait3A_693 = tpu.memref_squeeze %dma_wait3A_692 : memref<1x64xi32, #tpu.memory_space<hbm>> -> memref<64xi32, #tpu.memory_space<hbm>>
      tpu.wait_dma2 semaphore(%run_scoped3A_685 : memref<!tpu.dma_semaphore, #tpu.memory_space<semaphore_mem>>) src(%dma_wait3A_693 : memref<64xi32, #tpu.memory_space<hbm>>) dst(%arg9 : memref<64xi32, #tpu.memory_space<vmem>>)
      tpu.yield
    }) : () -> ()
    %run_scoped3A_7 = arith.constant 1 : i32
    "tpu.region"() ({
      %run_scoped3A_685 = tpu.sem_alloc : memref<!tpu.dma_semaphore, #tpu.memory_space<semaphore_mem>>
      %dma_start3A_686 = tpu.memref_slice %arg3[%run_scoped3A_7, %mul3A_2] : memref<4x2048xi32, #tpu.memory_space<hbm>> -> memref<1x64xi32, #tpu.memory_space<hbm>>
      %dma_start3A_687 = tpu.memref_squeeze %dma_start3A_686 : memref<1x64xi32, #tpu.memory_space<hbm>> -> memref<64xi32, #tpu.memory_space<hbm>>
      %dma_start3A_688 = tpu.memref_slice %arg3[%run_scoped3A_7, %mul3A_2] : memref<4x2048xi32, #tpu.memory_space<hbm>> -> memref<1x64xi32, #tpu.memory_space<hbm>>
      %dma_start3A_689 = tpu.memref_squeeze %dma_start3A_688 : memref<1x64xi32, #tpu.memory_space<hbm>> -> memref<64xi32, #tpu.memory_space<hbm>>
      tpu.enqueue_dma source(%dma_start3A_689 : memref<64xi32, #tpu.memory_space<hbm>>) target(%arg10 : memref<64xi32, #tpu.memory_space<vmem>>) target_semaphore(%run_scoped3A_685 : memref<!tpu.dma_semaphore, #tpu.memory_space<semaphore_mem>>)
      %dma_wait3A_690 = tpu.memref_slice %arg3[%run_scoped3A_7, %mul3A_2] : memref<4x2048xi32, #tpu.memory_space<hbm>> -> memref<1x64xi32, #tpu.memory_space<hbm>>
      %dma_wait3A_691 = tpu.memref_squeeze %dma_wait3A_690 : memref<1x64xi32, #tpu.memory_space<hbm>> -> memref<64xi32, #tpu.memory_space<hbm>>
      %dma_wait3A_692 = tpu.memref_slice %arg3[%run_scoped3A_7, %mul3A_2] : memref<4x2048xi32, #tpu.memory_space<hbm>> -> memref<1x64xi32, #tpu.memory_space<hbm>>
      %dma_wait3A_693 = tpu.memref_squeeze %dma_wait3A_692 : memref<1x64xi32, #tpu.memory_space<hbm>> -> memref<64xi32, #tpu.memory_space<hbm>>
      tpu.wait_dma2 semaphore(%run_scoped3A_685 : memref<!tpu.dma_semaphore, #tpu.memory_space<semaphore_mem>>) src(%dma_wait3A_693 : memref<64xi32, #tpu.memory_space<hbm>>) dst(%arg10 : memref<64xi32, #tpu.memory_space<vmem>>)
      tpu.yield
    }) : () -> ()
    %run_scoped3A_8 = arith.constant 2 : i32
    "tpu.region"() ({
      %run_scoped3A_685 = tpu.sem_alloc : memref<!tpu.dma_semaphore, #tpu.memory_space<semaphore_mem>>
      %dma_start3A_686 = tpu.memref_slice %arg3[%run_scoped3A_8, %mul3A_2] : memref<4x2048xi32, #tpu.memory_space<hbm>> -> memref<1x64xi32, #tpu.memory_space<hbm>>
      %dma_start3A_687 = tpu.memref_squeeze %dma_start3A_686 : memref<1x64xi32, #tpu.memory_space<hbm>> -> memref<64xi32, #tpu.memory_space<hbm>>
      %dma_start3A_688 = tpu.memref_slice %arg3[%run_scoped3A_8, %mul3A_2] : memref<4x2048xi32, #tpu.memory_space<hbm>> -> memref<1x64xi32, #tpu.memory_space<hbm>>
      %dma_start3A_689 = tpu.memref_squeeze %dma_start3A_688 : memref<1x64xi32, #tpu.memory_space<hbm>> -> memref<64xi32, #tpu.memory_space<hbm>>
      tpu.enqueue_dma source(%dma_start3A_689 : memref<64xi32, #tpu.memory_space<hbm>>) target(%arg11 : memref<64xi32, #tpu.memory_space<vmem>>) target_semaphore(%run_scoped3A_685 : memref<!tpu.dma_semaphore, #tpu.memory_space<semaphore_mem>>)
      %dma_wait3A_690 = tpu.memref_slice %arg3[%run_scoped3A_8, %mul3A_2] : memref<4x2048xi32, #tpu.memory_space<hbm>> -> memref<1x64xi32, #tpu.memory_space<hbm>>
      %dma_wait3A_691 = tpu.memref_squeeze %dma_wait3A_690 : memref<1x64xi32, #tpu.memory_space<hbm>> -> memref<64xi32, #tpu.memory_space<hbm>>
      %dma_wait3A_692 = tpu.memref_slice %arg3[%run_scoped3A_8, %mul3A_2] : memref<4x2048xi32, #tpu.memory_space<hbm>> -> memref<1x64xi32, #tpu.memory_space<hbm>>
      %dma_wait3A_693 = tpu.memref_squeeze %dma_wait3A_692 : memref<1x64xi32, #tpu.memory_space<hbm>> -> memref<64xi32, #tpu.memory_space<hbm>>
      tpu.wait_dma2 semaphore(%run_scoped3A_685 : memref<!tpu.dma_semaphore, #tpu.memory_space<semaphore_mem>>) src(%dma_wait3A_693 : memref<64xi32, #tpu.memory_space<hbm>>) dst(%arg11 : memref<64xi32, #tpu.memory_space<vmem>>)
      tpu.yield
    }) : () -> ()
    %run_scoped3A_9 = arith.constant 3 : i32
    "tpu.region"() ({
      %run_scoped3A_685 = tpu.sem_alloc : memref<!tpu.dma_semaphore, #tpu.memory_space<semaphore_mem>>
      %dma_start3A_686 = tpu.memref_slice %arg3[%run_scoped3A_9, %mul3A_2] : memref<4x2048xi32, #tpu.memory_space<hbm>> -> memref<1x64xi32, #tpu.memory_space<hbm>>
      %dma_start3A_687 = tpu.memref_squeeze %dma_start3A_686 : memref<1x64xi32, #tpu.memory_space<hbm>> -> memref<64xi32, #tpu.memory_space<hbm>>
      %dma_start3A_688 = tpu.memref_slice %arg3[%run_scoped3A_9, %mul3A_2] : memref<4x2048xi32, #tpu.memory_space<hbm>> -> memref<1x64xi32, #tpu.memory_space<hbm>>
      %dma_start3A_689 = tpu.memref_squeeze %dma_start3A_688 : memref<1x64xi32, #tpu.memory_space<hbm>> -> memref<64xi32, #tpu.memory_space<hbm>>
      tpu.enqueue_dma source(%dma_start3A_689 : memref<64xi32, #tpu.memory_space<hbm>>) target(%arg12 : memref<64xi32, #tpu.memory_space<vmem>>) target_semaphore(%run_scoped3A_685 : memref<!tpu.dma_semaphore, #tpu.memory_space<semaphore_mem>>)
      %dma_wait3A_690 = tpu.memref_slice %arg3[%run_scoped3A_9, %mul3A_2] : memref<4x2048xi32, #tpu.memory_space<hbm>> -> memref<1x64xi32, #tpu.memory_space<hbm>>
      %dma_wait3A_691 = tpu.memref_squeeze %dma_wait3A_690 : memref<1x64xi32, #tpu.memory_space<hbm>> -> memref<64xi32, #tpu.memory_space<hbm>>
      %dma_wait3A_692 = tpu.memref_slice %arg3[%run_scoped3A_9, %mul3A_2] : memref<4x2048xi32, #tpu.memory_space<hbm>> -> memref<1x64xi32, #tpu.memory_space<hbm>>
      %dma_wait3A_693 = tpu.memref_squeeze %dma_wait3A_692 : memref<1x64xi32, #tpu.memory_space<hbm>> -> memref<64xi32, #tpu.memory_space<hbm>>
      tpu.wait_dma2 semaphore(%run_scoped3A_685 : memref<!tpu.dma_semaphore, #tpu.memory_space<semaphore_mem>>) src(%dma_wait3A_693 : memref<64xi32, #tpu.memory_space<hbm>>) dst(%arg12 : memref<64xi32, #tpu.memory_space<vmem>>)
      tpu.yield
    }) : () -> ()
    %get3A = arith.constant 0 : index
    %get3A_10 = tpu.vector_load %arg9[%get3A] {strides = array<i32>} : memref<64xi32, #tpu.memory_space<vmem>>, vector<16xi32>,
    %get3A_11 = vector.shape_cast %get3A_10 : vector<16xi32> to vector<16xi32>
    %get3A_12 = arith.constant 0 : index
    %get3A_13 = tpu.vector_load %arg10[%get3A_12] {strides = array<i32>} : memref<64xi32, #tpu.memory_space<vmem>>, vector<16xi32>,
    %get3A_14 = vector.shape_cast %get3A_13 : vector<16xi32> to vector<16xi32>
    %get3A_15 = arith.constant 0 : index
    %get3A_16 = tpu.vector_load %arg8[%get3A_15] {strides = array<i32>} : memref<16xi32, #tpu.memory_space<vmem>>, vector<16xi32>,
    %get3A_17 = vector.shape_cast %get3A_16 : vector<16xi32> to vector<16xi32>
    %get3A_18 = arith.constant 0 : index
    %get3A_19 = tpu.vector_load %arg11[%get3A_18] {strides = array<i32>} : memref<64xi32, #tpu.memory_space<vmem>>, vector<16xi32>,
    %get3A_20 = vector.shape_cast %get3A_19 : vector<16xi32> to vector<16xi32>
    %get3A_21 = arith.constant 0 : index
    %get3A_22 = tpu.vector_load %arg12[%get3A_21] {strides = array<i32>} : memref<64xi32, #tpu.memory_space<vmem>>, vector<16xi32>,
    %get3A_23 = vector.shape_cast %get3A_22 : vector<16xi32> to vector<16xi32>
    %slice3A = vector.extract_strided_slice %get3A_17 {offsets = [0], sizes = [1], strides = [1]} : vector<16xi32> to vector<1xi32>
    %squeeze3A = vector.extract %slice3A[0] : i32 from vector<1xi32>
    %eq3A = arith.constant 0 : i32
    %eq3A_24 = vector.broadcast %eq3A : i32 to vector<16xi32>
    %eq3A_25 = arith.cmpi eq, %get3A_11, %eq3A_24 : vector<16xi32>
    %jit3A = arith.constant 0 : i32
    %broadcast_in_dim3A = vector.broadcast %squeeze3A : i32 to vector<16xi32>
    %broadcast_in_dim3A_26 = vector.broadcast %jit3A : i32 to vector<16xi32>
    %select_n3A = arith.select %eq3A_25, %broadcast_in_dim3A, %broadcast_in_dim3A_26 : vector<16xi1>, vector<16xi32>
    %add3A_27 = arith.addi %get3A_20, %select_n3A : vector<16xi32>
    %eq3A_28 = arith.constant 0 : i32
    %eq3A_29 = vector.broadcast %eq3A_28 : i32 to vector<16xi32>
    %eq3A_30 = arith.cmpi eq, %get3A_14, %eq3A_29 : vector<16xi32>
    %jit3A_31 = arith.constant 0 : i32
    %broadcast_in_dim3A_32 = vector.broadcast %squeeze3A : i32 to vector<16xi32>
    %broadcast_in_dim3A_33 = vector.broadcast %jit3A_31 : i32 to vector<16xi32>
    %select_n3A_34 = arith.select %eq3A_30, %broadcast_in_dim3A_32, %broadcast_in_dim3A_33 : vector<16xi1>, vector<16xi32>
    %add3A_35 = arith.addi %get3A_23, %select_n3A_34 : vector<16xi32>
    %slice3A_36 = vector.extract_strided_slice %get3A_17 {offsets = [1], sizes = [1], strides = [1]} : vector<16xi32> to vector<1xi32>
    %squeeze3A_37 = vector.extract %slice3A_36[0] : i32 from vector<1xi32>
    %eq3A_38 = arith.constant 1 : i32
    %eq3A_39 = vector.broadcast %eq3A_38 : i32 to vector<16xi32>
    %eq3A_40 = arith.cmpi eq, %get3A_11, %eq3A_39 : vector<16xi32>
    %jit3A_41 = arith.constant 0 : i32
    %broadcast_in_dim3A_42 = vector.broadcast %squeeze3A_37 : i32 to vector<16xi32>
    %broadcast_in_dim3A_43 = vector.broadcast %jit3A_41 : i32 to vector<16xi32>
    %select_n3A_44 = arith.select %eq3A_40, %broadcast_in_dim3A_42, %broadcast_in_dim3A_43 : vector<16xi1>, vector<16xi32>
    %add3A_45 = arith.addi %add3A_27, %select_n3A_44 : vector<16xi32>
    %eq3A_46 = arith.constant 1 : i32
    %eq3A_47 = vector.broadcast %eq3A_46 : i32 to vector<16xi32>
    %eq3A_48 = arith.cmpi eq, %get3A_14, %eq3A_47 : vector<16xi32>
    %jit3A_49 = arith.constant 0 : i32
    %broadcast_in_dim3A_50 = vector.broadcast %squeeze3A_37 : i32 to vector<16xi32>
    %broadcast_in_dim3A_51 = vector.broadcast %jit3A_49 : i32 to vector<16xi32>
    %select_n3A_52 = arith.select %eq3A_48, %broadcast_in_dim3A_50, %broadcast_in_dim3A_51 : vector<16xi1>, vector<16xi32>
    %add3A_53 = arith.addi %add3A_35, %select_n3A_52 : vector<16xi32>
    %slice3A_54 = vector.extract_strided_slice %get3A_17 {offsets = [2], sizes = [1], strides = [1]} : vector<16xi32> to vector<1xi32>
    %squeeze3A_55 = vector.extract %slice3A_54[0] : i32 from vector<1xi32>
    %eq3A_56 = arith.constant 2 : i32
    %eq3A_57 = vector.broadcast %eq3A_56 : i32 to vector<16xi32>
    %eq3A_58 = arith.cmpi eq, %get3A_11, %eq3A_57 : vector<16xi32>
    %jit3A_59 = arith.constant 0 : i32
    %broadcast_in_dim3A_60 = vector.broadcast %squeeze3A_55 : i32 to vector<16xi32>
    %broadcast_in_dim3A_61 = vector.broadcast %jit3A_59 : i32 to vector<16xi32>
    %select_n3A_62 = arith.select %eq3A_58, %broadcast_in_dim3A_60, %broadcast_in_dim3A_61 : vector<16xi1>, vector<16xi32>
    %add3A_63 = arith.addi %add3A_45, %select_n3A_62 : vector<16xi32>
    %eq3A_64 = arith.constant 2 : i32
    %eq3A_65 = vector.broadcast %eq3A_64 : i32 to vector<16xi32>
    %eq3A_66 = arith.cmpi eq, %get3A_14, %eq3A_65 : vector<16xi32>
    %jit3A_67 = arith.constant 0 : i32
    %broadcast_in_dim3A_68 = vector.broadcast %squeeze3A_55 : i32 to vector<16xi32>
    %broadcast_in_dim3A_69 = vector.broadcast %jit3A_67 : i32 to vector<16xi32>
    %select_n3A_70 = arith.select %eq3A_66, %broadcast_in_dim3A_68, %broadcast_in_dim3A_69 : vector<16xi1>, vector<16xi32>
    %add3A_71 = arith.addi %add3A_53, %select_n3A_70 : vector<16xi32>
    %slice3A_72 = vector.extract_strided_slice %get3A_17 {offsets = [3], sizes = [1], strides = [1]} : vector<16xi32> to vector<1xi32>
    %squeeze3A_73 = vector.extract %slice3A_72[0] : i32 from vector<1xi32>
    %eq3A_74 = arith.constant 3 : i32
    %eq3A_75 = vector.broadcast %eq3A_74 : i32 to vector<16xi32>
    %eq3A_76 = arith.cmpi eq, %get3A_11, %eq3A_75 : vector<16xi32>
    %jit3A_77 = arith.constant 0 : i32
    %broadcast_in_dim3A_78 = vector.broadcast %squeeze3A_73 : i32 to vector<16xi32>
    %broadcast_in_dim3A_79 = vector.broadcast %jit3A_77 : i32 to vector<16xi32>
    %select_n3A_80 = arith.select %eq3A_76, %broadcast_in_dim3A_78, %broadcast_in_dim3A_79 : vector<16xi1>, vector<16xi32>
    %add3A_81 = arith.addi %add3A_63, %select_n3A_80 : vector<16xi32>
    %eq3A_82 = arith.constant 3 : i32
    %eq3A_83 = vector.broadcast %eq3A_82 : i32 to vector<16xi32>
    %eq3A_84 = arith.cmpi eq, %get3A_14, %eq3A_83 : vector<16xi32>
    %jit3A_85 = arith.constant 0 : i32
    %broadcast_in_dim3A_86 = vector.broadcast %squeeze3A_73 : i32 to vector<16xi32>
    %broadcast_in_dim3A_87 = vector.broadcast %jit3A_85 : i32 to vector<16xi32>
    %select_n3A_88 = arith.select %eq3A_84, %broadcast_in_dim3A_86, %broadcast_in_dim3A_87 : vector<16xi1>, vector<16xi32>
    %add3A_89 = arith.addi %add3A_71, %select_n3A_88 : vector<16xi32>
    %slice3A_90 = vector.extract_strided_slice %get3A_17 {offsets = [4], sizes = [1], strides = [1]} : vector<16xi32> to vector<1xi32>
    %squeeze3A_91 = vector.extract %slice3A_90[0] : i32 from vector<1xi32>
    %eq3A_92 = arith.constant 4 : i32
    %eq3A_93 = vector.broadcast %eq3A_92 : i32 to vector<16xi32>
    %eq3A_94 = arith.cmpi eq, %get3A_11, %eq3A_93 : vector<16xi32>
    %jit3A_95 = arith.constant 0 : i32
    %broadcast_in_dim3A_96 = vector.broadcast %squeeze3A_91 : i32 to vector<16xi32>
    %broadcast_in_dim3A_97 = vector.broadcast %jit3A_95 : i32 to vector<16xi32>
    %select_n3A_98 = arith.select %eq3A_94, %broadcast_in_dim3A_96, %broadcast_in_dim3A_97 : vector<16xi1>, vector<16xi32>
    %add3A_99 = arith.addi %add3A_81, %select_n3A_98 : vector<16xi32>
    %eq3A_100 = arith.constant 4 : i32
    %eq3A_101 = vector.broadcast %eq3A_100 : i32 to vector<16xi32>
    %eq3A_102 = arith.cmpi eq, %get3A_14, %eq3A_101 : vector<16xi32>
    %jit3A_103 = arith.constant 0 : i32
    %broadcast_in_dim3A_104 = vector.broadcast %squeeze3A_91 : i32 to vector<16xi32>
    %broadcast_in_dim3A_105 = vector.broadcast %jit3A_103 : i32 to vector<16xi32>
    %select_n3A_106 = arith.select %eq3A_102, %broadcast_in_dim3A_104, %broadcast_in_dim3A_105 : vector<16xi1>, vector<16xi32>
    %add3A_107 = arith.addi %add3A_89, %select_n3A_106 : vector<16xi32>
    %slice3A_108 = vector.extract_strided_slice %get3A_17 {offsets = [5], sizes = [1], strides = [1]} : vector<16xi32> to vector<1xi32>
    %squeeze3A_109 = vector.extract %slice3A_108[0] : i32 from vector<1xi32>
    %eq3A_110 = arith.constant 5 : i32
    %eq3A_111 = vector.broadcast %eq3A_110 : i32 to vector<16xi32>
    %eq3A_112 = arith.cmpi eq, %get3A_11, %eq3A_111 : vector<16xi32>
    %jit3A_113 = arith.constant 0 : i32
    %broadcast_in_dim3A_114 = vector.broadcast %squeeze3A_109 : i32 to vector<16xi32>
    %broadcast_in_dim3A_115 = vector.broadcast %jit3A_113 : i32 to vector<16xi32>
    %select_n3A_116 = arith.select %eq3A_112, %broadcast_in_dim3A_114, %broadcast_in_dim3A_115 : vector<16xi1>, vector<16xi32>
    %add3A_117 = arith.addi %add3A_99, %select_n3A_116 : vector<16xi32>
    %eq3A_118 = arith.constant 5 : i32
    %eq3A_119 = vector.broadcast %eq3A_118 : i32 to vector<16xi32>
    %eq3A_120 = arith.cmpi eq, %get3A_14, %eq3A_119 : vector<16xi32>
    %jit3A_121 = arith.constant 0 : i32
    %broadcast_in_dim3A_122 = vector.broadcast %squeeze3A_109 : i32 to vector<16xi32>
    %broadcast_in_dim3A_123 = vector.broadcast %jit3A_121 : i32 to vector<16xi32>
    %select_n3A_124 = arith.select %eq3A_120, %broadcast_in_dim3A_122, %broadcast_in_dim3A_123 : vector<16xi1>, vector<16xi32>
    %add3A_125 = arith.addi %add3A_107, %select_n3A_124 : vector<16xi32>
    %slice3A_126 = vector.extract_strided_slice %get3A_17 {offsets = [6], sizes = [1], strides = [1]} : vector<16xi32> to vector<1xi32>
    %squeeze3A_127 = vector.extract %slice3A_126[0] : i32 from vector<1xi32>
    %eq3A_128 = arith.constant 6 : i32
    %eq3A_129 = vector.broadcast %eq3A_128 : i32 to vector<16xi32>
    %eq3A_130 = arith.cmpi eq, %get3A_11, %eq3A_129 : vector<16xi32>
    %jit3A_131 = arith.constant 0 : i32
    %broadcast_in_dim3A_132 = vector.broadcast %squeeze3A_127 : i32 to vector<16xi32>
    %broadcast_in_dim3A_133 = vector.broadcast %jit3A_131 : i32 to vector<16xi32>
    %select_n3A_134 = arith.select %eq3A_130, %broadcast_in_dim3A_132, %broadcast_in_dim3A_133 : vector<16xi1>, vector<16xi32>
    %add3A_135 = arith.addi %add3A_117, %select_n3A_134 : vector<16xi32>
    %eq3A_136 = arith.constant 6 : i32
    %eq3A_137 = vector.broadcast %eq3A_136 : i32 to vector<16xi32>
    %eq3A_138 = arith.cmpi eq, %get3A_14, %eq3A_137 : vector<16xi32>
    %jit3A_139 = arith.constant 0 : i32
    %broadcast_in_dim3A_140 = vector.broadcast %squeeze3A_127 : i32 to vector<16xi32>
    %broadcast_in_dim3A_141 = vector.broadcast %jit3A_139 : i32 to vector<16xi32>
    %select_n3A_142 = arith.select %eq3A_138, %broadcast_in_dim3A_140, %broadcast_in_dim3A_141 : vector<16xi1>, vector<16xi32>
    %add3A_143 = arith.addi %add3A_125, %select_n3A_142 : vector<16xi32>
    %slice3A_144 = vector.extract_strided_slice %get3A_17 {offsets = [7], sizes = [1], strides = [1]} : vector<16xi32> to vector<1xi32>
    %squeeze3A_145 = vector.extract %slice3A_144[0] : i32 from vector<1xi32>
    %eq3A_146 = arith.constant 7 : i32
    %eq3A_147 = vector.broadcast %eq3A_146 : i32 to vector<16xi32>
    %eq3A_148 = arith.cmpi eq, %get3A_11, %eq3A_147 : vector<16xi32>
    %jit3A_149 = arith.constant 0 : i32
    %broadcast_in_dim3A_150 = vector.broadcast %squeeze3A_145 : i32 to vector<16xi32>
    %broadcast_in_dim3A_151 = vector.broadcast %jit3A_149 : i32 to vector<16xi32>
    %select_n3A_152 = arith.select %eq3A_148, %broadcast_in_dim3A_150, %broadcast_in_dim3A_151 : vector<16xi1>, vector<16xi32>
    %add3A_153 = arith.addi %add3A_135, %select_n3A_152 : vector<16xi32>
    %eq3A_154 = arith.constant 7 : i32
    %eq3A_155 = vector.broadcast %eq3A_154 : i32 to vector<16xi32>
    %eq3A_156 = arith.cmpi eq, %get3A_14, %eq3A_155 : vector<16xi32>
    %jit3A_157 = arith.constant 0 : i32
    %broadcast_in_dim3A_158 = vector.broadcast %squeeze3A_145 : i32 to vector<16xi32>
    %broadcast_in_dim3A_159 = vector.broadcast %jit3A_157 : i32 to vector<16xi32>
    %select_n3A_160 = arith.select %eq3A_156, %broadcast_in_dim3A_158, %broadcast_in_dim3A_159 : vector<16xi1>, vector<16xi32>
    %add3A_161 = arith.addi %add3A_143, %select_n3A_160 : vector<16xi32>
    %swap3A = arith.constant 0 : index
    %swap3A_162 = tpu.vector_load %arg13[%swap3A] {strides = array<i32>} : memref<64xi32, #tpu.memory_space<vmem>>, vector<16xi32>,
    %swap3A_163 = vector.shape_cast %swap3A_162 : vector<16xi32> to vector<16xi32>
    %swap3A_164 = vector.shape_cast %add3A_153 : vector<16xi32> to vector<16xi32>
    tpu.vector_store %arg13[%swap3A], %swap3A_164 {strides = array<i32>} : memref<64xi32, #tpu.memory_space<vmem>>, vector<16xi32>,
    %swap3A_165 = arith.constant 0 : index
    %swap3A_166 = tpu.vector_load %arg14[%swap3A_165] {strides = array<i32>} : memref<64xi32, #tpu.memory_space<vmem>>, vector<16xi32>,
    %swap3A_167 = vector.shape_cast %swap3A_166 : vector<16xi32> to vector<16xi32>
    %swap3A_168 = vector.shape_cast %add3A_161 : vector<16xi32> to vector<16xi32>
    tpu.vector_store %arg14[%swap3A_165], %swap3A_168 {strides = array<i32>} : memref<64xi32, #tpu.memory_space<vmem>>, vector<16xi32>,
    %get3A_169 = arith.constant 16 : index
    %get3A_170 = tpu.vector_load %arg9[%get3A_169] {strides = array<i32>} : memref<64xi32, #tpu.memory_space<vmem>>, vector<16xi32>,
    %get3A_171 = vector.shape_cast %get3A_170 : vector<16xi32> to vector<16xi32>
    %get3A_172 = arith.constant 16 : index
    %get3A_173 = tpu.vector_load %arg10[%get3A_172] {strides = array<i32>} : memref<64xi32, #tpu.memory_space<vmem>>, vector<16xi32>,
    %get3A_174 = vector.shape_cast %get3A_173 : vector<16xi32> to vector<16xi32>
    %get3A_175 = arith.constant 0 : index
    %get3A_176 = tpu.vector_load %arg8[%get3A_175] {strides = array<i32>} : memref<16xi32, #tpu.memory_space<vmem>>, vector<16xi32>,
    %get3A_177 = vector.shape_cast %get3A_176 : vector<16xi32> to vector<16xi32>
    %get3A_178 = arith.constant 16 : index
    %get3A_179 = tpu.vector_load %arg11[%get3A_178] {strides = array<i32>} : memref<64xi32, #tpu.memory_space<vmem>>, vector<16xi32>,
    %get3A_180 = vector.shape_cast %get3A_179 : vector<16xi32> to vector<16xi32>
    %get3A_181 = arith.constant 16 : index
    %get3A_182 = tpu.vector_load %arg12[%get3A_181] {strides = array<i32>} : memref<64xi32, #tpu.memory_space<vmem>>, vector<16xi32>,
    %get3A_183 = vector.shape_cast %get3A_182 : vector<16xi32> to vector<16xi32>
    %slice3A_184 = vector.extract_strided_slice %get3A_177 {offsets = [0], sizes = [1], strides = [1]} : vector<16xi32> to vector<1xi32>
    %squeeze3A_185 = vector.extract %slice3A_184[0] : i32 from vector<1xi32>
    %eq3A_186 = arith.constant 0 : i32
    %eq3A_187 = vector.broadcast %eq3A_186 : i32 to vector<16xi32>
    %eq3A_188 = arith.cmpi eq, %get3A_171, %eq3A_187 : vector<16xi32>
    %jit3A_189 = arith.constant 0 : i32
    %broadcast_in_dim3A_190 = vector.broadcast %squeeze3A_185 : i32 to vector<16xi32>
    %broadcast_in_dim3A_191 = vector.broadcast %jit3A_189 : i32 to vector<16xi32>
    %select_n3A_192 = arith.select %eq3A_188, %broadcast_in_dim3A_190, %broadcast_in_dim3A_191 : vector<16xi1>, vector<16xi32>
    %add3A_193 = arith.addi %get3A_180, %select_n3A_192 : vector<16xi32>
    %eq3A_194 = arith.constant 0 : i32
    %eq3A_195 = vector.broadcast %eq3A_194 : i32 to vector<16xi32>
    %eq3A_196 = arith.cmpi eq, %get3A_174, %eq3A_195 : vector<16xi32>
    %jit3A_197 = arith.constant 0 : i32
    %broadcast_in_dim3A_198 = vector.broadcast %squeeze3A_185 : i32 to vector<16xi32>
    %broadcast_in_dim3A_199 = vector.broadcast %jit3A_197 : i32 to vector<16xi32>
    %select_n3A_200 = arith.select %eq3A_196, %broadcast_in_dim3A_198, %broadcast_in_dim3A_199 : vector<16xi1>, vector<16xi32>
    %add3A_201 = arith.addi %get3A_183, %select_n3A_200 : vector<16xi32>
    %slice3A_202 = vector.extract_strided_slice %get3A_177 {offsets = [1], sizes = [1], strides = [1]} : vector<16xi32> to vector<1xi32>
    %squeeze3A_203 = vector.extract %slice3A_202[0] : i32 from vector<1xi32>
    %eq3A_204 = arith.constant 1 : i32
    %eq3A_205 = vector.broadcast %eq3A_204 : i32 to vector<16xi32>
    %eq3A_206 = arith.cmpi eq, %get3A_171, %eq3A_205 : vector<16xi32>
    %jit3A_207 = arith.constant 0 : i32
    %broadcast_in_dim3A_208 = vector.broadcast %squeeze3A_203 : i32 to vector<16xi32>
    %broadcast_in_dim3A_209 = vector.broadcast %jit3A_207 : i32 to vector<16xi32>
    %select_n3A_210 = arith.select %eq3A_206, %broadcast_in_dim3A_208, %broadcast_in_dim3A_209 : vector<16xi1>, vector<16xi32>
    %add3A_211 = arith.addi %add3A_193, %select_n3A_210 : vector<16xi32>
    %eq3A_212 = arith.constant 1 : i32
    %eq3A_213 = vector.broadcast %eq3A_212 : i32 to vector<16xi32>
    %eq3A_214 = arith.cmpi eq, %get3A_174, %eq3A_213 : vector<16xi32>
    %jit3A_215 = arith.constant 0 : i32
    %broadcast_in_dim3A_216 = vector.broadcast %squeeze3A_203 : i32 to vector<16xi32>
    %broadcast_in_dim3A_217 = vector.broadcast %jit3A_215 : i32 to vector<16xi32>
    %select_n3A_218 = arith.select %eq3A_214, %broadcast_in_dim3A_216, %broadcast_in_dim3A_217 : vector<16xi1>, vector<16xi32>
    %add3A_219 = arith.addi %add3A_201, %select_n3A_218 : vector<16xi32>
    %slice3A_220 = vector.extract_strided_slice %get3A_177 {offsets = [2], sizes = [1], strides = [1]} : vector<16xi32> to vector<1xi32>
    %squeeze3A_221 = vector.extract %slice3A_220[0] : i32 from vector<1xi32>
    %eq3A_222 = arith.constant 2 : i32
    %eq3A_223 = vector.broadcast %eq3A_222 : i32 to vector<16xi32>
    %eq3A_224 = arith.cmpi eq, %get3A_171, %eq3A_223 : vector<16xi32>
    %jit3A_225 = arith.constant 0 : i32
    %broadcast_in_dim3A_226 = vector.broadcast %squeeze3A_221 : i32 to vector<16xi32>
    %broadcast_in_dim3A_227 = vector.broadcast %jit3A_225 : i32 to vector<16xi32>
    %select_n3A_228 = arith.select %eq3A_224, %broadcast_in_dim3A_226, %broadcast_in_dim3A_227 : vector<16xi1>, vector<16xi32>
    %add3A_229 = arith.addi %add3A_211, %select_n3A_228 : vector<16xi32>
    %eq3A_230 = arith.constant 2 : i32
    %eq3A_231 = vector.broadcast %eq3A_230 : i32 to vector<16xi32>
    %eq3A_232 = arith.cmpi eq, %get3A_174, %eq3A_231 : vector<16xi32>
    %jit3A_233 = arith.constant 0 : i32
    %broadcast_in_dim3A_234 = vector.broadcast %squeeze3A_221 : i32 to vector<16xi32>
    %broadcast_in_dim3A_235 = vector.broadcast %jit3A_233 : i32 to vector<16xi32>
    %select_n3A_236 = arith.select %eq3A_232, %broadcast_in_dim3A_234, %broadcast_in_dim3A_235 : vector<16xi1>, vector<16xi32>
    %add3A_237 = arith.addi %add3A_219, %select_n3A_236 : vector<16xi32>
    %slice3A_238 = vector.extract_strided_slice %get3A_177 {offsets = [3], sizes = [1], strides = [1]} : vector<16xi32> to vector<1xi32>
    %squeeze3A_239 = vector.extract %slice3A_238[0] : i32 from vector<1xi32>
    %eq3A_240 = arith.constant 3 : i32
    %eq3A_241 = vector.broadcast %eq3A_240 : i32 to vector<16xi32>
    %eq3A_242 = arith.cmpi eq, %get3A_171, %eq3A_241 : vector<16xi32>
    %jit3A_243 = arith.constant 0 : i32
    %broadcast_in_dim3A_244 = vector.broadcast %squeeze3A_239 : i32 to vector<16xi32>
    %broadcast_in_dim3A_245 = vector.broadcast %jit3A_243 : i32 to vector<16xi32>
    %select_n3A_246 = arith.select %eq3A_242, %broadcast_in_dim3A_244, %broadcast_in_dim3A_245 : vector<16xi1>, vector<16xi32>
    %add3A_247 = arith.addi %add3A_229, %select_n3A_246 : vector<16xi32>
    %eq3A_248 = arith.constant 3 : i32
    %eq3A_249 = vector.broadcast %eq3A_248 : i32 to vector<16xi32>
    %eq3A_250 = arith.cmpi eq, %get3A_174, %eq3A_249 : vector<16xi32>
    %jit3A_251 = arith.constant 0 : i32
    %broadcast_in_dim3A_252 = vector.broadcast %squeeze3A_239 : i32 to vector<16xi32>
    %broadcast_in_dim3A_253 = vector.broadcast %jit3A_251 : i32 to vector<16xi32>
    %select_n3A_254 = arith.select %eq3A_250, %broadcast_in_dim3A_252, %broadcast_in_dim3A_253 : vector<16xi1>, vector<16xi32>
    %add3A_255 = arith.addi %add3A_237, %select_n3A_254 : vector<16xi32>
    %slice3A_256 = vector.extract_strided_slice %get3A_177 {offsets = [4], sizes = [1], strides = [1]} : vector<16xi32> to vector<1xi32>
    %squeeze3A_257 = vector.extract %slice3A_256[0] : i32 from vector<1xi32>
    %eq3A_258 = arith.constant 4 : i32
    %eq3A_259 = vector.broadcast %eq3A_258 : i32 to vector<16xi32>
    %eq3A_260 = arith.cmpi eq, %get3A_171, %eq3A_259 : vector<16xi32>
    %jit3A_261 = arith.constant 0 : i32
    %broadcast_in_dim3A_262 = vector.broadcast %squeeze3A_257 : i32 to vector<16xi32>
    %broadcast_in_dim3A_263 = vector.broadcast %jit3A_261 : i32 to vector<16xi32>
    %select_n3A_264 = arith.select %eq3A_260, %broadcast_in_dim3A_262, %broadcast_in_dim3A_263 : vector<16xi1>, vector<16xi32>
    %add3A_265 = arith.addi %add3A_247, %select_n3A_264 : vector<16xi32>
    %eq3A_266 = arith.constant 4 : i32
    %eq3A_267 = vector.broadcast %eq3A_266 : i32 to vector<16xi32>
    %eq3A_268 = arith.cmpi eq, %get3A_174, %eq3A_267 : vector<16xi32>
    %jit3A_269 = arith.constant 0 : i32
    %broadcast_in_dim3A_270 = vector.broadcast %squeeze3A_257 : i32 to vector<16xi32>
    %broadcast_in_dim3A_271 = vector.broadcast %jit3A_269 : i32 to vector<16xi32>
    %select_n3A_272 = arith.select %eq3A_268, %broadcast_in_dim3A_270, %broadcast_in_dim3A_271 : vector<16xi1>, vector<16xi32>
    %add3A_273 = arith.addi %add3A_255, %select_n3A_272 : vector<16xi32>
    %slice3A_274 = vector.extract_strided_slice %get3A_177 {offsets = [5], sizes = [1], strides = [1]} : vector<16xi32> to vector<1xi32>
    %squeeze3A_275 = vector.extract %slice3A_274[0] : i32 from vector<1xi32>
    %eq3A_276 = arith.constant 5 : i32
    %eq3A_277 = vector.broadcast %eq3A_276 : i32 to vector<16xi32>
    %eq3A_278 = arith.cmpi eq, %get3A_171, %eq3A_277 : vector<16xi32>
    %jit3A_279 = arith.constant 0 : i32
    %broadcast_in_dim3A_280 = vector.broadcast %squeeze3A_275 : i32 to vector<16xi32>
    %broadcast_in_dim3A_281 = vector.broadcast %jit3A_279 : i32 to vector<16xi32>
    %select_n3A_282 = arith.select %eq3A_278, %broadcast_in_dim3A_280, %broadcast_in_dim3A_281 : vector<16xi1>, vector<16xi32>
    %add3A_283 = arith.addi %add3A_265, %select_n3A_282 : vector<16xi32>
    %eq3A_284 = arith.constant 5 : i32
    %eq3A_285 = vector.broadcast %eq3A_284 : i32 to vector<16xi32>
    %eq3A_286 = arith.cmpi eq, %get3A_174, %eq3A_285 : vector<16xi32>
    %jit3A_287 = arith.constant 0 : i32
    %broadcast_in_dim3A_288 = vector.broadcast %squeeze3A_275 : i32 to vector<16xi32>
    %broadcast_in_dim3A_289 = vector.broadcast %jit3A_287 : i32 to vector<16xi32>
    %select_n3A_290 = arith.select %eq3A_286, %broadcast_in_dim3A_288, %broadcast_in_dim3A_289 : vector<16xi1>, vector<16xi32>
    %add3A_291 = arith.addi %add3A_273, %select_n3A_290 : vector<16xi32>
    %slice3A_292 = vector.extract_strided_slice %get3A_177 {offsets = [6], sizes = [1], strides = [1]} : vector<16xi32> to vector<1xi32>
    %squeeze3A_293 = vector.extract %slice3A_292[0] : i32 from vector<1xi32>
    %eq3A_294 = arith.constant 6 : i32
    %eq3A_295 = vector.broadcast %eq3A_294 : i32 to vector<16xi32>
    %eq3A_296 = arith.cmpi eq, %get3A_171, %eq3A_295 : vector<16xi32>
    %jit3A_297 = arith.constant 0 : i32
    %broadcast_in_dim3A_298 = vector.broadcast %squeeze3A_293 : i32 to vector<16xi32>
    %broadcast_in_dim3A_299 = vector.broadcast %jit3A_297 : i32 to vector<16xi32>
    %select_n3A_300 = arith.select %eq3A_296, %broadcast_in_dim3A_298, %broadcast_in_dim3A_299 : vector<16xi1>, vector<16xi32>
    %add3A_301 = arith.addi %add3A_283, %select_n3A_300 : vector<16xi32>
    %eq3A_302 = arith.constant 6 : i32
    %eq3A_303 = vector.broadcast %eq3A_302 : i32 to vector<16xi32>
    %eq3A_304 = arith.cmpi eq, %get3A_174, %eq3A_303 : vector<16xi32>
    %jit3A_305 = arith.constant 0 : i32
    %broadcast_in_dim3A_306 = vector.broadcast %squeeze3A_293 : i32 to vector<16xi32>
    %broadcast_in_dim3A_307 = vector.broadcast %jit3A_305 : i32 to vector<16xi32>
    %select_n3A_308 = arith.select %eq3A_304, %broadcast_in_dim3A_306, %broadcast_in_dim3A_307 : vector<16xi1>, vector<16xi32>
    %add3A_309 = arith.addi %add3A_291, %select_n3A_308 : vector<16xi32>
    %slice3A_310 = vector.extract_strided_slice %get3A_177 {offsets = [7], sizes = [1], strides = [1]} : vector<16xi32> to vector<1xi32>
    %squeeze3A_311 = vector.extract %slice3A_310[0] : i32 from vector<1xi32>
    %eq3A_312 = arith.constant 7 : i32
    %eq3A_313 = vector.broadcast %eq3A_312 : i32 to vector<16xi32>
    %eq3A_314 = arith.cmpi eq, %get3A_171, %eq3A_313 : vector<16xi32>
    %jit3A_315 = arith.constant 0 : i32
    %broadcast_in_dim3A_316 = vector.broadcast %squeeze3A_311 : i32 to vector<16xi32>
    %broadcast_in_dim3A_317 = vector.broadcast %jit3A_315 : i32 to vector<16xi32>
    %select_n3A_318 = arith.select %eq3A_314, %broadcast_in_dim3A_316, %broadcast_in_dim3A_317 : vector<16xi1>, vector<16xi32>
    %add3A_319 = arith.addi %add3A_301, %select_n3A_318 : vector<16xi32>
    %eq3A_320 = arith.constant 7 : i32
    %eq3A_321 = vector.broadcast %eq3A_320 : i32 to vector<16xi32>
    %eq3A_322 = arith.cmpi eq, %get3A_174, %eq3A_321 : vector<16xi32>
    %jit3A_323 = arith.constant 0 : i32
    %broadcast_in_dim3A_324 = vector.broadcast %squeeze3A_311 : i32 to vector<16xi32>
    %broadcast_in_dim3A_325 = vector.broadcast %jit3A_323 : i32 to vector<16xi32>
    %select_n3A_326 = arith.select %eq3A_322, %broadcast_in_dim3A_324, %broadcast_in_dim3A_325 : vector<16xi1>, vector<16xi32>
    %add3A_327 = arith.addi %add3A_309, %select_n3A_326 : vector<16xi32>
    %swap3A_328 = arith.constant 16 : index
    %swap3A_329 = tpu.vector_load %arg13[%swap3A_328] {strides = array<i32>} : memref<64xi32, #tpu.memory_space<vmem>>, vector<16xi32>,
    %swap3A_330 = vector.shape_cast %swap3A_329 : vector<16xi32> to vector<16xi32>
    %swap3A_331 = vector.shape_cast %add3A_319 : vector<16xi32> to vector<16xi32>
    tpu.vector_store %arg13[%swap3A_328], %swap3A_331 {strides = array<i32>} : memref<64xi32, #tpu.memory_space<vmem>>, vector<16xi32>,
    %swap3A_332 = arith.constant 16 : index
    %swap3A_333 = tpu.vector_load %arg14[%swap3A_332] {strides = array<i32>} : memref<64xi32, #tpu.memory_space<vmem>>, vector<16xi32>,
    %swap3A_334 = vector.shape_cast %swap3A_333 : vector<16xi32> to vector<16xi32>
    %swap3A_335 = vector.shape_cast %add3A_327 : vector<16xi32> to vector<16xi32>
    tpu.vector_store %arg14[%swap3A_332], %swap3A_335 {strides = array<i32>} : memref<64xi32, #tpu.memory_space<vmem>>, vector<16xi32>,
    %get3A_336 = arith.constant 32 : index
    %get3A_337 = tpu.vector_load %arg9[%get3A_336] {strides = array<i32>} : memref<64xi32, #tpu.memory_space<vmem>>, vector<16xi32>,
    %get3A_338 = vector.shape_cast %get3A_337 : vector<16xi32> to vector<16xi32>
    %get3A_339 = arith.constant 32 : index
    %get3A_340 = tpu.vector_load %arg10[%get3A_339] {strides = array<i32>} : memref<64xi32, #tpu.memory_space<vmem>>, vector<16xi32>,
    %get3A_341 = vector.shape_cast %get3A_340 : vector<16xi32> to vector<16xi32>
    %get3A_342 = arith.constant 0 : index
    %get3A_343 = tpu.vector_load %arg8[%get3A_342] {strides = array<i32>} : memref<16xi32, #tpu.memory_space<vmem>>, vector<16xi32>,
    %get3A_344 = vector.shape_cast %get3A_343 : vector<16xi32> to vector<16xi32>
    %get3A_345 = arith.constant 32 : index
    %get3A_346 = tpu.vector_load %arg11[%get3A_345] {strides = array<i32>} : memref<64xi32, #tpu.memory_space<vmem>>, vector<16xi32>,
    %get3A_347 = vector.shape_cast %get3A_346 : vector<16xi32> to vector<16xi32>
    %get3A_348 = arith.constant 32 : index
    %get3A_349 = tpu.vector_load %arg12[%get3A_348] {strides = array<i32>} : memref<64xi32, #tpu.memory_space<vmem>>, vector<16xi32>,
    %get3A_350 = vector.shape_cast %get3A_349 : vector<16xi32> to vector<16xi32>
    %slice3A_351 = vector.extract_strided_slice %get3A_344 {offsets = [0], sizes = [1], strides = [1]} : vector<16xi32> to vector<1xi32>
    %squeeze3A_352 = vector.extract %slice3A_351[0] : i32 from vector<1xi32>
    %eq3A_353 = arith.constant 0 : i32
    %eq3A_354 = vector.broadcast %eq3A_353 : i32 to vector<16xi32>
    %eq3A_355 = arith.cmpi eq, %get3A_338, %eq3A_354 : vector<16xi32>
    %jit3A_356 = arith.constant 0 : i32
    %broadcast_in_dim3A_357 = vector.broadcast %squeeze3A_352 : i32 to vector<16xi32>
    %broadcast_in_dim3A_358 = vector.broadcast %jit3A_356 : i32 to vector<16xi32>
    %select_n3A_359 = arith.select %eq3A_355, %broadcast_in_dim3A_357, %broadcast_in_dim3A_358 : vector<16xi1>, vector<16xi32>
    %add3A_360 = arith.addi %get3A_347, %select_n3A_359 : vector<16xi32>
    %eq3A_361 = arith.constant 0 : i32
    %eq3A_362 = vector.broadcast %eq3A_361 : i32 to vector<16xi32>
    %eq3A_363 = arith.cmpi eq, %get3A_341, %eq3A_362 : vector<16xi32>
    %jit3A_364 = arith.constant 0 : i32
    %broadcast_in_dim3A_365 = vector.broadcast %squeeze3A_352 : i32 to vector<16xi32>
    %broadcast_in_dim3A_366 = vector.broadcast %jit3A_364 : i32 to vector<16xi32>
    %select_n3A_367 = arith.select %eq3A_363, %broadcast_in_dim3A_365, %broadcast_in_dim3A_366 : vector<16xi1>, vector<16xi32>
    %add3A_368 = arith.addi %get3A_350, %select_n3A_367 : vector<16xi32>
    %slice3A_369 = vector.extract_strided_slice %get3A_344 {offsets = [1], sizes = [1], strides = [1]} : vector<16xi32> to vector<1xi32>
    %squeeze3A_370 = vector.extract %slice3A_369[0] : i32 from vector<1xi32>
    %eq3A_371 = arith.constant 1 : i32
    %eq3A_372 = vector.broadcast %eq3A_371 : i32 to vector<16xi32>
    %eq3A_373 = arith.cmpi eq, %get3A_338, %eq3A_372 : vector<16xi32>
    %jit3A_374 = arith.constant 0 : i32
    %broadcast_in_dim3A_375 = vector.broadcast %squeeze3A_370 : i32 to vector<16xi32>
    %broadcast_in_dim3A_376 = vector.broadcast %jit3A_374 : i32 to vector<16xi32>
    %select_n3A_377 = arith.select %eq3A_373, %broadcast_in_dim3A_375, %broadcast_in_dim3A_376 : vector<16xi1>, vector<16xi32>
    %add3A_378 = arith.addi %add3A_360, %select_n3A_377 : vector<16xi32>
    %eq3A_379 = arith.constant 1 : i32
    %eq3A_380 = vector.broadcast %eq3A_379 : i32 to vector<16xi32>
    %eq3A_381 = arith.cmpi eq, %get3A_341, %eq3A_380 : vector<16xi32>
    %jit3A_382 = arith.constant 0 : i32
    %broadcast_in_dim3A_383 = vector.broadcast %squeeze3A_370 : i32 to vector<16xi32>
    %broadcast_in_dim3A_384 = vector.broadcast %jit3A_382 : i32 to vector<16xi32>
    %select_n3A_385 = arith.select %eq3A_381, %broadcast_in_dim3A_383, %broadcast_in_dim3A_384 : vector<16xi1>, vector<16xi32>
    %add3A_386 = arith.addi %add3A_368, %select_n3A_385 : vector<16xi32>
    %slice3A_387 = vector.extract_strided_slice %get3A_344 {offsets = [2], sizes = [1], strides = [1]} : vector<16xi32> to vector<1xi32>
    %squeeze3A_388 = vector.extract %slice3A_387[0] : i32 from vector<1xi32>
    %eq3A_389 = arith.constant 2 : i32
    %eq3A_390 = vector.broadcast %eq3A_389 : i32 to vector<16xi32>
    %eq3A_391 = arith.cmpi eq, %get3A_338, %eq3A_390 : vector<16xi32>
    %jit3A_392 = arith.constant 0 : i32
    %broadcast_in_dim3A_393 = vector.broadcast %squeeze3A_388 : i32 to vector<16xi32>
    %broadcast_in_dim3A_394 = vector.broadcast %jit3A_392 : i32 to vector<16xi32>
    %select_n3A_395 = arith.select %eq3A_391, %broadcast_in_dim3A_393, %broadcast_in_dim3A_394 : vector<16xi1>, vector<16xi32>
    %add3A_396 = arith.addi %add3A_378, %select_n3A_395 : vector<16xi32>
    %eq3A_397 = arith.constant 2 : i32
    %eq3A_398 = vector.broadcast %eq3A_397 : i32 to vector<16xi32>
    %eq3A_399 = arith.cmpi eq, %get3A_341, %eq3A_398 : vector<16xi32>
    %jit3A_400 = arith.constant 0 : i32
    %broadcast_in_dim3A_401 = vector.broadcast %squeeze3A_388 : i32 to vector<16xi32>
    %broadcast_in_dim3A_402 = vector.broadcast %jit3A_400 : i32 to vector<16xi32>
    %select_n3A_403 = arith.select %eq3A_399, %broadcast_in_dim3A_401, %broadcast_in_dim3A_402 : vector<16xi1>, vector<16xi32>
    %add3A_404 = arith.addi %add3A_386, %select_n3A_403 : vector<16xi32>
    %slice3A_405 = vector.extract_strided_slice %get3A_344 {offsets = [3], sizes = [1], strides = [1]} : vector<16xi32> to vector<1xi32>
    %squeeze3A_406 = vector.extract %slice3A_405[0] : i32 from vector<1xi32>
    %eq3A_407 = arith.constant 3 : i32
    %eq3A_408 = vector.broadcast %eq3A_407 : i32 to vector<16xi32>
    %eq3A_409 = arith.cmpi eq, %get3A_338, %eq3A_408 : vector<16xi32>
    %jit3A_410 = arith.constant 0 : i32
    %broadcast_in_dim3A_411 = vector.broadcast %squeeze3A_406 : i32 to vector<16xi32>
    %broadcast_in_dim3A_412 = vector.broadcast %jit3A_410 : i32 to vector<16xi32>
    %select_n3A_413 = arith.select %eq3A_409, %broadcast_in_dim3A_411, %broadcast_in_dim3A_412 : vector<16xi1>, vector<16xi32>
    %add3A_414 = arith.addi %add3A_396, %select_n3A_413 : vector<16xi32>
    %eq3A_415 = arith.constant 3 : i32
    %eq3A_416 = vector.broadcast %eq3A_415 : i32 to vector<16xi32>
    %eq3A_417 = arith.cmpi eq, %get3A_341, %eq3A_416 : vector<16xi32>
    %jit3A_418 = arith.constant 0 : i32
    %broadcast_in_dim3A_419 = vector.broadcast %squeeze3A_406 : i32 to vector<16xi32>
    %broadcast_in_dim3A_420 = vector.broadcast %jit3A_418 : i32 to vector<16xi32>
    %select_n3A_421 = arith.select %eq3A_417, %broadcast_in_dim3A_419, %broadcast_in_dim3A_420 : vector<16xi1>, vector<16xi32>
    %add3A_422 = arith.addi %add3A_404, %select_n3A_421 : vector<16xi32>
    %slice3A_423 = vector.extract_strided_slice %get3A_344 {offsets = [4], sizes = [1], strides = [1]} : vector<16xi32> to vector<1xi32>
    %squeeze3A_424 = vector.extract %slice3A_423[0] : i32 from vector<1xi32>
    %eq3A_425 = arith.constant 4 : i32
    %eq3A_426 = vector.broadcast %eq3A_425 : i32 to vector<16xi32>
    %eq3A_427 = arith.cmpi eq, %get3A_338, %eq3A_426 : vector<16xi32>
    %jit3A_428 = arith.constant 0 : i32
    %broadcast_in_dim3A_429 = vector.broadcast %squeeze3A_424 : i32 to vector<16xi32>
    %broadcast_in_dim3A_430 = vector.broadcast %jit3A_428 : i32 to vector<16xi32>
    %select_n3A_431 = arith.select %eq3A_427, %broadcast_in_dim3A_429, %broadcast_in_dim3A_430 : vector<16xi1>, vector<16xi32>
    %add3A_432 = arith.addi %add3A_414, %select_n3A_431 : vector<16xi32>
    %eq3A_433 = arith.constant 4 : i32
    %eq3A_434 = vector.broadcast %eq3A_433 : i32 to vector<16xi32>
    %eq3A_435 = arith.cmpi eq, %get3A_341, %eq3A_434 : vector<16xi32>
    %jit3A_436 = arith.constant 0 : i32
    %broadcast_in_dim3A_437 = vector.broadcast %squeeze3A_424 : i32 to vector<16xi32>
    %broadcast_in_dim3A_438 = vector.broadcast %jit3A_436 : i32 to vector<16xi32>
    %select_n3A_439 = arith.select %eq3A_435, %broadcast_in_dim3A_437, %broadcast_in_dim3A_438 : vector<16xi1>, vector<16xi32>
    %add3A_440 = arith.addi %add3A_422, %select_n3A_439 : vector<16xi32>
    %slice3A_441 = vector.extract_strided_slice %get3A_344 {offsets = [5], sizes = [1], strides = [1]} : vector<16xi32> to vector<1xi32>
    %squeeze3A_442 = vector.extract %slice3A_441[0] : i32 from vector<1xi32>
    %eq3A_443 = arith.constant 5 : i32
    %eq3A_444 = vector.broadcast %eq3A_443 : i32 to vector<16xi32>
    %eq3A_445 = arith.cmpi eq, %get3A_338, %eq3A_444 : vector<16xi32>
    %jit3A_446 = arith.constant 0 : i32
    %broadcast_in_dim3A_447 = vector.broadcast %squeeze3A_442 : i32 to vector<16xi32>
    %broadcast_in_dim3A_448 = vector.broadcast %jit3A_446 : i32 to vector<16xi32>
    %select_n3A_449 = arith.select %eq3A_445, %broadcast_in_dim3A_447, %broadcast_in_dim3A_448 : vector<16xi1>, vector<16xi32>
    %add3A_450 = arith.addi %add3A_432, %select_n3A_449 : vector<16xi32>
    %eq3A_451 = arith.constant 5 : i32
    %eq3A_452 = vector.broadcast %eq3A_451 : i32 to vector<16xi32>
    %eq3A_453 = arith.cmpi eq, %get3A_341, %eq3A_452 : vector<16xi32>
    %jit3A_454 = arith.constant 0 : i32
    %broadcast_in_dim3A_455 = vector.broadcast %squeeze3A_442 : i32 to vector<16xi32>
    %broadcast_in_dim3A_456 = vector.broadcast %jit3A_454 : i32 to vector<16xi32>
    %select_n3A_457 = arith.select %eq3A_453, %broadcast_in_dim3A_455, %broadcast_in_dim3A_456 : vector<16xi1>, vector<16xi32>
    %add3A_458 = arith.addi %add3A_440, %select_n3A_457 : vector<16xi32>
    %slice3A_459 = vector.extract_strided_slice %get3A_344 {offsets = [6], sizes = [1], strides = [1]} : vector<16xi32> to vector<1xi32>
    %squeeze3A_460 = vector.extract %slice3A_459[0] : i32 from vector<1xi32>
    %eq3A_461 = arith.constant 6 : i32
    %eq3A_462 = vector.broadcast %eq3A_461 : i32 to vector<16xi32>
    %eq3A_463 = arith.cmpi eq, %get3A_338, %eq3A_462 : vector<16xi32>
    %jit3A_464 = arith.constant 0 : i32
    %broadcast_in_dim3A_465 = vector.broadcast %squeeze3A_460 : i32 to vector<16xi32>
    %broadcast_in_dim3A_466 = vector.broadcast %jit3A_464 : i32 to vector<16xi32>
    %select_n3A_467 = arith.select %eq3A_463, %broadcast_in_dim3A_465, %broadcast_in_dim3A_466 : vector<16xi1>, vector<16xi32>
    %add3A_468 = arith.addi %add3A_450, %select_n3A_467 : vector<16xi32>
    %eq3A_469 = arith.constant 6 : i32
    %eq3A_470 = vector.broadcast %eq3A_469 : i32 to vector<16xi32>
    %eq3A_471 = arith.cmpi eq, %get3A_341, %eq3A_470 : vector<16xi32>
    %jit3A_472 = arith.constant 0 : i32
    %broadcast_in_dim3A_473 = vector.broadcast %squeeze3A_460 : i32 to vector<16xi32>
    %broadcast_in_dim3A_474 = vector.broadcast %jit3A_472 : i32 to vector<16xi32>
    %select_n3A_475 = arith.select %eq3A_471, %broadcast_in_dim3A_473, %broadcast_in_dim3A_474 : vector<16xi1>, vector<16xi32>
    %add3A_476 = arith.addi %add3A_458, %select_n3A_475 : vector<16xi32>
    %slice3A_477 = vector.extract_strided_slice %get3A_344 {offsets = [7], sizes = [1], strides = [1]} : vector<16xi32> to vector<1xi32>
    %squeeze3A_478 = vector.extract %slice3A_477[0] : i32 from vector<1xi32>
    %eq3A_479 = arith.constant 7 : i32
    %eq3A_480 = vector.broadcast %eq3A_479 : i32 to vector<16xi32>
    %eq3A_481 = arith.cmpi eq, %get3A_338, %eq3A_480 : vector<16xi32>
    %jit3A_482 = arith.constant 0 : i32
    %broadcast_in_dim3A_483 = vector.broadcast %squeeze3A_478 : i32 to vector<16xi32>
    %broadcast_in_dim3A_484 = vector.broadcast %jit3A_482 : i32 to vector<16xi32>
    %select_n3A_485 = arith.select %eq3A_481, %broadcast_in_dim3A_483, %broadcast_in_dim3A_484 : vector<16xi1>, vector<16xi32>
    %add3A_486 = arith.addi %add3A_468, %select_n3A_485 : vector<16xi32>
    %eq3A_487 = arith.constant 7 : i32
    %eq3A_488 = vector.broadcast %eq3A_487 : i32 to vector<16xi32>
    %eq3A_489 = arith.cmpi eq, %get3A_341, %eq3A_488 : vector<16xi32>
    %jit3A_490 = arith.constant 0 : i32
    %broadcast_in_dim3A_491 = vector.broadcast %squeeze3A_478 : i32 to vector<16xi32>
    %broadcast_in_dim3A_492 = vector.broadcast %jit3A_490 : i32 to vector<16xi32>
    %select_n3A_493 = arith.select %eq3A_489, %broadcast_in_dim3A_491, %broadcast_in_dim3A_492 : vector<16xi1>, vector<16xi32>
    %add3A_494 = arith.addi %add3A_476, %select_n3A_493 : vector<16xi32>
    %swap3A_495 = arith.constant 32 : index
    %swap3A_496 = tpu.vector_load %arg13[%swap3A_495] {strides = array<i32>} : memref<64xi32, #tpu.memory_space<vmem>>, vector<16xi32>,
    %swap3A_497 = vector.shape_cast %swap3A_496 : vector<16xi32> to vector<16xi32>
    %swap3A_498 = vector.shape_cast %add3A_486 : vector<16xi32> to vector<16xi32>
    tpu.vector_store %arg13[%swap3A_495], %swap3A_498 {strides = array<i32>} : memref<64xi32, #tpu.memory_space<vmem>>, vector<16xi32>,
    %swap3A_499 = arith.constant 32 : index
    %swap3A_500 = tpu.vector_load %arg14[%swap3A_499] {strides = array<i32>} : memref<64xi32, #tpu.memory_space<vmem>>, vector<16xi32>,
    %swap3A_501 = vector.shape_cast %swap3A_500 : vector<16xi32> to vector<16xi32>
    %swap3A_502 = vector.shape_cast %add3A_494 : vector<16xi32> to vector<16xi32>
    tpu.vector_store %arg14[%swap3A_499], %swap3A_502 {strides = array<i32>} : memref<64xi32, #tpu.memory_space<vmem>>, vector<16xi32>,
    %get3A_503 = arith.constant 48 : index
    %get3A_504 = tpu.vector_load %arg9[%get3A_503] {strides = array<i32>} : memref<64xi32, #tpu.memory_space<vmem>>, vector<16xi32>,
    %get3A_505 = vector.shape_cast %get3A_504 : vector<16xi32> to vector<16xi32>
    %get3A_506 = arith.constant 48 : index
    %get3A_507 = tpu.vector_load %arg10[%get3A_506] {strides = array<i32>} : memref<64xi32, #tpu.memory_space<vmem>>, vector<16xi32>,
    %get3A_508 = vector.shape_cast %get3A_507 : vector<16xi32> to vector<16xi32>
    %get3A_509 = arith.constant 0 : index
    %get3A_510 = tpu.vector_load %arg8[%get3A_509] {strides = array<i32>} : memref<16xi32, #tpu.memory_space<vmem>>, vector<16xi32>,
    %get3A_511 = vector.shape_cast %get3A_510 : vector<16xi32> to vector<16xi32>
    %get3A_512 = arith.constant 48 : index
    %get3A_513 = tpu.vector_load %arg11[%get3A_512] {strides = array<i32>} : memref<64xi32, #tpu.memory_space<vmem>>, vector<16xi32>,
    %get3A_514 = vector.shape_cast %get3A_513 : vector<16xi32> to vector<16xi32>
    %get3A_515 = arith.constant 48 : index
    %get3A_516 = tpu.vector_load %arg12[%get3A_515] {strides = array<i32>} : memref<64xi32, #tpu.memory_space<vmem>>, vector<16xi32>,
    %get3A_517 = vector.shape_cast %get3A_516 : vector<16xi32> to vector<16xi32>
    %slice3A_518 = vector.extract_strided_slice %get3A_511 {offsets = [0], sizes = [1], strides = [1]} : vector<16xi32> to vector<1xi32>
    %squeeze3A_519 = vector.extract %slice3A_518[0] : i32 from vector<1xi32>
    %eq3A_520 = arith.constant 0 : i32
    %eq3A_521 = vector.broadcast %eq3A_520 : i32 to vector<16xi32>
    %eq3A_522 = arith.cmpi eq, %get3A_505, %eq3A_521 : vector<16xi32>
    %jit3A_523 = arith.constant 0 : i32
    %broadcast_in_dim3A_524 = vector.broadcast %squeeze3A_519 : i32 to vector<16xi32>
    %broadcast_in_dim3A_525 = vector.broadcast %jit3A_523 : i32 to vector<16xi32>
    %select_n3A_526 = arith.select %eq3A_522, %broadcast_in_dim3A_524, %broadcast_in_dim3A_525 : vector<16xi1>, vector<16xi32>
    %add3A_527 = arith.addi %get3A_514, %select_n3A_526 : vector<16xi32>
    %eq3A_528 = arith.constant 0 : i32
    %eq3A_529 = vector.broadcast %eq3A_528 : i32 to vector<16xi32>
    %eq3A_530 = arith.cmpi eq, %get3A_508, %eq3A_529 : vector<16xi32>
    %jit3A_531 = arith.constant 0 : i32
    %broadcast_in_dim3A_532 = vector.broadcast %squeeze3A_519 : i32 to vector<16xi32>
    %broadcast_in_dim3A_533 = vector.broadcast %jit3A_531 : i32 to vector<16xi32>
    %select_n3A_534 = arith.select %eq3A_530, %broadcast_in_dim3A_532, %broadcast_in_dim3A_533 : vector<16xi1>, vector<16xi32>
    %add3A_535 = arith.addi %get3A_517, %select_n3A_534 : vector<16xi32>
    %slice3A_536 = vector.extract_strided_slice %get3A_511 {offsets = [1], sizes = [1], strides = [1]} : vector<16xi32> to vector<1xi32>
    %squeeze3A_537 = vector.extract %slice3A_536[0] : i32 from vector<1xi32>
    %eq3A_538 = arith.constant 1 : i32
    %eq3A_539 = vector.broadcast %eq3A_538 : i32 to vector<16xi32>
    %eq3A_540 = arith.cmpi eq, %get3A_505, %eq3A_539 : vector<16xi32>
    %jit3A_541 = arith.constant 0 : i32
    %broadcast_in_dim3A_542 = vector.broadcast %squeeze3A_537 : i32 to vector<16xi32>
    %broadcast_in_dim3A_543 = vector.broadcast %jit3A_541 : i32 to vector<16xi32>
    %select_n3A_544 = arith.select %eq3A_540, %broadcast_in_dim3A_542, %broadcast_in_dim3A_543 : vector<16xi1>, vector<16xi32>
    %add3A_545 = arith.addi %add3A_527, %select_n3A_544 : vector<16xi32>
    %eq3A_546 = arith.constant 1 : i32
    %eq3A_547 = vector.broadcast %eq3A_546 : i32 to vector<16xi32>
    %eq3A_548 = arith.cmpi eq, %get3A_508, %eq3A_547 : vector<16xi32>
    %jit3A_549 = arith.constant 0 : i32
    %broadcast_in_dim3A_550 = vector.broadcast %squeeze3A_537 : i32 to vector<16xi32>
    %broadcast_in_dim3A_551 = vector.broadcast %jit3A_549 : i32 to vector<16xi32>
    %select_n3A_552 = arith.select %eq3A_548, %broadcast_in_dim3A_550, %broadcast_in_dim3A_551 : vector<16xi1>, vector<16xi32>
    %add3A_553 = arith.addi %add3A_535, %select_n3A_552 : vector<16xi32>
    %slice3A_554 = vector.extract_strided_slice %get3A_511 {offsets = [2], sizes = [1], strides = [1]} : vector<16xi32> to vector<1xi32>
    %squeeze3A_555 = vector.extract %slice3A_554[0] : i32 from vector<1xi32>
    %eq3A_556 = arith.constant 2 : i32
    %eq3A_557 = vector.broadcast %eq3A_556 : i32 to vector<16xi32>
    %eq3A_558 = arith.cmpi eq, %get3A_505, %eq3A_557 : vector<16xi32>
    %jit3A_559 = arith.constant 0 : i32
    %broadcast_in_dim3A_560 = vector.broadcast %squeeze3A_555 : i32 to vector<16xi32>
    %broadcast_in_dim3A_561 = vector.broadcast %jit3A_559 : i32 to vector<16xi32>
    %select_n3A_562 = arith.select %eq3A_558, %broadcast_in_dim3A_560, %broadcast_in_dim3A_561 : vector<16xi1>, vector<16xi32>
    %add3A_563 = arith.addi %add3A_545, %select_n3A_562 : vector<16xi32>
    %eq3A_564 = arith.constant 2 : i32
    %eq3A_565 = vector.broadcast %eq3A_564 : i32 to vector<16xi32>
    %eq3A_566 = arith.cmpi eq, %get3A_508, %eq3A_565 : vector<16xi32>
    %jit3A_567 = arith.constant 0 : i32
    %broadcast_in_dim3A_568 = vector.broadcast %squeeze3A_555 : i32 to vector<16xi32>
    %broadcast_in_dim3A_569 = vector.broadcast %jit3A_567 : i32 to vector<16xi32>
    %select_n3A_570 = arith.select %eq3A_566, %broadcast_in_dim3A_568, %broadcast_in_dim3A_569 : vector<16xi1>, vector<16xi32>
    %add3A_571 = arith.addi %add3A_553, %select_n3A_570 : vector<16xi32>
    %slice3A_572 = vector.extract_strided_slice %get3A_511 {offsets = [3], sizes = [1], strides = [1]} : vector<16xi32> to vector<1xi32>
    %squeeze3A_573 = vector.extract %slice3A_572[0] : i32 from vector<1xi32>
    %eq3A_574 = arith.constant 3 : i32
    %eq3A_575 = vector.broadcast %eq3A_574 : i32 to vector<16xi32>
    %eq3A_576 = arith.cmpi eq, %get3A_505, %eq3A_575 : vector<16xi32>
    %jit3A_577 = arith.constant 0 : i32
    %broadcast_in_dim3A_578 = vector.broadcast %squeeze3A_573 : i32 to vector<16xi32>
    %broadcast_in_dim3A_579 = vector.broadcast %jit3A_577 : i32 to vector<16xi32>
    %select_n3A_580 = arith.select %eq3A_576, %broadcast_in_dim3A_578, %broadcast_in_dim3A_579 : vector<16xi1>, vector<16xi32>
    %add3A_581 = arith.addi %add3A_563, %select_n3A_580 : vector<16xi32>
    %eq3A_582 = arith.constant 3 : i32
    %eq3A_583 = vector.broadcast %eq3A_582 : i32 to vector<16xi32>
    %eq3A_584 = arith.cmpi eq, %get3A_508, %eq3A_583 : vector<16xi32>
    %jit3A_585 = arith.constant 0 : i32
    %broadcast_in_dim3A_586 = vector.broadcast %squeeze3A_573 : i32 to vector<16xi32>
    %broadcast_in_dim3A_587 = vector.broadcast %jit3A_585 : i32 to vector<16xi32>
    %select_n3A_588 = arith.select %eq3A_584, %broadcast_in_dim3A_586, %broadcast_in_dim3A_587 : vector<16xi1>, vector<16xi32>
    %add3A_589 = arith.addi %add3A_571, %select_n3A_588 : vector<16xi32>
    %slice3A_590 = vector.extract_strided_slice %get3A_511 {offsets = [4], sizes = [1], strides = [1]} : vector<16xi32> to vector<1xi32>
    %squeeze3A_591 = vector.extract %slice3A_590[0] : i32 from vector<1xi32>
    %eq3A_592 = arith.constant 4 : i32
    %eq3A_593 = vector.broadcast %eq3A_592 : i32 to vector<16xi32>
    %eq3A_594 = arith.cmpi eq, %get3A_505, %eq3A_593 : vector<16xi32>
    %jit3A_595 = arith.constant 0 : i32
    %broadcast_in_dim3A_596 = vector.broadcast %squeeze3A_591 : i32 to vector<16xi32>
    %broadcast_in_dim3A_597 = vector.broadcast %jit3A_595 : i32 to vector<16xi32>
    %select_n3A_598 = arith.select %eq3A_594, %broadcast_in_dim3A_596, %broadcast_in_dim3A_597 : vector<16xi1>, vector<16xi32>
    %add3A_599 = arith.addi %add3A_581, %select_n3A_598 : vector<16xi32>
    %eq3A_600 = arith.constant 4 : i32
    %eq3A_601 = vector.broadcast %eq3A_600 : i32 to vector<16xi32>
    %eq3A_602 = arith.cmpi eq, %get3A_508, %eq3A_601 : vector<16xi32>
    %jit3A_603 = arith.constant 0 : i32
    %broadcast_in_dim3A_604 = vector.broadcast %squeeze3A_591 : i32 to vector<16xi32>
    %broadcast_in_dim3A_605 = vector.broadcast %jit3A_603 : i32 to vector<16xi32>
    %select_n3A_606 = arith.select %eq3A_602, %broadcast_in_dim3A_604, %broadcast_in_dim3A_605 : vector<16xi1>, vector<16xi32>
    %add3A_607 = arith.addi %add3A_589, %select_n3A_606 : vector<16xi32>
    %slice3A_608 = vector.extract_strided_slice %get3A_511 {offsets = [5], sizes = [1], strides = [1]} : vector<16xi32> to vector<1xi32>
    %squeeze3A_609 = vector.extract %slice3A_608[0] : i32 from vector<1xi32>
    %eq3A_610 = arith.constant 5 : i32
    %eq3A_611 = vector.broadcast %eq3A_610 : i32 to vector<16xi32>
    %eq3A_612 = arith.cmpi eq, %get3A_505, %eq3A_611 : vector<16xi32>
    %jit3A_613 = arith.constant 0 : i32
    %broadcast_in_dim3A_614 = vector.broadcast %squeeze3A_609 : i32 to vector<16xi32>
    %broadcast_in_dim3A_615 = vector.broadcast %jit3A_613 : i32 to vector<16xi32>
    %select_n3A_616 = arith.select %eq3A_612, %broadcast_in_dim3A_614, %broadcast_in_dim3A_615 : vector<16xi1>, vector<16xi32>
    %add3A_617 = arith.addi %add3A_599, %select_n3A_616 : vector<16xi32>
    %eq3A_618 = arith.constant 5 : i32
    %eq3A_619 = vector.broadcast %eq3A_618 : i32 to vector<16xi32>
    %eq3A_620 = arith.cmpi eq, %get3A_508, %eq3A_619 : vector<16xi32>
    %jit3A_621 = arith.constant 0 : i32
    %broadcast_in_dim3A_622 = vector.broadcast %squeeze3A_609 : i32 to vector<16xi32>
    %broadcast_in_dim3A_623 = vector.broadcast %jit3A_621 : i32 to vector<16xi32>
    %select_n3A_624 = arith.select %eq3A_620, %broadcast_in_dim3A_622, %broadcast_in_dim3A_623 : vector<16xi1>, vector<16xi32>
    %add3A_625 = arith.addi %add3A_607, %select_n3A_624 : vector<16xi32>
    %slice3A_626 = vector.extract_strided_slice %get3A_511 {offsets = [6], sizes = [1], strides = [1]} : vector<16xi32> to vector<1xi32>
    %squeeze3A_627 = vector.extract %slice3A_626[0] : i32 from vector<1xi32>
    %eq3A_628 = arith.constant 6 : i32
    %eq3A_629 = vector.broadcast %eq3A_628 : i32 to vector<16xi32>
    %eq3A_630 = arith.cmpi eq, %get3A_505, %eq3A_629 : vector<16xi32>
    %jit3A_631 = arith.constant 0 : i32
    %broadcast_in_dim3A_632 = vector.broadcast %squeeze3A_627 : i32 to vector<16xi32>
    %broadcast_in_dim3A_633 = vector.broadcast %jit3A_631 : i32 to vector<16xi32>
    %select_n3A_634 = arith.select %eq3A_630, %broadcast_in_dim3A_632, %broadcast_in_dim3A_633 : vector<16xi1>, vector<16xi32>
    %add3A_635 = arith.addi %add3A_617, %select_n3A_634 : vector<16xi32>
    %eq3A_636 = arith.constant 6 : i32
    %eq3A_637 = vector.broadcast %eq3A_636 : i32 to vector<16xi32>
    %eq3A_638 = arith.cmpi eq, %get3A_508, %eq3A_637 : vector<16xi32>
    %jit3A_639 = arith.constant 0 : i32
    %broadcast_in_dim3A_640 = vector.broadcast %squeeze3A_627 : i32 to vector<16xi32>
    %broadcast_in_dim3A_641 = vector.broadcast %jit3A_639 : i32 to vector<16xi32>
    %select_n3A_642 = arith.select %eq3A_638, %broadcast_in_dim3A_640, %broadcast_in_dim3A_641 : vector<16xi1>, vector<16xi32>
    %add3A_643 = arith.addi %add3A_625, %select_n3A_642 : vector<16xi32>
    %slice3A_644 = vector.extract_strided_slice %get3A_511 {offsets = [7], sizes = [1], strides = [1]} : vector<16xi32> to vector<1xi32>
    %squeeze3A_645 = vector.extract %slice3A_644[0] : i32 from vector<1xi32>
    %eq3A_646 = arith.constant 7 : i32
    %eq3A_647 = vector.broadcast %eq3A_646 : i32 to vector<16xi32>
    %eq3A_648 = arith.cmpi eq, %get3A_505, %eq3A_647 : vector<16xi32>
    %jit3A_649 = arith.constant 0 : i32
    %broadcast_in_dim3A_650 = vector.broadcast %squeeze3A_645 : i32 to vector<16xi32>
    %broadcast_in_dim3A_651 = vector.broadcast %jit3A_649 : i32 to vector<16xi32>
    %select_n3A_652 = arith.select %eq3A_648, %broadcast_in_dim3A_650, %broadcast_in_dim3A_651 : vector<16xi1>, vector<16xi32>
    %add3A_653 = arith.addi %add3A_635, %select_n3A_652 : vector<16xi32>
    %eq3A_654 = arith.constant 7 : i32
    %eq3A_655 = vector.broadcast %eq3A_654 : i32 to vector<16xi32>
    %eq3A_656 = arith.cmpi eq, %get3A_508, %eq3A_655 : vector<16xi32>
    %jit3A_657 = arith.constant 0 : i32
    %broadcast_in_dim3A_658 = vector.broadcast %squeeze3A_645 : i32 to vector<16xi32>
    %broadcast_in_dim3A_659 = vector.broadcast %jit3A_657 : i32 to vector<16xi32>
    %select_n3A_660 = arith.select %eq3A_656, %broadcast_in_dim3A_658, %broadcast_in_dim3A_659 : vector<16xi1>, vector<16xi32>
    %add3A_661 = arith.addi %add3A_643, %select_n3A_660 : vector<16xi32>
    %swap3A_662 = arith.constant 48 : index
    %swap3A_663 = tpu.vector_load %arg13[%swap3A_662] {strides = array<i32>} : memref<64xi32, #tpu.memory_space<vmem>>, vector<16xi32>,
    %swap3A_664 = vector.shape_cast %swap3A_663 : vector<16xi32> to vector<16xi32>
    %swap3A_665 = vector.shape_cast %add3A_653 : vector<16xi32> to vector<16xi32>
    tpu.vector_store %arg13[%swap3A_662], %swap3A_665 {strides = array<i32>} : memref<64xi32, #tpu.memory_space<vmem>>, vector<16xi32>,
    %swap3A_666 = arith.constant 48 : index
    %swap3A_667 = tpu.vector_load %arg14[%swap3A_666] {strides = array<i32>} : memref<64xi32, #tpu.memory_space<vmem>>, vector<16xi32>,
    %swap3A_668 = vector.shape_cast %swap3A_667 : vector<16xi32> to vector<16xi32>
    %swap3A_669 = vector.shape_cast %add3A_661 : vector<16xi32> to vector<16xi32>
    tpu.vector_store %arg14[%swap3A_666], %swap3A_669 {strides = array<i32>} : memref<64xi32, #tpu.memory_space<vmem>>, vector<16xi32>,
    "tpu.region"() ({
      %run_scoped3A_685 = tpu.sem_alloc : memref<!tpu.dma_semaphore, #tpu.memory_space<semaphore_mem>>
      %dma_start3A_686 = tpu.memref_slice %arg6[%mul3A_2] : memref<2048xi32, #tpu.memory_space<hbm>> -> memref<64xi32, #tpu.memory_space<hbm>>
      %dma_start3A_687 = tpu.memref_slice %arg6[%mul3A_2] : memref<2048xi32, #tpu.memory_space<hbm>> -> memref<64xi32, #tpu.memory_space<hbm>>
      tpu.enqueue_dma source(%arg13 : memref<64xi32, #tpu.memory_space<vmem>>) target(%dma_start3A_687 : memref<64xi32, #tpu.memory_space<hbm>>) target_semaphore(%run_scoped3A_685 : memref<!tpu.dma_semaphore, #tpu.memory_space<semaphore_mem>>)
      %dma_wait3A_688 = tpu.memref_slice %arg6[%mul3A_2] : memref<2048xi32, #tpu.memory_space<hbm>> -> memref<64xi32, #tpu.memory_space<hbm>>
      %dma_wait3A_689 = tpu.memref_slice %arg6[%mul3A_2] : memref<2048xi32, #tpu.memory_space<hbm>> -> memref<64xi32, #tpu.memory_space<hbm>>
      tpu.wait_dma2 semaphore(%run_scoped3A_685 : memref<!tpu.dma_semaphore, #tpu.memory_space<semaphore_mem>>) src(%arg13 : memref<64xi32, #tpu.memory_space<vmem>>) dst(%dma_wait3A_689 : memref<64xi32, #tpu.memory_space<hbm>>)
      tpu.yield
    }) : () -> ()
    "tpu.region"() ({
      %run_scoped3A_685 = tpu.sem_alloc : memref<!tpu.dma_semaphore, #tpu.memory_space<semaphore_mem>>
      %dma_start3A_686 = tpu.memref_slice %arg7[%mul3A_2] : memref<2048xi32, #tpu.memory_space<hbm>> -> memref<64xi32, #tpu.memory_space<hbm>>
      %dma_start3A_687 = tpu.memref_slice %arg7[%mul3A_2] : memref<2048xi32, #tpu.memory_space<hbm>> -> memref<64xi32, #tpu.memory_space<hbm>>
      tpu.enqueue_dma source(%arg14 : memref<64xi32, #tpu.memory_space<vmem>>) target(%dma_start3A_687 : memref<64xi32, #tpu.memory_space<hbm>>) target_semaphore(%run_scoped3A_685 : memref<!tpu.dma_semaphore, #tpu.memory_space<semaphore_mem>>)
      %dma_wait3A_688 = tpu.memref_slice %arg7[%mul3A_2] : memref<2048xi32, #tpu.memory_space<hbm>> -> memref<64xi32, #tpu.memory_space<hbm>>
      %dma_wait3A_689 = tpu.memref_slice %arg7[%mul3A_2] : memref<2048xi32, #tpu.memory_space<hbm>> -> memref<64xi32, #tpu.memory_space<hbm>>
      tpu.wait_dma2 semaphore(%run_scoped3A_685 : memref<!tpu.dma_semaphore, #tpu.memory_space<semaphore_mem>>) src(%arg14 : memref<64xi32, #tpu.memory_space<vmem>>) dst(%dma_wait3A_689 : memref<64xi32, #tpu.memory_space<hbm>>)
      tpu.yield
    }) : () -> ()
    %dma_wait3A = arith.constant 0 : i32
    %dma_wait3A_670 = tpu.memref_slice %arg4[%mul3A_2, %dma_wait3A] : memref<2048x512xi32, #tpu.memory_space<hbm>> -> memref<64x512xi32, #tpu.memory_space<hbm>>
    %dma_wait3A_671 = arith.constant 0 : i32
    %dma_wait3A_672 = tpu.memref_slice %arg4[%mul3A_2, %dma_wait3A_671] : memref<2048x512xi32, #tpu.memory_space<hbm>> -> memref<64x512xi32, #tpu.memory_space<hbm>>
    tpu.wait_dma2 semaphore(%arg16 : memref<!tpu.dma_semaphore, #tpu.memory_space<semaphore_mem>>) src(%dma_wait3A_672 : memref<64x512xi32, #tpu.memory_space<hbm>>) dst(%arg15 : memref<64x512xi32, #tpu.memory_space<vmem>>)
    %dma_start3A_673 = arith.constant 0 : i32
    %dma_start3A_674 = arith.constant 0 : i32
    %dma_start3A_675 = tpu.memref_slice %arg5[%dma_start3A_673, %dma_start3A_674] : memref<8192x512xi32, #tpu.memory_space<hbm>> -> memref<8192x512xi32, #tpu.memory_space<hbm>>
    tpu.enqueue_indirect_dma source(%arg15 : memref<64x512xi32, #tpu.memory_space<vmem>>) target(%dma_start3A_675 : memref<8192x512xi32, #tpu.memory_space<hbm>>) offsets(%arg13 : memref<64xi32, #tpu.memory_space<vmem>>) semaphore(%arg16 : memref<!tpu.dma_semaphore, #tpu.memory_space<semaphore_mem>>)
    %dma_start3A_676 = arith.constant 0 : i32
    %dma_start3A_677 = arith.constant 0 : i32
    %dma_start3A_678 = tpu.memref_slice %arg5[%dma_start3A_676, %dma_start3A_677] : memref<8192x512xi32, #tpu.memory_space<hbm>> -> memref<8192x512xi32, #tpu.memory_space<hbm>>
    tpu.enqueue_indirect_dma source(%arg15 : memref<64x512xi32, #tpu.memory_space<vmem>>) target(%dma_start3A_678 : memref<8192x512xi32, #tpu.memory_space<hbm>>) offsets(%arg14 : memref<64xi32, #tpu.memory_space<vmem>>) semaphore(%arg17 : memref<!tpu.dma_semaphore, #tpu.memory_space<semaphore_mem>>)
    %dma_wait3A_679 = arith.constant 0 : i32
    %dma_wait3A_680 = arith.constant 0 : i32
    %dma_wait3A_681 = tpu.memref_slice %arg5[%dma_wait3A_679, %dma_wait3A_680] : memref<8192x512xi32, #tpu.memory_space<hbm>> -> memref<8192x512xi32, #tpu.memory_space<hbm>>
    tpu.wait_indirect_dma semaphore(%arg16 : memref<!tpu.dma_semaphore, #tpu.memory_space<semaphore_mem>>) src(%arg15 : memref<64x512xi32, #tpu.memory_space<vmem>>) dst(%dma_wait3A_681 : memref<8192x512xi32, #tpu.memory_space<hbm>>)
    %dma_wait3A_682 = arith.constant 0 : i32
    %dma_wait3A_683 = arith.constant 0 : i32
    %dma_wait3A_684 = tpu.memref_slice %arg5[%dma_wait3A_682, %dma_wait3A_683] : memref<8192x512xi32, #tpu.memory_space<hbm>> -> memref<8192x512xi32, #tpu.memory_space<hbm>>
    tpu.wait_indirect_dma semaphore(%arg17 : memref<!tpu.dma_semaphore, #tpu.memory_space<semaphore_mem>>) src(%arg15 : memref<64x512xi32, #tpu.memory_space<vmem>>) dst(%dma_wait3A_684 : memref<8192x512xi32, #tpu.memory_space<hbm>>)
    return
  }
}

#map = affine_map<(d0, d1) -> (0)>
#map1 = affine_map<(d0, d1) -> (0, 0)>
module attributes {stable_mosaic.version = 14 : i64} {
  func.func @_combine_body(%arg0: i32, %arg1: i32, %arg2: memref<2048xi32, #tpu.memory_space<hbm>>, %arg3: memref<2048xi32, #tpu.memory_space<hbm>>, %arg4: memref<8704x256xi32, #tpu.memory_space<hbm>>, %arg5: memref<2048x256xi32, #tpu.memory_space<hbm>>, %arg6: memref<2048x256xi32, #tpu.memory_space<hbm>>, %arg7: memref<64xi32, #tpu.memory_space<vmem>>, %arg8: memref<64xi32, #tpu.memory_space<vmem>>, %arg9: memref<32x256xi32, #tpu.memory_space<vmem>>, %arg10: memref<32x256xi32, #tpu.memory_space<vmem>>, %arg11: memref<!tpu.dma_semaphore, #tpu.memory_space<semaphore_mem>>, %arg12: memref<!tpu.dma_semaphore, #tpu.memory_space<semaphore_mem>>) attributes {dimension_semantics = [#tpu.dimension_semantics<core_parallel>, #tpu.dimension_semantics<subcore_parallel>], iteration_bounds = array<i64: 2, 16>, scalar_prefetch = 0 : i64, scratch_operands = 6 : i64, tpu.core_type = #tpu.core_type<sc_vector_subcore>, window_params = [{transform_indices = #map}, {transform_indices = #map}, {transform_indices = #map1}, {transform_indices = #map1}, {transform_indices = #map1}]} {
    %mul3A = arith.constant 2 : i32
    %mul3A_0 = arith.muli %arg1, %mul3A : i32
    %add3A = arith.addi %mul3A_0, %arg0 : i32
    %mul3A_1 = arith.constant 64 : i32
    %mul3A_2 = arith.muli %add3A, %mul3A_1 : i32
    "tpu.region"() ({
      %run_scoped3A = tpu.sem_alloc : memref<!tpu.dma_semaphore, #tpu.memory_space<semaphore_mem>>
      %dma_start3A_45 = tpu.memref_slice %arg2[%mul3A_2] : memref<2048xi32, #tpu.memory_space<hbm>> -> memref<64xi32, #tpu.memory_space<hbm>>
      %dma_start3A_46 = tpu.memref_slice %arg2[%mul3A_2] : memref<2048xi32, #tpu.memory_space<hbm>> -> memref<64xi32, #tpu.memory_space<hbm>>
      tpu.enqueue_dma source(%dma_start3A_46 : memref<64xi32, #tpu.memory_space<hbm>>) target(%arg7 : memref<64xi32, #tpu.memory_space<vmem>>) target_semaphore(%run_scoped3A : memref<!tpu.dma_semaphore, #tpu.memory_space<semaphore_mem>>)
      %dma_wait3A_47 = tpu.memref_slice %arg2[%mul3A_2] : memref<2048xi32, #tpu.memory_space<hbm>> -> memref<64xi32, #tpu.memory_space<hbm>>
      %dma_wait3A_48 = tpu.memref_slice %arg2[%mul3A_2] : memref<2048xi32, #tpu.memory_space<hbm>> -> memref<64xi32, #tpu.memory_space<hbm>>
      tpu.wait_dma2 semaphore(%run_scoped3A : memref<!tpu.dma_semaphore, #tpu.memory_space<semaphore_mem>>) src(%dma_wait3A_48 : memref<64xi32, #tpu.memory_space<hbm>>) dst(%arg7 : memref<64xi32, #tpu.memory_space<vmem>>)
      tpu.yield
    }) : () -> ()
    "tpu.region"() ({
      %run_scoped3A = tpu.sem_alloc : memref<!tpu.dma_semaphore, #tpu.memory_space<semaphore_mem>>
      %dma_start3A_45 = tpu.memref_slice %arg3[%mul3A_2] : memref<2048xi32, #tpu.memory_space<hbm>> -> memref<64xi32, #tpu.memory_space<hbm>>
      %dma_start3A_46 = tpu.memref_slice %arg3[%mul3A_2] : memref<2048xi32, #tpu.memory_space<hbm>> -> memref<64xi32, #tpu.memory_space<hbm>>
      tpu.enqueue_dma source(%dma_start3A_46 : memref<64xi32, #tpu.memory_space<hbm>>) target(%arg8 : memref<64xi32, #tpu.memory_space<vmem>>) target_semaphore(%run_scoped3A : memref<!tpu.dma_semaphore, #tpu.memory_space<semaphore_mem>>)
      %dma_wait3A_47 = tpu.memref_slice %arg3[%mul3A_2] : memref<2048xi32, #tpu.memory_space<hbm>> -> memref<64xi32, #tpu.memory_space<hbm>>
      %dma_wait3A_48 = tpu.memref_slice %arg3[%mul3A_2] : memref<2048xi32, #tpu.memory_space<hbm>> -> memref<64xi32, #tpu.memory_space<hbm>>
      tpu.wait_dma2 semaphore(%run_scoped3A : memref<!tpu.dma_semaphore, #tpu.memory_space<semaphore_mem>>) src(%dma_wait3A_48 : memref<64xi32, #tpu.memory_space<hbm>>) dst(%arg8 : memref<64xi32, #tpu.memory_space<vmem>>)
      tpu.yield
    }) : () -> ()
    %dma_start3A = arith.constant 0 : i32
    %dma_start3A_3 = tpu.memref_slice %arg7[%dma_start3A] : memref<64xi32, #tpu.memory_space<vmem>> -> memref<32xi32, #tpu.memory_space<vmem>>
    %dma_start3A_4 = arith.constant 0 : i32
    %dma_start3A_5 = arith.constant 0 : i32
    %dma_start3A_6 = tpu.memref_slice %arg4[%dma_start3A_4, %dma_start3A_5] : memref<8704x256xi32, #tpu.memory_space<hbm>> -> memref<8704x256xi32, #tpu.memory_space<hbm>>
    tpu.enqueue_indirect_dma source(%dma_start3A_6 : memref<8704x256xi32, #tpu.memory_space<hbm>>) target(%arg9 : memref<32x256xi32, #tpu.memory_space<vmem>>) offsets(%dma_start3A_3 : memref<32xi32, #tpu.memory_space<vmem>>) semaphore(%arg11 : memref<!tpu.dma_semaphore, #tpu.memory_space<semaphore_mem>>)
    %dma_start3A_7 = arith.constant 32 : i32
    %dma_start3A_8 = tpu.memref_slice %arg7[%dma_start3A_7] : memref<64xi32, #tpu.memory_space<vmem>> -> memref<32xi32, #tpu.memory_space<vmem>>
    %dma_start3A_9 = arith.constant 0 : i32
    %dma_start3A_10 = arith.constant 0 : i32
    %dma_start3A_11 = tpu.memref_slice %arg4[%dma_start3A_9, %dma_start3A_10] : memref<8704x256xi32, #tpu.memory_space<hbm>> -> memref<8704x256xi32, #tpu.memory_space<hbm>>
    tpu.enqueue_indirect_dma source(%dma_start3A_11 : memref<8704x256xi32, #tpu.memory_space<hbm>>) target(%arg10 : memref<32x256xi32, #tpu.memory_space<vmem>>) offsets(%dma_start3A_8 : memref<32xi32, #tpu.memory_space<vmem>>) semaphore(%arg12 : memref<!tpu.dma_semaphore, #tpu.memory_space<semaphore_mem>>)
    %dma_wait3A = arith.constant 0 : i32
    %dma_wait3A_12 = tpu.memref_slice %arg7[%dma_wait3A] : memref<64xi32, #tpu.memory_space<vmem>> -> memref<32xi32, #tpu.memory_space<vmem>>
    %dma_wait3A_13 = arith.constant 0 : i32
    %dma_wait3A_14 = arith.constant 0 : i32
    %dma_wait3A_15 = tpu.memref_slice %arg4[%dma_wait3A_13, %dma_wait3A_14] : memref<8704x256xi32, #tpu.memory_space<hbm>> -> memref<8704x256xi32, #tpu.memory_space<hbm>>
    tpu.wait_indirect_dma semaphore(%arg11 : memref<!tpu.dma_semaphore, #tpu.memory_space<semaphore_mem>>) src(%dma_wait3A_15 : memref<8704x256xi32, #tpu.memory_space<hbm>>) dst(%arg9 : memref<32x256xi32, #tpu.memory_space<vmem>>)
    "tpu.region"() ({
      %run_scoped3A = tpu.sem_alloc : memref<!tpu.dma_semaphore, #tpu.memory_space<semaphore_mem>>
      %dma_start3A_45 = arith.constant 0 : i32
      %dma_start3A_46 = tpu.memref_slice %arg5[%mul3A_2, %dma_start3A_45] : memref<2048x256xi32, #tpu.memory_space<hbm>> -> memref<32x256xi32, #tpu.memory_space<hbm>>
      %dma_start3A_47 = arith.constant 0 : i32
      %dma_start3A_48 = tpu.memref_slice %arg5[%mul3A_2, %dma_start3A_47] : memref<2048x256xi32, #tpu.memory_space<hbm>> -> memref<32x256xi32, #tpu.memory_space<hbm>>
      tpu.enqueue_dma source(%arg9 : memref<32x256xi32, #tpu.memory_space<vmem>>) target(%dma_start3A_48 : memref<32x256xi32, #tpu.memory_space<hbm>>) target_semaphore(%run_scoped3A : memref<!tpu.dma_semaphore, #tpu.memory_space<semaphore_mem>>)
      %dma_wait3A_49 = arith.constant 0 : i32
      %dma_wait3A_50 = tpu.memref_slice %arg5[%mul3A_2, %dma_wait3A_49] : memref<2048x256xi32, #tpu.memory_space<hbm>> -> memref<32x256xi32, #tpu.memory_space<hbm>>
      %dma_wait3A_51 = arith.constant 0 : i32
      %dma_wait3A_52 = tpu.memref_slice %arg5[%mul3A_2, %dma_wait3A_51] : memref<2048x256xi32, #tpu.memory_space<hbm>> -> memref<32x256xi32, #tpu.memory_space<hbm>>
      tpu.wait_dma2 semaphore(%run_scoped3A : memref<!tpu.dma_semaphore, #tpu.memory_space<semaphore_mem>>) src(%arg9 : memref<32x256xi32, #tpu.memory_space<vmem>>) dst(%dma_wait3A_52 : memref<32x256xi32, #tpu.memory_space<hbm>>)
      tpu.yield
    }) : () -> ()
    %dma_start3A_16 = arith.constant 0 : i32
    %dma_start3A_17 = tpu.memref_slice %arg8[%dma_start3A_16] : memref<64xi32, #tpu.memory_space<vmem>> -> memref<32xi32, #tpu.memory_space<vmem>>
    %dma_start3A_18 = arith.constant 0 : i32
    %dma_start3A_19 = arith.constant 0 : i32
    %dma_start3A_20 = tpu.memref_slice %arg4[%dma_start3A_18, %dma_start3A_19] : memref<8704x256xi32, #tpu.memory_space<hbm>> -> memref<8704x256xi32, #tpu.memory_space<hbm>>
    tpu.enqueue_indirect_dma source(%dma_start3A_20 : memref<8704x256xi32, #tpu.memory_space<hbm>>) target(%arg9 : memref<32x256xi32, #tpu.memory_space<vmem>>) offsets(%dma_start3A_17 : memref<32xi32, #tpu.memory_space<vmem>>) semaphore(%arg11 : memref<!tpu.dma_semaphore, #tpu.memory_space<semaphore_mem>>)
    %dma_wait3A_21 = arith.constant 32 : i32
    %dma_wait3A_22 = tpu.memref_slice %arg7[%dma_wait3A_21] : memref<64xi32, #tpu.memory_space<vmem>> -> memref<32xi32, #tpu.memory_space<vmem>>
    %dma_wait3A_23 = arith.constant 0 : i32
    %dma_wait3A_24 = arith.constant 0 : i32
    %dma_wait3A_25 = tpu.memref_slice %arg4[%dma_wait3A_23, %dma_wait3A_24] : memref<8704x256xi32, #tpu.memory_space<hbm>> -> memref<8704x256xi32, #tpu.memory_space<hbm>>
    tpu.wait_indirect_dma semaphore(%arg12 : memref<!tpu.dma_semaphore, #tpu.memory_space<semaphore_mem>>) src(%dma_wait3A_25 : memref<8704x256xi32, #tpu.memory_space<hbm>>) dst(%arg10 : memref<32x256xi32, #tpu.memory_space<vmem>>)
    %add3A_26 = arith.constant 32 : i32
    %add3A_27 = arith.addi %mul3A_2, %add3A_26 : i32
    "tpu.region"() ({
      %run_scoped3A = tpu.sem_alloc : memref<!tpu.dma_semaphore, #tpu.memory_space<semaphore_mem>>
      %dma_start3A_45 = arith.constant 0 : i32
      %dma_start3A_46 = tpu.memref_slice %arg5[%add3A_27, %dma_start3A_45] : memref<2048x256xi32, #tpu.memory_space<hbm>> -> memref<32x256xi32, #tpu.memory_space<hbm>>
      %dma_start3A_47 = arith.constant 0 : i32
      %dma_start3A_48 = tpu.memref_slice %arg5[%add3A_27, %dma_start3A_47] : memref<2048x256xi32, #tpu.memory_space<hbm>> -> memref<32x256xi32, #tpu.memory_space<hbm>>
      tpu.enqueue_dma source(%arg10 : memref<32x256xi32, #tpu.memory_space<vmem>>) target(%dma_start3A_48 : memref<32x256xi32, #tpu.memory_space<hbm>>) target_semaphore(%run_scoped3A : memref<!tpu.dma_semaphore, #tpu.memory_space<semaphore_mem>>)
      %dma_wait3A_49 = arith.constant 0 : i32
      %dma_wait3A_50 = tpu.memref_slice %arg5[%add3A_27, %dma_wait3A_49] : memref<2048x256xi32, #tpu.memory_space<hbm>> -> memref<32x256xi32, #tpu.memory_space<hbm>>
      %dma_wait3A_51 = arith.constant 0 : i32
      %dma_wait3A_52 = tpu.memref_slice %arg5[%add3A_27, %dma_wait3A_51] : memref<2048x256xi32, #tpu.memory_space<hbm>> -> memref<32x256xi32, #tpu.memory_space<hbm>>
      tpu.wait_dma2 semaphore(%run_scoped3A : memref<!tpu.dma_semaphore, #tpu.memory_space<semaphore_mem>>) src(%arg10 : memref<32x256xi32, #tpu.memory_space<vmem>>) dst(%dma_wait3A_52 : memref<32x256xi32, #tpu.memory_space<hbm>>)
      tpu.yield
    }) : () -> ()
    %dma_start3A_28 = arith.constant 32 : i32
    %dma_start3A_29 = tpu.memref_slice %arg8[%dma_start3A_28] : memref<64xi32, #tpu.memory_space<vmem>> -> memref<32xi32, #tpu.memory_space<vmem>>
    %dma_start3A_30 = arith.constant 0 : i32
    %dma_start3A_31 = arith.constant 0 : i32
    %dma_start3A_32 = tpu.memref_slice %arg4[%dma_start3A_30, %dma_start3A_31] : memref<8704x256xi32, #tpu.memory_space<hbm>> -> memref<8704x256xi32, #tpu.memory_space<hbm>>
    tpu.enqueue_indirect_dma source(%dma_start3A_32 : memref<8704x256xi32, #tpu.memory_space<hbm>>) target(%arg10 : memref<32x256xi32, #tpu.memory_space<vmem>>) offsets(%dma_start3A_29 : memref<32xi32, #tpu.memory_space<vmem>>) semaphore(%arg12 : memref<!tpu.dma_semaphore, #tpu.memory_space<semaphore_mem>>)
    %dma_wait3A_33 = arith.constant 0 : i32
    %dma_wait3A_34 = tpu.memref_slice %arg8[%dma_wait3A_33] : memref<64xi32, #tpu.memory_space<vmem>> -> memref<32xi32, #tpu.memory_space<vmem>>
    %dma_wait3A_35 = arith.constant 0 : i32
    %dma_wait3A_36 = arith.constant 0 : i32
    %dma_wait3A_37 = tpu.memref_slice %arg4[%dma_wait3A_35, %dma_wait3A_36] : memref<8704x256xi32, #tpu.memory_space<hbm>> -> memref<8704x256xi32, #tpu.memory_space<hbm>>
    tpu.wait_indirect_dma semaphore(%arg11 : memref<!tpu.dma_semaphore, #tpu.memory_space<semaphore_mem>>) src(%dma_wait3A_37 : memref<8704x256xi32, #tpu.memory_space<hbm>>) dst(%arg9 : memref<32x256xi32, #tpu.memory_space<vmem>>)
    "tpu.region"() ({
      %run_scoped3A = tpu.sem_alloc : memref<!tpu.dma_semaphore, #tpu.memory_space<semaphore_mem>>
      %dma_start3A_45 = arith.constant 0 : i32
      %dma_start3A_46 = tpu.memref_slice %arg6[%mul3A_2, %dma_start3A_45] : memref<2048x256xi32, #tpu.memory_space<hbm>> -> memref<32x256xi32, #tpu.memory_space<hbm>>
      %dma_start3A_47 = arith.constant 0 : i32
      %dma_start3A_48 = tpu.memref_slice %arg6[%mul3A_2, %dma_start3A_47] : memref<2048x256xi32, #tpu.memory_space<hbm>> -> memref<32x256xi32, #tpu.memory_space<hbm>>
      tpu.enqueue_dma source(%arg9 : memref<32x256xi32, #tpu.memory_space<vmem>>) target(%dma_start3A_48 : memref<32x256xi32, #tpu.memory_space<hbm>>) target_semaphore(%run_scoped3A : memref<!tpu.dma_semaphore, #tpu.memory_space<semaphore_mem>>)
      %dma_wait3A_49 = arith.constant 0 : i32
      %dma_wait3A_50 = tpu.memref_slice %arg6[%mul3A_2, %dma_wait3A_49] : memref<2048x256xi32, #tpu.memory_space<hbm>> -> memref<32x256xi32, #tpu.memory_space<hbm>>
      %dma_wait3A_51 = arith.constant 0 : i32
      %dma_wait3A_52 = tpu.memref_slice %arg6[%mul3A_2, %dma_wait3A_51] : memref<2048x256xi32, #tpu.memory_space<hbm>> -> memref<32x256xi32, #tpu.memory_space<hbm>>
      tpu.wait_dma2 semaphore(%run_scoped3A : memref<!tpu.dma_semaphore, #tpu.memory_space<semaphore_mem>>) src(%arg9 : memref<32x256xi32, #tpu.memory_space<vmem>>) dst(%dma_wait3A_52 : memref<32x256xi32, #tpu.memory_space<hbm>>)
      tpu.yield
    }) : () -> ()
    %dma_wait3A_38 = arith.constant 32 : i32
    %dma_wait3A_39 = tpu.memref_slice %arg8[%dma_wait3A_38] : memref<64xi32, #tpu.memory_space<vmem>> -> memref<32xi32, #tpu.memory_space<vmem>>
    %dma_wait3A_40 = arith.constant 0 : i32
    %dma_wait3A_41 = arith.constant 0 : i32
    %dma_wait3A_42 = tpu.memref_slice %arg4[%dma_wait3A_40, %dma_wait3A_41] : memref<8704x256xi32, #tpu.memory_space<hbm>> -> memref<8704x256xi32, #tpu.memory_space<hbm>>
    tpu.wait_indirect_dma semaphore(%arg12 : memref<!tpu.dma_semaphore, #tpu.memory_space<semaphore_mem>>) src(%dma_wait3A_42 : memref<8704x256xi32, #tpu.memory_space<hbm>>) dst(%arg10 : memref<32x256xi32, #tpu.memory_space<vmem>>)
    %add3A_43 = arith.constant 32 : i32
    %add3A_44 = arith.addi %mul3A_2, %add3A_43 : i32
    "tpu.region"() ({
      %run_scoped3A = tpu.sem_alloc : memref<!tpu.dma_semaphore, #tpu.memory_space<semaphore_mem>>
      %dma_start3A_45 = arith.constant 0 : i32
      %dma_start3A_46 = tpu.memref_slice %arg6[%add3A_44, %dma_start3A_45] : memref<2048x256xi32, #tpu.memory_space<hbm>> -> memref<32x256xi32, #tpu.memory_space<hbm>>
      %dma_start3A_47 = arith.constant 0 : i32
      %dma_start3A_48 = tpu.memref_slice %arg6[%add3A_44, %dma_start3A_47] : memref<2048x256xi32, #tpu.memory_space<hbm>> -> memref<32x256xi32, #tpu.memory_space<hbm>>
      tpu.enqueue_dma source(%arg10 : memref<32x256xi32, #tpu.memory_space<vmem>>) target(%dma_start3A_48 : memref<32x256xi32, #tpu.memory_space<hbm>>) target_semaphore(%run_scoped3A : memref<!tpu.dma_semaphore, #tpu.memory_space<semaphore_mem>>)
      %dma_wait3A_49 = arith.constant 0 : i32
      %dma_wait3A_50 = tpu.memref_slice %arg6[%add3A_44, %dma_wait3A_49] : memref<2048x256xi32, #tpu.memory_space<hbm>> -> memref<32x256xi32, #tpu.memory_space<hbm>>
      %dma_wait3A_51 = arith.constant 0 : i32
      %dma_wait3A_52 = tpu.memref_slice %arg6[%add3A_44, %dma_wait3A_51] : memref<2048x256xi32, #tpu.memory_space<hbm>> -> memref<32x256xi32, #tpu.memory_space<hbm>>
      tpu.wait_dma2 semaphore(%run_scoped3A : memref<!tpu.dma_semaphore, #tpu.memory_space<semaphore_mem>>) src(%arg10 : memref<32x256xi32, #tpu.memory_space<vmem>>) dst(%dma_wait3A_52 : memref<32x256xi32, #tpu.memory_space<hbm>>)
      tpu.yield
    }) : () -> ()
    return
  }
}

module attributes {stable_mosaic.version = 14 : i64} {
  func.func @_gating_body(%arg0: i32, %arg1: memref<512x1024xf32, #tpu.memory_space<vmem>>, %arg2: memref<1024x512xf32, #tpu.memory_space<vmem>>, %arg3: memref<1x512xf32, #tpu.memory_space<vmem>>, %arg4: memref<1x512xf32, #tpu.memory_space<vmem>>, %arg5: memref<1x512xf32, #tpu.memory_space<vmem>>, %arg6: memref<512x8xf32, #tpu.memory_space<vmem>>, %arg7: memref<1x8xf32, #tpu.memory_space<vmem>>, %arg8: memref<512x8xf32, #tpu.memory_space<vmem>>, %arg9: memref<512x8xf32, #tpu.memory_space<vmem>>, %arg10: memref<512x1xf32, #tpu.memory_space<vmem>>, %arg11: memref<512x1xf32, #tpu.memory_space<vmem>>, %arg12: memref<4x512xi32, #tpu.memory_space<vmem>>, %arg13: memref<1x128xi32, #tpu.memory_space<vmem>>, %arg14: memref<1x128xi32, #tpu.memory_space<vmem>>, %arg15: memref<1x128xi32, #tpu.memory_space<vmem>>, %arg16: memref<512x512xi32, #tpu.memory_space<vmem>>, %arg17: memref<1x8xf32, #tpu.memory_space<vmem>>) attributes {dimension_semantics = [#tpu.dimension_semantics<arbitrary>], iteration_bounds = array<i64: 4>, scalar_prefetch = 0 : i64, scratch_operands = 1 : i64, tpu.core_type = #tpu.core_type<tc>, window_params = [{transform_indices = @transform_0, window_bounds = array<i64: 512, 1024>}, {pipeline_mode = #tpu.pipeline_mode<synchronous>, transform_indices = @transform_1, window_bounds = array<i64: 1024, 512>}, {pipeline_mode = #tpu.pipeline_mode<synchronous>, transform_indices = @transform_2, window_bounds = array<i64: 1, 512>}, {pipeline_mode = #tpu.pipeline_mode<synchronous>, transform_indices = @transform_3, window_bounds = array<i64: 1, 512>}, {pipeline_mode = #tpu.pipeline_mode<synchronous>, transform_indices = @transform_4, window_bounds = array<i64: 1, 512>}, {pipeline_mode = #tpu.pipeline_mode<synchronous>, transform_indices = @transform_5, window_bounds = array<i64: 512, 8>}, {pipeline_mode = #tpu.pipeline_mode<synchronous>, transform_indices = @transform_6, window_bounds = array<i64: 1, 8>}, {transform_indices = @transform_7, window_bounds = array<i64: 512, 8>}, {transform_indices = @transform_8, window_bounds = array<i64: 512, 8>}, {transform_indices = @transform_9, window_bounds = array<i64: 512, 1>}, {transform_indices = @transform_10, window_bounds = array<i64: 512, 1>}, {transform_indices = @transform_11, window_bounds = array<i64: 4, 512>}, {pipeline_mode = #tpu.pipeline_mode<synchronous>, transform_indices = @transform_12, window_bounds = array<i64: 1, 128>}, {pipeline_mode = #tpu.pipeline_mode<synchronous>, transform_indices = @transform_13, window_bounds = array<i64: 1, 128>}, {pipeline_mode = #tpu.pipeline_mode<synchronous>, transform_indices = @transform_14, window_bounds = array<i64: 1, 128>}, {transform_indices = @transform_15, window_bounds = array<i64: 512, 512>}]} {
    %eq3A = arith.constant 0 : i32
    %eq3A_0 = arith.cmpi eq, %arg0, %eq3A : i32
    %convert_element_type3A = arith.extui %eq3A_0 : i1 to i32
    %cond3A = arith.constant 0 : i32
    %cond3A_1 = arith.cmpi ne, %convert_element_type3A, %cond3A : i32
    scf.if %cond3A_1 {
      %broadcast_in_dim3A_435 = arith.constant 0.000000e+00 : f32
      %broadcast_in_dim3A_436 = vector.broadcast %broadcast_in_dim3A_435 : f32 to vector<1x8xf32>
      %swap3A_437 = arith.constant 0 : index
      %swap3A_438 = arith.constant 0 : index
      %swap3A_439 = vector.load %arg17[%swap3A_437, %swap3A_438] : memref<1x8xf32, #tpu.memory_space<vmem>>, vector<1x8xf32>
      tpu.vector_store %arg17[%swap3A_437, %swap3A_438], %broadcast_in_dim3A_436 {strides = array<i32>} : memref<1x8xf32, #tpu.memory_space<vmem>>, vector<1x8xf32>,
    } else {
    }
    %get3A = arith.constant 0 : index
    %get3A_2 = arith.constant 0 : index
    %get3A_3 = vector.load %arg1[%get3A, %get3A_2] : memref<512x1024xf32, #tpu.memory_space<vmem>>, vector<512x1024xf32>
    %convert_element_type3A_4 = arith.truncf %get3A_3 : vector<512x1024xf32> to vector<512x1024xbf16>
    %slice3A = vector.extract_strided_slice %convert_element_type3A_4 {offsets = [0, 0], sizes = [512, 512], strides = [1, 1]} : vector<512x1024xbf16> to vector<512x512xbf16>
    %bitcast_convert_type3A = tpu.bitcast %slice3A : vector<512x512xbf16> -> vector<512x512xi16>
    %convert_element_type3A_5 = arith.extui %bitcast_convert_type3A : vector<512x512xi16> to vector<512x512xi32>
    %slice3A_6 = vector.extract_strided_slice %convert_element_type3A_4 {offsets = [0, 512], sizes = [512, 512], strides = [1, 1]} : vector<512x1024xbf16> to vector<512x512xbf16>
    %bitcast_convert_type3A_7 = tpu.bitcast %slice3A_6 : vector<512x512xbf16> -> vector<512x512xi16>
    %convert_element_type3A_8 = arith.extui %bitcast_convert_type3A_7 : vector<512x512xi16> to vector<512x512xi32>
    %shift_left3A = arith.constant 16 : i32
    %shift_left3A_9 = vector.broadcast %shift_left3A : i32 to vector<512x512xi32>
    %shift_left3A_10 = arith.shli %convert_element_type3A_8, %shift_left3A_9 : vector<512x512xi32>
    %or3A = arith.ori %convert_element_type3A_5, %shift_left3A_10 : vector<512x512xi32>
    %bitcast_convert_type3A_11 = tpu.bitcast %or3A : vector<512x512xi32> -> vector<512x512xi32>
    %swap3A = arith.constant 0 : index
    %swap3A_12 = arith.constant 0 : index
    %swap3A_13 = vector.load %arg16[%swap3A, %swap3A_12] : memref<512x512xi32, #tpu.memory_space<vmem>>, vector<512x512xi32>
    tpu.vector_store %arg16[%swap3A, %swap3A_12], %bitcast_convert_type3A_11 {strides = array<i32>} : memref<512x512xi32, #tpu.memory_space<vmem>>, vector<512x512xi32>,
    %get3A_14 = arith.constant 0 : index
    %get3A_15 = arith.constant 0 : index
    %get3A_16 = vector.load %arg2[%get3A_14, %get3A_15] : memref<1024x512xf32, #tpu.memory_space<vmem>>, vector<1024x512xf32>
    %dot_general3A = arith.constant dense<0.000000e+00> : vector<512x512xf32>
    %dot_general3A_17 = tpu.matmul %get3A_3, %get3A_16, %dot_general3A {dimension_numbers = #tpu.dot_dimension_numbers<[1], [0], [0], [1], [0, 0, 1, 1], [], []>, transpose_lhs_hint = false} : vector<512x1024xf32>, vector<1024x512xf32>, vector<512x512xf32> -> vector<512x512xf32>
    %get3A_18 = arith.constant 0 : index
    %get3A_19 = arith.constant 0 : index
    %get3A_20 = vector.load %arg3[%get3A_18, %get3A_19] : memref<1x512xf32, #tpu.memory_space<vmem>>, vector<1x512xf32>
    %add3A = vector.broadcast %get3A_20 : vector<1x512xf32> to vector<512x512xf32>
    %add3A_21 = arith.addf %dot_general3A_17, %add3A : vector<512x512xf32>
    %get3A_22 = arith.constant 0 : index
    %get3A_23 = arith.constant 0 : index
    %get3A_24 = vector.load %arg4[%get3A_22, %get3A_23] : memref<1x512xf32, #tpu.memory_space<vmem>>, vector<1x512xf32>
    %get3A_25 = arith.constant 0 : index
    %get3A_26 = arith.constant 0 : index
    %get3A_27 = vector.load %arg5[%get3A_25, %get3A_26] : memref<1x512xf32, #tpu.memory_space<vmem>>, vector<1x512xf32>
    %reduce_sum3A = arith.constant dense<0.000000e+00> : vector<512xf32>
    %reduce_sum3A_28 = vector.multi_reduction <add>, %add3A_21, %reduce_sum3A [1] : vector<512x512xf32> to vector<512xf32>
    %broadcast_in_dim3A = vector.shape_cast %reduce_sum3A_28 : vector<512xf32> to vector<512x1xf32>
    %div3A = arith.constant 5.120000e+02 : f32
    %div3A_29 = vector.broadcast %div3A : f32 to vector<512x1xf32>
    %div3A_30 = arith.divf %broadcast_in_dim3A, %div3A_29 : vector<512x1xf32>
    %sub3A = vector.broadcast %div3A_30 : vector<512x1xf32> to vector<512x512xf32>
    %sub3A_31 = arith.subf %add3A_21, %sub3A : vector<512x512xf32>
    %integer_pow3A = arith.mulf %sub3A_31, %sub3A_31 : vector<512x512xf32>
    %reduce_sum3A_32 = arith.constant dense<0.000000e+00> : vector<512xf32>
    %reduce_sum3A_33 = vector.multi_reduction <add>, %integer_pow3A, %reduce_sum3A_32 [1] : vector<512x512xf32> to vector<512xf32>
    %broadcast_in_dim3A_34 = vector.shape_cast %reduce_sum3A_33 : vector<512xf32> to vector<512x1xf32>
    %div3A_35 = arith.constant 5.120000e+02 : f32
    %div3A_36 = vector.broadcast %div3A_35 : f32 to vector<512x1xf32>
    %div3A_37 = arith.divf %broadcast_in_dim3A_34, %div3A_36 : vector<512x1xf32>
    %sub3A_38 = vector.broadcast %div3A_30 : vector<512x1xf32> to vector<512x512xf32>
    %sub3A_39 = arith.subf %add3A_21, %sub3A_38 : vector<512x512xf32>
    %add3A_40 = arith.constant 9.99999974E-6 : f32
    %add3A_41 = vector.broadcast %add3A_40 : f32 to vector<512x1xf32>
    %add3A_42 = arith.addf %div3A_37, %add3A_41 : vector<512x1xf32>
    %sqrt3A = math.sqrt %add3A_42 : vector<512x1xf32>
    %div3A_43 = vector.broadcast %sqrt3A : vector<512x1xf32> to vector<512x512xf32>
    %div3A_44 = arith.divf %sub3A_39, %div3A_43 : vector<512x512xf32>
    %mul3A = vector.broadcast %get3A_24 : vector<1x512xf32> to vector<512x512xf32>
    %mul3A_45 = arith.mulf %div3A_44, %mul3A : vector<512x512xf32>
    %add3A_46 = vector.broadcast %get3A_27 : vector<1x512xf32> to vector<512x512xf32>
    %add3A_47 = arith.addf %mul3A_45, %add3A_46 : vector<512x512xf32>
    %integer_pow3A_48 = arith.mulf %add3A_47, %add3A_47 : vector<512x512xf32>
    %integer_pow3A_49 = arith.mulf %add3A_47, %integer_pow3A_48 : vector<512x512xf32>
    %mul3A_50 = arith.constant 4.471500e-02 : f32
    %mul3A_51 = vector.broadcast %mul3A_50 : f32 to vector<512x512xf32>
    %mul3A_52 = arith.mulf %mul3A_51, %integer_pow3A_49 : vector<512x512xf32>
    %add3A_53 = arith.addf %add3A_47, %mul3A_52 : vector<512x512xf32>
    %mul3A_54 = arith.constant 0.797884583 : f32
    %mul3A_55 = vector.broadcast %mul3A_54 : f32 to vector<512x512xf32>
    %mul3A_56 = arith.mulf %mul3A_55, %add3A_53 : vector<512x512xf32>
    %tanh3A = math.tanh %mul3A_56 : vector<512x512xf32>
    %add3A_57 = arith.constant 1.000000e+00 : f32
    %add3A_58 = vector.broadcast %add3A_57 : f32 to vector<512x512xf32>
    %add3A_59 = arith.addf %add3A_58, %tanh3A : vector<512x512xf32>
    %mul3A_60 = arith.constant 5.000000e-01 : f32
    %mul3A_61 = vector.broadcast %mul3A_60 : f32 to vector<512x512xf32>
    %mul3A_62 = arith.mulf %mul3A_61, %add3A_59 : vector<512x512xf32>
    %mul3A_63 = arith.mulf %add3A_47, %mul3A_62 : vector<512x512xf32>
    %get3A_64 = arith.constant 0 : index
    %get3A_65 = arith.constant 0 : index
    %get3A_66 = vector.load %arg6[%get3A_64, %get3A_65] : memref<512x8xf32, #tpu.memory_space<vmem>>, vector<512x8xf32>
    %dot_general3A_67 = arith.constant dense<0.000000e+00> : vector<512x8xf32>
    %dot_general3A_68 = tpu.matmul %mul3A_63, %get3A_66, %dot_general3A_67 {dimension_numbers = #tpu.dot_dimension_numbers<[1], [0], [0], [1], [0, 0, 1, 1], [], []>, transpose_lhs_hint = false} : vector<512x512xf32>, vector<512x8xf32>, vector<512x8xf32> -> vector<512x8xf32>
    %get3A_69 = arith.constant 0 : index
    %get3A_70 = arith.constant 0 : index
    %get3A_71 = vector.load %arg7[%get3A_69, %get3A_70] : memref<1x8xf32, #tpu.memory_space<vmem>>, vector<1x8xf32>
    %add3A_72 = vector.broadcast %get3A_71 : vector<1x8xf32> to vector<512x8xf32>
    %add3A_73 = arith.addf %dot_general3A_68, %add3A_72 : vector<512x8xf32>
    %reduce_max3A = arith.constant dense<0xFF800000> : vector<512xf32>
    %reduce_max3A_74 = vector.multi_reduction <maximumf>, %add3A_73, %reduce_max3A [1] : vector<512x8xf32> to vector<512xf32>
    %max3A = arith.constant 0xFF800000 : f32
    %max3A_75 = vector.broadcast %max3A : f32 to vector<512xf32>
    %max3A_76 = arith.maximumf %max3A_75, %reduce_max3A_74 : vector<512xf32>
    %broadcast_in_dim3A_77 = vector.shape_cast %max3A_76 : vector<512xf32> to vector<512x1xf32>
    %sub3A_78 = vector.broadcast %broadcast_in_dim3A_77 : vector<512x1xf32> to vector<512x8xf32>
    %sub3A_79 = arith.subf %add3A_73, %sub3A_78 : vector<512x8xf32>
    %exp3A = math.exp %sub3A_79 : vector<512x8xf32>
    %reduce_sum3A_80 = arith.constant dense<0.000000e+00> : vector<512xf32>
    %reduce_sum3A_81 = vector.multi_reduction <add>, %exp3A, %reduce_sum3A_80 [1] : vector<512x8xf32> to vector<512xf32>
    %broadcast_in_dim3A_82 = vector.shape_cast %reduce_sum3A_81 : vector<512xf32> to vector<512x1xf32>
    %div3A_83 = vector.broadcast %broadcast_in_dim3A_82 : vector<512x1xf32> to vector<512x8xf32>
    %div3A_84 = arith.divf %exp3A, %div3A_83 : vector<512x8xf32>
    %iota3A = tpu.iota {dimensions = array<i32: 1>} : vector<512x8xi32>
    %argmax3A = tpu.reduce_index %div3A_84 {axis = 1 : i32, kind = #tpu.reduction_kind<arg_max>} : vector<512x8xf32> -> vector<512xi32>
    %broadcast_in_dim3A_85 = vector.shape_cast %argmax3A : vector<512xi32> to vector<512x1xi32>
    %eq3A_86 = vector.broadcast %broadcast_in_dim3A_85 : vector<512x1xi32> to vector<512x8xi32>
    %eq3A_87 = arith.cmpi eq, %iota3A, %eq3A_86 : vector<512x8xi32>
    %jit3A = arith.constant 0xFF800000 : f32
    %broadcast_in_dim3A_88 = vector.broadcast %jit3A : f32 to vector<512x8xf32>
    %select_n3A = arith.select %eq3A_87, %broadcast_in_dim3A_88, %div3A_84 : vector<512x8xi1>, vector<512x8xf32>
    %argmax3A_89 = tpu.reduce_index %select_n3A {axis = 1 : i32, kind = #tpu.reduction_kind<arg_max>} : vector<512x8xf32> -> vector<512xi32>
    %broadcast_in_dim3A_90 = vector.shape_cast %argmax3A_89 : vector<512xi32> to vector<512x1xi32>
    %eq3A_91 = vector.broadcast %broadcast_in_dim3A_90 : vector<512x1xi32> to vector<512x8xi32>
    %eq3A_92 = arith.cmpi eq, %iota3A, %eq3A_91 : vector<512x8xi32>
    %or3A_93 = arith.ori %eq3A_87, %eq3A_92 : vector<512x8xi1>
    %swap3A_94 = arith.constant 0 : index
    %swap3A_95 = arith.constant 0 : index
    %swap3A_96 = vector.load %arg8[%swap3A_94, %swap3A_95] : memref<512x8xf32, #tpu.memory_space<vmem>>, vector<512x8xf32>
    tpu.vector_store %arg8[%swap3A_94, %swap3A_95], %div3A_84 {strides = array<i32>} : memref<512x8xf32, #tpu.memory_space<vmem>>, vector<512x8xf32>,
    %jit3A_97 = arith.constant 0.000000e+00 : f32
    %broadcast_in_dim3A_98 = vector.broadcast %jit3A_97 : f32 to vector<512x8xf32>
    %select_n3A_99 = arith.select %or3A_93, %div3A_84, %broadcast_in_dim3A_98 : vector<512x8xi1>, vector<512x8xf32>
    %swap3A_100 = arith.constant 0 : index
    %swap3A_101 = arith.constant 0 : index
    %swap3A_102 = vector.load %arg9[%swap3A_100, %swap3A_101] : memref<512x8xf32, #tpu.memory_space<vmem>>, vector<512x8xf32>
    tpu.vector_store %arg9[%swap3A_100, %swap3A_101], %select_n3A_99 {strides = array<i32>} : memref<512x8xf32, #tpu.memory_space<vmem>>, vector<512x8xf32>,
    %jit3A_103 = arith.constant 0.000000e+00 : f32
    %broadcast_in_dim3A_104 = vector.broadcast %jit3A_103 : f32 to vector<512x8xf32>
    %select_n3A_105 = arith.select %eq3A_87, %div3A_84, %broadcast_in_dim3A_104 : vector<512x8xi1>, vector<512x8xf32>
    %reduce_sum3A_106 = arith.constant dense<0.000000e+00> : vector<512xf32>
    %reduce_sum3A_107 = vector.multi_reduction <add>, %select_n3A_105, %reduce_sum3A_106 [1] : vector<512x8xf32> to vector<512xf32>
    %broadcast_in_dim3A_108 = vector.shape_cast %reduce_sum3A_107 : vector<512xf32> to vector<512x1xf32>
    %swap3A_109 = arith.constant 0 : index
    %swap3A_110 = arith.constant 0 : index
    %swap3A_111 = vector.load %arg10[%swap3A_109, %swap3A_110] : memref<512x1xf32, #tpu.memory_space<vmem>>, vector<512x1xf32>
    tpu.vector_store %arg10[%swap3A_109, %swap3A_110], %broadcast_in_dim3A_108 {strides = array<i32>} : memref<512x1xf32, #tpu.memory_space<vmem>>, vector<512x1xf32>,
    %jit3A_112 = arith.constant 0.000000e+00 : f32
    %broadcast_in_dim3A_113 = vector.broadcast %jit3A_112 : f32 to vector<512x8xf32>
    %select_n3A_114 = arith.select %eq3A_92, %div3A_84, %broadcast_in_dim3A_113 : vector<512x8xi1>, vector<512x8xf32>
    %reduce_sum3A_115 = arith.constant dense<0.000000e+00> : vector<512xf32>
    %reduce_sum3A_116 = vector.multi_reduction <add>, %select_n3A_114, %reduce_sum3A_115 [1] : vector<512x8xf32> to vector<512xf32>
    %broadcast_in_dim3A_117 = vector.shape_cast %reduce_sum3A_116 : vector<512xf32> to vector<512x1xf32>
    %swap3A_118 = arith.constant 0 : index
    %swap3A_119 = arith.constant 0 : index
    %swap3A_120 = vector.load %arg11[%swap3A_118, %swap3A_119] : memref<512x1xf32, #tpu.memory_space<vmem>>, vector<512x1xf32>
    tpu.vector_store %arg11[%swap3A_118, %swap3A_119], %broadcast_in_dim3A_117 {strides = array<i32>} : memref<512x1xf32, #tpu.memory_space<vmem>>, vector<512x1xf32>,
    %convert_element_type3A_121 = arith.extui %eq3A_87 : vector<512x8xi1> to vector<512x8xi32>
    %convert_element_type3A_122 = arith.sitofp %convert_element_type3A_121 : vector<512x8xi32> to vector<512x8xf32>
    %convert_element_type3A_123 = arith.extui %eq3A_92 : vector<512x8xi1> to vector<512x8xi32>
    %convert_element_type3A_124 = arith.sitofp %convert_element_type3A_123 : vector<512x8xi32> to vector<512x8xf32>
    %add3A_125 = arith.addf %convert_element_type3A_122, %convert_element_type3A_124 : vector<512x8xf32>
    %iota3A_126 = tpu.iota {dimensions = array<i32: 0>} : vector<512x512xi32>
    %iota3A_127 = tpu.iota {dimensions = array<i32: 1>} : vector<512x512xi32>
    %lt3A = arith.cmpi slt, %iota3A_127, %iota3A_126 : vector<512x512xi32>
    %convert_element_type3A_128 = arith.extui %lt3A : vector<512x512xi1> to vector<512x512xi32>
    %convert_element_type3A_129 = arith.sitofp %convert_element_type3A_128 : vector<512x512xi32> to vector<512x512xf32>
    %dot_general3A_130 = arith.constant dense<0.000000e+00> : vector<512x8xf32>
    %dot_general3A_131 = tpu.matmul %convert_element_type3A_129, %add3A_125, %dot_general3A_130 {dimension_numbers = #tpu.dot_dimension_numbers<[1], [0], [0], [1], [0, 0, 1, 1], [], []>, transpose_lhs_hint = false} : vector<512x512xf32>, vector<512x8xf32>, vector<512x8xf32> -> vector<512x8xf32>
    %get3A_132 = arith.constant 0 : index
    %get3A_133 = arith.constant 0 : index
    %get3A_134 = vector.load %arg17[%get3A_132, %get3A_133] : memref<1x8xf32, #tpu.memory_space<vmem>>, vector<1x8xf32>
    %add3A_135 = vector.broadcast %get3A_134 : vector<1x8xf32> to vector<512x8xf32>
    %add3A_136 = arith.addf %dot_general3A_131, %add3A_135 : vector<512x8xf32>
    %jit3A_137 = arith.constant 0.000000e+00 : f32
    %broadcast_in_dim3A_138 = vector.broadcast %jit3A_137 : f32 to vector<512x8xf32>
    %select_n3A_139 = arith.select %eq3A_87, %add3A_136, %broadcast_in_dim3A_138 : vector<512x8xi1>, vector<512x8xf32>
    %reduce_sum3A_140 = arith.constant dense<0.000000e+00> : vector<512xf32>
    %reduce_sum3A_141 = vector.multi_reduction <add>, %select_n3A_139, %reduce_sum3A_140 [1] : vector<512x8xf32> to vector<512xf32>
    %broadcast_in_dim3A_142 = vector.shape_cast %reduce_sum3A_141 : vector<512xf32> to vector<512x1xf32>
    %convert_element_type3A_143 = arith.fptosi %broadcast_in_dim3A_142 : vector<512x1xf32> to vector<512x1xi32>
    %jit3A_144 = arith.constant 0.000000e+00 : f32
    %broadcast_in_dim3A_145 = vector.broadcast %jit3A_144 : f32 to vector<512x8xf32>
    %select_n3A_146 = arith.select %eq3A_92, %add3A_136, %broadcast_in_dim3A_145 : vector<512x8xi1>, vector<512x8xf32>
    %reduce_sum3A_147 = arith.constant dense<0.000000e+00> : vector<512xf32>
    %reduce_sum3A_148 = vector.multi_reduction <add>, %select_n3A_146, %reduce_sum3A_147 [1] : vector<512x8xf32> to vector<512xf32>
    %broadcast_in_dim3A_149 = vector.shape_cast %reduce_sum3A_148 : vector<512xf32> to vector<512x1xf32>
    %convert_element_type3A_150 = arith.fptosi %broadcast_in_dim3A_149 : vector<512x1xf32> to vector<512x1xi32>
    %transpose3A = tpu.transpose %broadcast_in_dim3A_85, [1, 0] : vector<512x1xi32> -> vector<1x512xi32>
    %transpose3A_151 = tpu.transpose %broadcast_in_dim3A_90, [1, 0] : vector<512x1xi32> -> vector<1x512xi32>
    %transpose3A_152 = tpu.transpose %convert_element_type3A_143, [1, 0] : vector<512x1xi32> -> vector<1x512xi32>
    %transpose3A_153 = tpu.transpose %convert_element_type3A_150, [1, 0] : vector<512x1xi32> -> vector<1x512xi32>
    %concatenate3A = tpu.concatenate %transpose3A, %transpose3A_151, %transpose3A_152, %transpose3A_153 in 0 : vector<1x512xi32>, vector<1x512xi32>, vector<1x512xi32>, vector<1x512xi32> -> vector<4x512xi32>
    %swap3A_154 = arith.constant 0 : index
    %swap3A_155 = arith.constant 0 : index
    %swap3A_156 = vector.load %arg12[%swap3A_154, %swap3A_155] : memref<4x512xi32, #tpu.memory_space<vmem>>, vector<4x512xi32>
    tpu.vector_store %arg12[%swap3A_154, %swap3A_155], %concatenate3A {strides = array<i32>} : memref<4x512xi32, #tpu.memory_space<vmem>>, vector<4x512xi32>,
    %get3A_157 = arith.constant 0 : index
    %get3A_158 = arith.constant 0 : index
    %get3A_159 = vector.load %arg17[%get3A_157, %get3A_158] : memref<1x8xf32, #tpu.memory_space<vmem>>, vector<1x8xf32>
    %reduce_sum3A_160 = arith.constant dense<0.000000e+00> : vector<8xf32>
    %reduce_sum3A_161 = vector.multi_reduction <add>, %add3A_125, %reduce_sum3A_160 [0] : vector<512x8xf32> to vector<8xf32>
    %broadcast_in_dim3A_162 = vector.shape_cast %reduce_sum3A_161 : vector<8xf32> to vector<1x8xf32>
    %add3A_163 = arith.addf %get3A_159, %broadcast_in_dim3A_162 : vector<1x8xf32>
    %swap3A_164 = arith.constant 0 : index
    %swap3A_165 = arith.constant 0 : index
    %swap3A_166 = vector.load %arg17[%swap3A_164, %swap3A_165] : memref<1x8xf32, #tpu.memory_space<vmem>>, vector<1x8xf32>
    tpu.vector_store %arg17[%swap3A_164, %swap3A_165], %add3A_163 {strides = array<i32>} : memref<1x8xf32, #tpu.memory_space<vmem>>, vector<1x8xf32>,
    %convert_element_type3A_167 = arith.fptosi %add3A_163 : vector<1x8xf32> to vector<1x8xi32>
    %iota3A_168 = tpu.iota {dimensions = array<i32: 1>} : vector<1x128xi32>
    %broadcast_in_dim3A_169 = arith.constant 0 : i32
    %broadcast_in_dim3A_170 = vector.broadcast %broadcast_in_dim3A_169 : i32 to vector<1x128xi32>
    %broadcast_in_dim3A_171 = arith.constant 0 : i32
    %broadcast_in_dim3A_172 = vector.broadcast %broadcast_in_dim3A_171 : i32 to vector<1x128xi32>
    %slice3A_173 = vector.extract_strided_slice %iota3A {offsets = [0, 0], sizes = [1, 8], strides = [1, 1]} : vector<512x8xi32> to vector<1x8xi32>
    %eq3A_174 = arith.constant 0 : i32
    %eq3A_175 = vector.broadcast %eq3A_174 : i32 to vector<1x8xi32>
    %eq3A_176 = arith.cmpi eq, %slice3A_173, %eq3A_175 : vector<1x8xi32>
    %jit3A_177 = arith.constant 0 : i32
    %broadcast_in_dim3A_178 = vector.broadcast %jit3A_177 : i32 to vector<1x8xi32>
    %select_n3A_179 = arith.select %eq3A_176, %convert_element_type3A_167, %broadcast_in_dim3A_178 : vector<1x8xi1>, vector<1x8xi32>
    %reduce_sum3A_180 = vector.shape_cast %select_n3A_179 : vector<1x8xi32> to vector<1x1x8xi32>
    %reduce_sum3A_181 = arith.constant dense<0> : vector<1xi32>
    %reduce_sum3A_182 = vector.multi_reduction <add>, %reduce_sum3A_180, %reduce_sum3A_181 [1, 2] : vector<1x1x8xi32> to vector<1xi32>
    %reduce_sum3A_183 = vector.shape_cast %reduce_sum3A_182 : vector<1xi32> to vector<1x1x1xi32>
    %reduce_sum3A_184 = vector.extract %reduce_sum3A_183[0, 0, 0] : i32 from vector<1x1x1xi32>
    %eq3A_185 = arith.constant 0 : i32
    %eq3A_186 = vector.broadcast %eq3A_185 : i32 to vector<1x128xi32>
    %eq3A_187 = arith.cmpi eq, %iota3A_168, %eq3A_186 : vector<1x128xi32>
    %shift_left3A_188 = arith.constant 0 : i32
    %shift_left3A_189 = arith.constant 9 : i32
    %shift_left3A_190 = arith.shli %shift_left3A_188, %shift_left3A_189 : i32
    %jit3A_191 = arith.constant 0 : i32
    %broadcast_in_dim3A_192 = vector.broadcast %shift_left3A_190 : i32 to vector<1x128xi32>
    %broadcast_in_dim3A_193 = vector.broadcast %jit3A_191 : i32 to vector<1x128xi32>
    %select_n3A_194 = arith.select %eq3A_187, %broadcast_in_dim3A_192, %broadcast_in_dim3A_193 : vector<1x128xi1>, vector<1x128xi32>
    %add3A_195 = arith.addi %broadcast_in_dim3A_172, %select_n3A_194 : vector<1x128xi32>
    %add3A_196 = arith.constant 511 : i32
    %add3A_197 = arith.addi %reduce_sum3A_184, %add3A_196 : i32
    %shift_right_arithmetic3A = arith.constant 9 : i32
    %shift_right_arithmetic3A_198 = arith.shrsi %add3A_197, %shift_right_arithmetic3A : i32
    %add3A_199 = arith.constant 0 : i32
    %add3A_200 = arith.addi %add3A_199, %shift_right_arithmetic3A_198 : i32
    %ge3A = vector.broadcast %add3A_200 : i32 to vector<1x128xi32>
    %ge3A_201 = arith.cmpi sge, %iota3A_168, %ge3A : vector<1x128xi32>
    %convert_element_type3A_202 = arith.extui %ge3A_201 : vector<1x128xi1> to vector<1x128xi32>
    %add3A_203 = arith.addi %broadcast_in_dim3A_170, %convert_element_type3A_202 : vector<1x128xi32>
    %slice3A_204 = vector.extract_strided_slice %iota3A {offsets = [0, 0], sizes = [1, 8], strides = [1, 1]} : vector<512x8xi32> to vector<1x8xi32>
    %eq3A_205 = arith.constant 1 : i32
    %eq3A_206 = vector.broadcast %eq3A_205 : i32 to vector<1x8xi32>
    %eq3A_207 = arith.cmpi eq, %slice3A_204, %eq3A_206 : vector<1x8xi32>
    %jit3A_208 = arith.constant 0 : i32
    %broadcast_in_dim3A_209 = vector.broadcast %jit3A_208 : i32 to vector<1x8xi32>
    %select_n3A_210 = arith.select %eq3A_207, %convert_element_type3A_167, %broadcast_in_dim3A_209 : vector<1x8xi1>, vector<1x8xi32>
    %reduce_sum3A_211 = vector.shape_cast %select_n3A_210 : vector<1x8xi32> to vector<1x1x8xi32>
    %reduce_sum3A_212 = arith.constant dense<0> : vector<1xi32>
    %reduce_sum3A_213 = vector.multi_reduction <add>, %reduce_sum3A_211, %reduce_sum3A_212 [1, 2] : vector<1x1x8xi32> to vector<1xi32>
    %reduce_sum3A_214 = vector.shape_cast %reduce_sum3A_213 : vector<1xi32> to vector<1x1x1xi32>
    %reduce_sum3A_215 = vector.extract %reduce_sum3A_214[0, 0, 0] : i32 from vector<1x1x1xi32>
    %eq3A_216 = arith.constant 1 : i32
    %eq3A_217 = vector.broadcast %eq3A_216 : i32 to vector<1x128xi32>
    %eq3A_218 = arith.cmpi eq, %iota3A_168, %eq3A_217 : vector<1x128xi32>
    %shift_left3A_219 = arith.constant 9 : i32
    %shift_left3A_220 = arith.shli %add3A_200, %shift_left3A_219 : i32
    %jit3A_221 = arith.constant 0 : i32
    %broadcast_in_dim3A_222 = vector.broadcast %shift_left3A_220 : i32 to vector<1x128xi32>
    %broadcast_in_dim3A_223 = vector.broadcast %jit3A_221 : i32 to vector<1x128xi32>
    %select_n3A_224 = arith.select %eq3A_218, %broadcast_in_dim3A_222, %broadcast_in_dim3A_223 : vector<1x128xi1>, vector<1x128xi32>
    %add3A_225 = arith.addi %add3A_195, %select_n3A_224 : vector<1x128xi32>
    %add3A_226 = arith.constant 511 : i32
    %add3A_227 = arith.addi %reduce_sum3A_215, %add3A_226 : i32
    %shift_right_arithmetic3A_228 = arith.constant 9 : i32
    %shift_right_arithmetic3A_229 = arith.shrsi %add3A_227, %shift_right_arithmetic3A_228 : i32
    %add3A_230 = arith.addi %add3A_200, %shift_right_arithmetic3A_229 : i32
    %ge3A_231 = vector.broadcast %add3A_230 : i32 to vector<1x128xi32>
    %ge3A_232 = arith.cmpi sge, %iota3A_168, %ge3A_231 : vector<1x128xi32>
    %convert_element_type3A_233 = arith.extui %ge3A_232 : vector<1x128xi1> to vector<1x128xi32>
    %add3A_234 = arith.addi %add3A_203, %convert_element_type3A_233 : vector<1x128xi32>
    %slice3A_235 = vector.extract_strided_slice %iota3A {offsets = [0, 0], sizes = [1, 8], strides = [1, 1]} : vector<512x8xi32> to vector<1x8xi32>
    %eq3A_236 = arith.constant 2 : i32
    %eq3A_237 = vector.broadcast %eq3A_236 : i32 to vector<1x8xi32>
    %eq3A_238 = arith.cmpi eq, %slice3A_235, %eq3A_237 : vector<1x8xi32>
    %jit3A_239 = arith.constant 0 : i32
    %broadcast_in_dim3A_240 = vector.broadcast %jit3A_239 : i32 to vector<1x8xi32>
    %select_n3A_241 = arith.select %eq3A_238, %convert_element_type3A_167, %broadcast_in_dim3A_240 : vector<1x8xi1>, vector<1x8xi32>
    %reduce_sum3A_242 = vector.shape_cast %select_n3A_241 : vector<1x8xi32> to vector<1x1x8xi32>
    %reduce_sum3A_243 = arith.constant dense<0> : vector<1xi32>
    %reduce_sum3A_244 = vector.multi_reduction <add>, %reduce_sum3A_242, %reduce_sum3A_243 [1, 2] : vector<1x1x8xi32> to vector<1xi32>
    %reduce_sum3A_245 = vector.shape_cast %reduce_sum3A_244 : vector<1xi32> to vector<1x1x1xi32>
    %reduce_sum3A_246 = vector.extract %reduce_sum3A_245[0, 0, 0] : i32 from vector<1x1x1xi32>
    %eq3A_247 = arith.constant 2 : i32
    %eq3A_248 = vector.broadcast %eq3A_247 : i32 to vector<1x128xi32>
    %eq3A_249 = arith.cmpi eq, %iota3A_168, %eq3A_248 : vector<1x128xi32>
    %shift_left3A_250 = arith.constant 9 : i32
    %shift_left3A_251 = arith.shli %add3A_230, %shift_left3A_250 : i32
    %jit3A_252 = arith.constant 0 : i32
    %broadcast_in_dim3A_253 = vector.broadcast %shift_left3A_251 : i32 to vector<1x128xi32>
    %broadcast_in_dim3A_254 = vector.broadcast %jit3A_252 : i32 to vector<1x128xi32>
    %select_n3A_255 = arith.select %eq3A_249, %broadcast_in_dim3A_253, %broadcast_in_dim3A_254 : vector<1x128xi1>, vector<1x128xi32>
    %add3A_256 = arith.addi %add3A_225, %select_n3A_255 : vector<1x128xi32>
    %add3A_257 = arith.constant 511 : i32
    %add3A_258 = arith.addi %reduce_sum3A_246, %add3A_257 : i32
    %shift_right_arithmetic3A_259 = arith.constant 9 : i32
    %shift_right_arithmetic3A_260 = arith.shrsi %add3A_258, %shift_right_arithmetic3A_259 : i32
    %add3A_261 = arith.addi %add3A_230, %shift_right_arithmetic3A_260 : i32
    %ge3A_262 = vector.broadcast %add3A_261 : i32 to vector<1x128xi32>
    %ge3A_263 = arith.cmpi sge, %iota3A_168, %ge3A_262 : vector<1x128xi32>
    %convert_element_type3A_264 = arith.extui %ge3A_263 : vector<1x128xi1> to vector<1x128xi32>
    %add3A_265 = arith.addi %add3A_234, %convert_element_type3A_264 : vector<1x128xi32>
    %slice3A_266 = vector.extract_strided_slice %iota3A {offsets = [0, 0], sizes = [1, 8], strides = [1, 1]} : vector<512x8xi32> to vector<1x8xi32>
    %eq3A_267 = arith.constant 3 : i32
    %eq3A_268 = vector.broadcast %eq3A_267 : i32 to vector<1x8xi32>
    %eq3A_269 = arith.cmpi eq, %slice3A_266, %eq3A_268 : vector<1x8xi32>
    %jit3A_270 = arith.constant 0 : i32
    %broadcast_in_dim3A_271 = vector.broadcast %jit3A_270 : i32 to vector<1x8xi32>
    %select_n3A_272 = arith.select %eq3A_269, %convert_element_type3A_167, %broadcast_in_dim3A_271 : vector<1x8xi1>, vector<1x8xi32>
    %reduce_sum3A_273 = vector.shape_cast %select_n3A_272 : vector<1x8xi32> to vector<1x1x8xi32>
    %reduce_sum3A_274 = arith.constant dense<0> : vector<1xi32>
    %reduce_sum3A_275 = vector.multi_reduction <add>, %reduce_sum3A_273, %reduce_sum3A_274 [1, 2] : vector<1x1x8xi32> to vector<1xi32>
    %reduce_sum3A_276 = vector.shape_cast %reduce_sum3A_275 : vector<1xi32> to vector<1x1x1xi32>
    %reduce_sum3A_277 = vector.extract %reduce_sum3A_276[0, 0, 0] : i32 from vector<1x1x1xi32>
    %eq3A_278 = arith.constant 3 : i32
    %eq3A_279 = vector.broadcast %eq3A_278 : i32 to vector<1x128xi32>
    %eq3A_280 = arith.cmpi eq, %iota3A_168, %eq3A_279 : vector<1x128xi32>
    %shift_left3A_281 = arith.constant 9 : i32
    %shift_left3A_282 = arith.shli %add3A_261, %shift_left3A_281 : i32
    %jit3A_283 = arith.constant 0 : i32
    %broadcast_in_dim3A_284 = vector.broadcast %shift_left3A_282 : i32 to vector<1x128xi32>
    %broadcast_in_dim3A_285 = vector.broadcast %jit3A_283 : i32 to vector<1x128xi32>
    %select_n3A_286 = arith.select %eq3A_280, %broadcast_in_dim3A_284, %broadcast_in_dim3A_285 : vector<1x128xi1>, vector<1x128xi32>
    %add3A_287 = arith.addi %add3A_256, %select_n3A_286 : vector<1x128xi32>
    %add3A_288 = arith.constant 511 : i32
    %add3A_289 = arith.addi %reduce_sum3A_277, %add3A_288 : i32
    %shift_right_arithmetic3A_290 = arith.constant 9 : i32
    %shift_right_arithmetic3A_291 = arith.shrsi %add3A_289, %shift_right_arithmetic3A_290 : i32
    %add3A_292 = arith.addi %add3A_261, %shift_right_arithmetic3A_291 : i32
    %ge3A_293 = vector.broadcast %add3A_292 : i32 to vector<1x128xi32>
    %ge3A_294 = arith.cmpi sge, %iota3A_168, %ge3A_293 : vector<1x128xi32>
    %convert_element_type3A_295 = arith.extui %ge3A_294 : vector<1x128xi1> to vector<1x128xi32>
    %add3A_296 = arith.addi %add3A_265, %convert_element_type3A_295 : vector<1x128xi32>
    %slice3A_297 = vector.extract_strided_slice %iota3A {offsets = [0, 0], sizes = [1, 8], strides = [1, 1]} : vector<512x8xi32> to vector<1x8xi32>
    %eq3A_298 = arith.constant 4 : i32
    %eq3A_299 = vector.broadcast %eq3A_298 : i32 to vector<1x8xi32>
    %eq3A_300 = arith.cmpi eq, %slice3A_297, %eq3A_299 : vector<1x8xi32>
    %jit3A_301 = arith.constant 0 : i32
    %broadcast_in_dim3A_302 = vector.broadcast %jit3A_301 : i32 to vector<1x8xi32>
    %select_n3A_303 = arith.select %eq3A_300, %convert_element_type3A_167, %broadcast_in_dim3A_302 : vector<1x8xi1>, vector<1x8xi32>
    %reduce_sum3A_304 = vector.shape_cast %select_n3A_303 : vector<1x8xi32> to vector<1x1x8xi32>
    %reduce_sum3A_305 = arith.constant dense<0> : vector<1xi32>
    %reduce_sum3A_306 = vector.multi_reduction <add>, %reduce_sum3A_304, %reduce_sum3A_305 [1, 2] : vector<1x1x8xi32> to vector<1xi32>
    %reduce_sum3A_307 = vector.shape_cast %reduce_sum3A_306 : vector<1xi32> to vector<1x1x1xi32>
    %reduce_sum3A_308 = vector.extract %reduce_sum3A_307[0, 0, 0] : i32 from vector<1x1x1xi32>
    %eq3A_309 = arith.constant 4 : i32
    %eq3A_310 = vector.broadcast %eq3A_309 : i32 to vector<1x128xi32>
    %eq3A_311 = arith.cmpi eq, %iota3A_168, %eq3A_310 : vector<1x128xi32>
    %shift_left3A_312 = arith.constant 9 : i32
    %shift_left3A_313 = arith.shli %add3A_292, %shift_left3A_312 : i32
    %jit3A_314 = arith.constant 0 : i32
    %broadcast_in_dim3A_315 = vector.broadcast %shift_left3A_313 : i32 to vector<1x128xi32>
    %broadcast_in_dim3A_316 = vector.broadcast %jit3A_314 : i32 to vector<1x128xi32>
    %select_n3A_317 = arith.select %eq3A_311, %broadcast_in_dim3A_315, %broadcast_in_dim3A_316 : vector<1x128xi1>, vector<1x128xi32>
    %add3A_318 = arith.addi %add3A_287, %select_n3A_317 : vector<1x128xi32>
    %add3A_319 = arith.constant 511 : i32
    %add3A_320 = arith.addi %reduce_sum3A_308, %add3A_319 : i32
    %shift_right_arithmetic3A_321 = arith.constant 9 : i32
    %shift_right_arithmetic3A_322 = arith.shrsi %add3A_320, %shift_right_arithmetic3A_321 : i32
    %add3A_323 = arith.addi %add3A_292, %shift_right_arithmetic3A_322 : i32
    %ge3A_324 = vector.broadcast %add3A_323 : i32 to vector<1x128xi32>
    %ge3A_325 = arith.cmpi sge, %iota3A_168, %ge3A_324 : vector<1x128xi32>
    %convert_element_type3A_326 = arith.extui %ge3A_325 : vector<1x128xi1> to vector<1x128xi32>
    %add3A_327 = arith.addi %add3A_296, %convert_element_type3A_326 : vector<1x128xi32>
    %slice3A_328 = vector.extract_strided_slice %iota3A {offsets = [0, 0], sizes = [1, 8], strides = [1, 1]} : vector<512x8xi32> to vector<1x8xi32>
    %eq3A_329 = arith.constant 5 : i32
    %eq3A_330 = vector.broadcast %eq3A_329 : i32 to vector<1x8xi32>
    %eq3A_331 = arith.cmpi eq, %slice3A_328, %eq3A_330 : vector<1x8xi32>
    %jit3A_332 = arith.constant 0 : i32
    %broadcast_in_dim3A_333 = vector.broadcast %jit3A_332 : i32 to vector<1x8xi32>
    %select_n3A_334 = arith.select %eq3A_331, %convert_element_type3A_167, %broadcast_in_dim3A_333 : vector<1x8xi1>, vector<1x8xi32>
    %reduce_sum3A_335 = vector.shape_cast %select_n3A_334 : vector<1x8xi32> to vector<1x1x8xi32>
    %reduce_sum3A_336 = arith.constant dense<0> : vector<1xi32>
    %reduce_sum3A_337 = vector.multi_reduction <add>, %reduce_sum3A_335, %reduce_sum3A_336 [1, 2] : vector<1x1x8xi32> to vector<1xi32>
    %reduce_sum3A_338 = vector.shape_cast %reduce_sum3A_337 : vector<1xi32> to vector<1x1x1xi32>
    %reduce_sum3A_339 = vector.extract %reduce_sum3A_338[0, 0, 0] : i32 from vector<1x1x1xi32>
    %eq3A_340 = arith.constant 5 : i32
    %eq3A_341 = vector.broadcast %eq3A_340 : i32 to vector<1x128xi32>
    %eq3A_342 = arith.cmpi eq, %iota3A_168, %eq3A_341 : vector<1x128xi32>
    %shift_left3A_343 = arith.constant 9 : i32
    %shift_left3A_344 = arith.shli %add3A_323, %shift_left3A_343 : i32
    %jit3A_345 = arith.constant 0 : i32
    %broadcast_in_dim3A_346 = vector.broadcast %shift_left3A_344 : i32 to vector<1x128xi32>
    %broadcast_in_dim3A_347 = vector.broadcast %jit3A_345 : i32 to vector<1x128xi32>
    %select_n3A_348 = arith.select %eq3A_342, %broadcast_in_dim3A_346, %broadcast_in_dim3A_347 : vector<1x128xi1>, vector<1x128xi32>
    %add3A_349 = arith.addi %add3A_318, %select_n3A_348 : vector<1x128xi32>
    %add3A_350 = arith.constant 511 : i32
    %add3A_351 = arith.addi %reduce_sum3A_339, %add3A_350 : i32
    %shift_right_arithmetic3A_352 = arith.constant 9 : i32
    %shift_right_arithmetic3A_353 = arith.shrsi %add3A_351, %shift_right_arithmetic3A_352 : i32
    %add3A_354 = arith.addi %add3A_323, %shift_right_arithmetic3A_353 : i32
    %ge3A_355 = vector.broadcast %add3A_354 : i32 to vector<1x128xi32>
    %ge3A_356 = arith.cmpi sge, %iota3A_168, %ge3A_355 : vector<1x128xi32>
    %convert_element_type3A_357 = arith.extui %ge3A_356 : vector<1x128xi1> to vector<1x128xi32>
    %add3A_358 = arith.addi %add3A_327, %convert_element_type3A_357 : vector<1x128xi32>
    %slice3A_359 = vector.extract_strided_slice %iota3A {offsets = [0, 0], sizes = [1, 8], strides = [1, 1]} : vector<512x8xi32> to vector<1x8xi32>
    %eq3A_360 = arith.constant 6 : i32
    %eq3A_361 = vector.broadcast %eq3A_360 : i32 to vector<1x8xi32>
    %eq3A_362 = arith.cmpi eq, %slice3A_359, %eq3A_361 : vector<1x8xi32>
    %jit3A_363 = arith.constant 0 : i32
    %broadcast_in_dim3A_364 = vector.broadcast %jit3A_363 : i32 to vector<1x8xi32>
    %select_n3A_365 = arith.select %eq3A_362, %convert_element_type3A_167, %broadcast_in_dim3A_364 : vector<1x8xi1>, vector<1x8xi32>
    %reduce_sum3A_366 = vector.shape_cast %select_n3A_365 : vector<1x8xi32> to vector<1x1x8xi32>
    %reduce_sum3A_367 = arith.constant dense<0> : vector<1xi32>
    %reduce_sum3A_368 = vector.multi_reduction <add>, %reduce_sum3A_366, %reduce_sum3A_367 [1, 2] : vector<1x1x8xi32> to vector<1xi32>
    %reduce_sum3A_369 = vector.shape_cast %reduce_sum3A_368 : vector<1xi32> to vector<1x1x1xi32>
    %reduce_sum3A_370 = vector.extract %reduce_sum3A_369[0, 0, 0] : i32 from vector<1x1x1xi32>
    %eq3A_371 = arith.constant 6 : i32
    %eq3A_372 = vector.broadcast %eq3A_371 : i32 to vector<1x128xi32>
    %eq3A_373 = arith.cmpi eq, %iota3A_168, %eq3A_372 : vector<1x128xi32>
    %shift_left3A_374 = arith.constant 9 : i32
    %shift_left3A_375 = arith.shli %add3A_354, %shift_left3A_374 : i32
    %jit3A_376 = arith.constant 0 : i32
    %broadcast_in_dim3A_377 = vector.broadcast %shift_left3A_375 : i32 to vector<1x128xi32>
    %broadcast_in_dim3A_378 = vector.broadcast %jit3A_376 : i32 to vector<1x128xi32>
    %select_n3A_379 = arith.select %eq3A_373, %broadcast_in_dim3A_377, %broadcast_in_dim3A_378 : vector<1x128xi1>, vector<1x128xi32>
    %add3A_380 = arith.addi %add3A_349, %select_n3A_379 : vector<1x128xi32>
    %add3A_381 = arith.constant 511 : i32
    %add3A_382 = arith.addi %reduce_sum3A_370, %add3A_381 : i32
    %shift_right_arithmetic3A_383 = arith.constant 9 : i32
    %shift_right_arithmetic3A_384 = arith.shrsi %add3A_382, %shift_right_arithmetic3A_383 : i32
    %add3A_385 = arith.addi %add3A_354, %shift_right_arithmetic3A_384 : i32
    %ge3A_386 = vector.broadcast %add3A_385 : i32 to vector<1x128xi32>
    %ge3A_387 = arith.cmpi sge, %iota3A_168, %ge3A_386 : vector<1x128xi32>
    %convert_element_type3A_388 = arith.extui %ge3A_387 : vector<1x128xi1> to vector<1x128xi32>
    %add3A_389 = arith.addi %add3A_358, %convert_element_type3A_388 : vector<1x128xi32>
    %slice3A_390 = vector.extract_strided_slice %iota3A {offsets = [0, 0], sizes = [1, 8], strides = [1, 1]} : vector<512x8xi32> to vector<1x8xi32>
    %eq3A_391 = arith.constant 7 : i32
    %eq3A_392 = vector.broadcast %eq3A_391 : i32 to vector<1x8xi32>
    %eq3A_393 = arith.cmpi eq, %slice3A_390, %eq3A_392 : vector<1x8xi32>
    %jit3A_394 = arith.constant 0 : i32
    %broadcast_in_dim3A_395 = vector.broadcast %jit3A_394 : i32 to vector<1x8xi32>
    %select_n3A_396 = arith.select %eq3A_393, %convert_element_type3A_167, %broadcast_in_dim3A_395 : vector<1x8xi1>, vector<1x8xi32>
    %reduce_sum3A_397 = vector.shape_cast %select_n3A_396 : vector<1x8xi32> to vector<1x1x8xi32>
    %reduce_sum3A_398 = arith.constant dense<0> : vector<1xi32>
    %reduce_sum3A_399 = vector.multi_reduction <add>, %reduce_sum3A_397, %reduce_sum3A_398 [1, 2] : vector<1x1x8xi32> to vector<1xi32>
    %reduce_sum3A_400 = vector.shape_cast %reduce_sum3A_399 : vector<1xi32> to vector<1x1x1xi32>
    %reduce_sum3A_401 = vector.extract %reduce_sum3A_400[0, 0, 0] : i32 from vector<1x1x1xi32>
    %eq3A_402 = arith.constant 7 : i32
    %eq3A_403 = vector.broadcast %eq3A_402 : i32 to vector<1x128xi32>
    %eq3A_404 = arith.cmpi eq, %iota3A_168, %eq3A_403 : vector<1x128xi32>
    %shift_left3A_405 = arith.constant 9 : i32
    %shift_left3A_406 = arith.shli %add3A_385, %shift_left3A_405 : i32
    %jit3A_407 = arith.constant 0 : i32
    %broadcast_in_dim3A_408 = vector.broadcast %shift_left3A_406 : i32 to vector<1x128xi32>
    %broadcast_in_dim3A_409 = vector.broadcast %jit3A_407 : i32 to vector<1x128xi32>
    %select_n3A_410 = arith.select %eq3A_404, %broadcast_in_dim3A_408, %broadcast_in_dim3A_409 : vector<1x128xi1>, vector<1x128xi32>
    %add3A_411 = arith.addi %add3A_380, %select_n3A_410 : vector<1x128xi32>
    %add3A_412 = arith.constant 511 : i32
    %add3A_413 = arith.addi %reduce_sum3A_401, %add3A_412 : i32
    %shift_right_arithmetic3A_414 = arith.constant 9 : i32
    %shift_right_arithmetic3A_415 = arith.shrsi %add3A_413, %shift_right_arithmetic3A_414 : i32
    %add3A_416 = arith.addi %add3A_385, %shift_right_arithmetic3A_415 : i32
    %ge3A_417 = vector.broadcast %add3A_416 : i32 to vector<1x128xi32>
    %ge3A_418 = arith.cmpi sge, %iota3A_168, %ge3A_417 : vector<1x128xi32>
    %convert_element_type3A_419 = arith.extui %ge3A_418 : vector<1x128xi1> to vector<1x128xi32>
    %add3A_420 = arith.addi %add3A_389, %convert_element_type3A_419 : vector<1x128xi32>
    %lt3A_421 = vector.broadcast %add3A_416 : i32 to vector<1x128xi32>
    %lt3A_422 = arith.cmpi slt, %iota3A_168, %lt3A_421 : vector<1x128xi32>
    %convert_element_type3A_423 = arith.extui %lt3A_422 : vector<1x128xi1> to vector<1x128xi32>
    %swap3A_424 = arith.constant 0 : index
    %swap3A_425 = arith.constant 0 : index
    %swap3A_426 = vector.load %arg14[%swap3A_424, %swap3A_425] : memref<1x128xi32, #tpu.memory_space<vmem>>, vector<1x128xi32>
    tpu.vector_store %arg14[%swap3A_424, %swap3A_425], %convert_element_type3A_423 {strides = array<i32>} : memref<1x128xi32, #tpu.memory_space<vmem>>, vector<1x128xi32>,
    %min3A = arith.constant 7 : i32
    %min3A_427 = vector.broadcast %min3A : i32 to vector<1x128xi32>
    %min3A_428 = arith.minsi %add3A_420, %min3A_427 : vector<1x128xi32>
    %swap3A_429 = arith.constant 0 : index
    %swap3A_430 = arith.constant 0 : index
    %swap3A_431 = vector.load %arg13[%swap3A_429, %swap3A_430] : memref<1x128xi32, #tpu.memory_space<vmem>>, vector<1x128xi32>
    tpu.vector_store %arg13[%swap3A_429, %swap3A_430], %min3A_428 {strides = array<i32>} : memref<1x128xi32, #tpu.memory_space<vmem>>, vector<1x128xi32>,
    %swap3A_432 = arith.constant 0 : index
    %swap3A_433 = arith.constant 0 : index
    %swap3A_434 = vector.load %arg15[%swap3A_432, %swap3A_433] : memref<1x128xi32, #tpu.memory_space<vmem>>, vector<1x128xi32>
    tpu.vector_store %arg15[%swap3A_432, %swap3A_433], %add3A_411 {strides = array<i32>} : memref<1x128xi32, #tpu.memory_space<vmem>>, vector<1x128xi32>,
    return
  }
  func.func @transform_0(%arg0: i32) -> (i32, i32) {
    %c0_i32 = arith.constant 0 : i32
    %c0_i32_0 = arith.constant 0 : i32
    return %arg0, %c0_i32 : i32, i32
  }
  func.func @transform_1(%arg0: i32) -> (i32, i32) {
    %c0_i32 = arith.constant 0 : i32
    %c0_i32_0 = arith.constant 0 : i32
    %c0_i32_1 = arith.constant 0 : i32
    return %c0_i32, %c0_i32_0 : i32, i32
  }
  func.func @transform_2(%arg0: i32) -> (i32, i32) {
    %c0_i32 = arith.constant 0 : i32
    %c0_i32_0 = arith.constant 0 : i32
    %c0_i32_1 = arith.constant 0 : i32
    return %c0_i32, %c0_i32_0 : i32, i32
  }
  func.func @transform_3(%arg0: i32) -> (i32, i32) {
    %c0_i32 = arith.constant 0 : i32
    %c0_i32_0 = arith.constant 0 : i32
    %c0_i32_1 = arith.constant 0 : i32
    return %c0_i32, %c0_i32_0 : i32, i32
  }
  func.func @transform_4(%arg0: i32) -> (i32, i32) {
    %c0_i32 = arith.constant 0 : i32
    %c0_i32_0 = arith.constant 0 : i32
    %c0_i32_1 = arith.constant 0 : i32
    return %c0_i32, %c0_i32_0 : i32, i32
  }
  func.func @transform_5(%arg0: i32) -> (i32, i32) {
    %c0_i32 = arith.constant 0 : i32
    %c0_i32_0 = arith.constant 0 : i32
    %c0_i32_1 = arith.constant 0 : i32
    return %c0_i32, %c0_i32_0 : i32, i32
  }
  func.func @transform_6(%arg0: i32) -> (i32, i32) {
    %c0_i32 = arith.constant 0 : i32
    %c0_i32_0 = arith.constant 0 : i32
    %c0_i32_1 = arith.constant 0 : i32
    return %c0_i32, %c0_i32_0 : i32, i32
  }
  func.func @transform_7(%arg0: i32) -> (i32, i32) {
    %c0_i32 = arith.constant 0 : i32
    %c0_i32_0 = arith.constant 0 : i32
    return %arg0, %c0_i32 : i32, i32
  }
  func.func @transform_8(%arg0: i32) -> (i32, i32) {
    %c0_i32 = arith.constant 0 : i32
    %c0_i32_0 = arith.constant 0 : i32
    return %arg0, %c0_i32 : i32, i32
  }
  func.func @transform_9(%arg0: i32) -> (i32, i32) {
    %c0_i32 = arith.constant 0 : i32
    %c0_i32_0 = arith.constant 0 : i32
    return %arg0, %c0_i32 : i32, i32
  }
  func.func @transform_10(%arg0: i32) -> (i32, i32) {
    %c0_i32 = arith.constant 0 : i32
    %c0_i32_0 = arith.constant 0 : i32
    return %arg0, %c0_i32 : i32, i32
  }
  func.func @transform_11(%arg0: i32) -> (i32, i32) {
    %c0_i32 = arith.constant 0 : i32
    %c0_i32_0 = arith.constant 0 : i32
    return %c0_i32, %arg0 : i32, i32
  }
  func.func @transform_12(%arg0: i32) -> (i32, i32) {
    %c0_i32 = arith.constant 0 : i32
    %c0_i32_0 = arith.constant 0 : i32
    %c0_i32_1 = arith.constant 0 : i32
    return %c0_i32, %c0_i32_0 : i32, i32
  }
  func.func @transform_13(%arg0: i32) -> (i32, i32) {
    %c0_i32 = arith.constant 0 : i32
    %c0_i32_0 = arith.constant 0 : i32
    %c0_i32_1 = arith.constant 0 : i32
    return %c0_i32, %c0_i32_0 : i32, i32
  }
  func.func @transform_14(%arg0: i32) -> (i32, i32) {
    %c0_i32 = arith.constant 0 : i32
    %c0_i32_0 = arith.constant 0 : i32
    %c0_i32_1 = arith.constant 0 : i32
    return %c0_i32, %c0_i32_0 : i32, i32
  }
  func.func @transform_15(%arg0: i32) -> (i32, i32) {
    %c0_i32 = arith.constant 0 : i32
    %c0_i32_0 = arith.constant 0 : i32
    return %arg0, %c0_i32 : i32, i32
  }
}

module attributes {stable_mosaic.version = 14 : i64} {
  func.func @_gmm_body(%arg0: i32, %arg1: memref<1x128xi32, #tpu.memory_space<smem>>, %arg2: memref<1x128xi32, #tpu.memory_space<smem>>, %arg3: memref<512x512xi32, #tpu.memory_space<vmem>>, %arg4: memref<1x1024x1024xf32, #tpu.memory_space<vmem>>, %arg5: memref<1024x512xf32, #tpu.memory_space<vmem>>, %arg6: memref<512x256xi32, #tpu.memory_space<vmem>>, %arg7: memref<1024x512xbf16, #tpu.memory_space<vmem>>) attributes {dimension_semantics = [#tpu.dimension_semantics<arbitrary>], iteration_bounds = array<i64: 16>, scalar_prefetch = 2 : i64, scratch_operands = 1 : i64, tpu.core_type = #tpu.core_type<tc>, window_params = [{transform_indices = @transform_0, window_bounds = array<i64: 512, 512>}, {transform_indices = @transform_1, window_bounds = array<i64: 1, 1024, 1024>}, {pipeline_mode = #tpu.pipeline_mode<synchronous>, transform_indices = @transform_2, window_bounds = array<i64: 1024, 512>}, {transform_indices = @transform_3, window_bounds = array<i64: 512, 256>}]} {
    %eq3A = arith.constant 0 : i32
    %eq3A_0 = arith.cmpi eq, %arg0, %eq3A : i32
    %convert_element_type3A = arith.extui %eq3A_0 : i1 to i32
    %cond3A = arith.constant 0 : i32
    %cond3A_1 = arith.cmpi ne, %convert_element_type3A, %cond3A : i32
    scf.if %cond3A_1 {
      %get3A_9 = arith.constant 0 : index
      %get3A_10 = arith.constant 0 : index
      %get3A_11 = vector.load %arg5[%get3A_9, %get3A_10] : memref<1024x512xf32, #tpu.memory_space<vmem>>, vector<1024x512xf32>
      %convert_element_type3A_12 = arith.truncf %get3A_11 : vector<1024x512xf32> to vector<1024x512xbf16>
      %swap3A = arith.constant 0 : index
      %swap3A_13 = arith.constant 0 : index
      %swap3A_14 = vector.load %arg7[%swap3A, %swap3A_13] : memref<1024x512xbf16, #tpu.memory_space<vmem>>, vector<1024x512xbf16>
      tpu.vector_store %arg7[%swap3A, %swap3A_13], %convert_element_type3A_12 {strides = array<i32>} : memref<1024x512xbf16, #tpu.memory_space<vmem>>, vector<1024x512xbf16>,
    } else {
    }
    %get3A = arith.constant 0 : index
    %get3A_2 = arith.index_cast %arg0 : i32 to index
    %get3A_3 = memref.load %arg2[%get3A, %get3A_2] : memref<1x128xi32, #tpu.memory_space<smem>>
    %eq3A_4 = arith.constant 1 : i32
    %eq3A_5 = arith.cmpi eq, %get3A_3, %eq3A_4 : i32
    %convert_element_type3A_6 = arith.extui %eq3A_5 : i1 to i32
    %cond3A_7 = arith.constant 0 : i32
    %cond3A_8 = arith.cmpi ne, %convert_element_type3A_6, %cond3A_7 : i32
    scf.if %cond3A_8 {
      %get3A_9 = arith.constant 0 : index
      %get3A_10 = arith.constant 0 : index
      %get3A_11 = vector.load %arg3[%get3A_9, %get3A_10] : memref<512x512xi32, #tpu.memory_space<vmem>>, vector<512x512xi32>
      %bitcast_convert_type3A = tpu.bitcast %get3A_11 : vector<512x512xi32> -> vector<512x512xi32>
      %and3A = arith.constant 65535 : i32
      %and3A_12 = vector.broadcast %and3A : i32 to vector<512x512xi32>
      %and3A_13 = arith.andi %bitcast_convert_type3A, %and3A_12 : vector<512x512xi32>
      %convert_element_type3A_14 = arith.trunci %and3A_13 : vector<512x512xi32> to vector<512x512xi16>
      %bitcast_convert_type3A_15 = tpu.bitcast %convert_element_type3A_14 : vector<512x512xi16> -> vector<512x512xbf16>
      %shift_right_logical3A = arith.constant 16 : i32
      %shift_right_logical3A_16 = vector.broadcast %shift_right_logical3A : i32 to vector<512x512xi32>
      %shift_right_logical3A_17 = arith.shrui %bitcast_convert_type3A, %shift_right_logical3A_16 : vector<512x512xi32>
      %convert_element_type3A_18 = arith.trunci %shift_right_logical3A_17 : vector<512x512xi32> to vector<512x512xi16>
      %bitcast_convert_type3A_19 = tpu.bitcast %convert_element_type3A_18 : vector<512x512xi16> -> vector<512x512xbf16>
      %concatenate3A = tpu.concatenate %bitcast_convert_type3A_15, %bitcast_convert_type3A_19 in 1 : vector<512x512xbf16>, vector<512x512xbf16> -> vector<512x1024xbf16>
      %get3A_20 = arith.constant 0 : index
      %get3A_21 = arith.constant 0 : index
      %get3A_22 = arith.constant 0 : index
      %get3A_23 = vector.load %arg4[%get3A_20, %get3A_21, %get3A_22] : memref<1x1024x1024xf32, #tpu.memory_space<vmem>>, vector<1x1024x1024xf32>
      %get3A_24 = vector.shape_cast %get3A_23 : vector<1x1024x1024xf32> to vector<1024x1024xf32>
      %convert_element_type3A_25 = arith.truncf %get3A_24 : vector<1024x1024xf32> to vector<1024x1024xbf16>
      %dot_general3A = arith.constant dense<0.000000e+00> : vector<512x1024xf32>
      %dot_general3A_26 = tpu.matmul %concatenate3A, %convert_element_type3A_25, %dot_general3A {dimension_numbers = #tpu.dot_dimension_numbers<[1], [0], [0], [1], [0, 0, 1, 1], [], []>, transpose_lhs_hint = false} : vector<512x1024xbf16>, vector<1024x1024xbf16>, vector<512x1024xf32> -> vector<512x1024xf32>
      %convert_element_type3A_27 = arith.truncf %dot_general3A_26 : vector<512x1024xf32> to vector<512x1024xbf16>
      %get3A_28 = arith.constant 0 : index
      %get3A_29 = arith.constant 0 : index
      %get3A_30 = vector.load %arg7[%get3A_28, %get3A_29] : memref<1024x512xbf16, #tpu.memory_space<vmem>>, vector<1024x512xbf16>
      %dot_general3A_31 = arith.constant dense<0.000000e+00> : vector<512x512xf32>
      %dot_general3A_32 = tpu.matmul %convert_element_type3A_27, %get3A_30, %dot_general3A_31 {dimension_numbers = #tpu.dot_dimension_numbers<[1], [0], [0], [1], [0, 0, 1, 1], [], []>, transpose_lhs_hint = false} : vector<512x1024xbf16>, vector<1024x512xbf16>, vector<512x512xf32> -> vector<512x512xf32>
      %convert_element_type3A_33 = arith.truncf %dot_general3A_32 : vector<512x512xf32> to vector<512x512xbf16>
      %slice3A = vector.extract_strided_slice %convert_element_type3A_33 {offsets = [0, 0], sizes = [512, 256], strides = [1, 1]} : vector<512x512xbf16> to vector<512x256xbf16>
      %bitcast_convert_type3A_34 = tpu.bitcast %slice3A : vector<512x256xbf16> -> vector<512x256xi16>
      %convert_element_type3A_35 = arith.extui %bitcast_convert_type3A_34 : vector<512x256xi16> to vector<512x256xi32>
      %slice3A_36 = vector.extract_strided_slice %convert_element_type3A_33 {offsets = [0, 256], sizes = [512, 256], strides = [1, 1]} : vector<512x512xbf16> to vector<512x256xbf16>
      %bitcast_convert_type3A_37 = tpu.bitcast %slice3A_36 : vector<512x256xbf16> -> vector<512x256xi16>
      %convert_element_type3A_38 = arith.extui %bitcast_convert_type3A_37 : vector<512x256xi16> to vector<512x256xi32>
      %shift_left3A = arith.constant 16 : i32
      %shift_left3A_39 = vector.broadcast %shift_left3A : i32 to vector<512x256xi32>
      %shift_left3A_40 = arith.shli %convert_element_type3A_38, %shift_left3A_39 : vector<512x256xi32>
      %or3A = arith.ori %convert_element_type3A_35, %shift_left3A_40 : vector<512x256xi32>
      %bitcast_convert_type3A_41 = tpu.bitcast %or3A : vector<512x256xi32> -> vector<512x256xi32>
      %swap3A = arith.constant 0 : index
      %swap3A_42 = arith.constant 0 : index
      %swap3A_43 = vector.load %arg6[%swap3A, %swap3A_42] : memref<512x256xi32, #tpu.memory_space<vmem>>, vector<512x256xi32>
      tpu.vector_store %arg6[%swap3A, %swap3A_42], %bitcast_convert_type3A_41 {strides = array<i32>} : memref<512x256xi32, #tpu.memory_space<vmem>>, vector<512x256xi32>,
    } else {
    }
    return
  }
  func.func @transform_0(%arg0: i32, %arg1: memref<1x128xi32, #tpu.memory_space<smem>>, %arg2: memref<1x128xi32, #tpu.memory_space<smem>>) -> (i32, i32) {
    %get3A = arith.constant 0 : index
    %get3A_0 = arith.index_cast %arg0 : i32 to index
    %get3A_1 = memref.load %arg2[%get3A, %get3A_0] : memref<1x128xi32, #tpu.memory_space<smem>>
    %mul3A = arith.muli %get3A_1, %arg0 : i32
    %c0_i32 = arith.constant 0 : i32
    %c0_i32_2 = arith.constant 0 : i32
    return %mul3A, %c0_i32 : i32, i32
  }
  func.func @transform_1(%arg0: i32, %arg1: memref<1x128xi32, #tpu.memory_space<smem>>, %arg2: memref<1x128xi32, #tpu.memory_space<smem>>) -> (i32, i32, i32) {
    %get3A = arith.constant 0 : index
    %get3A_0 = arith.index_cast %arg0 : i32 to index
    %get3A_1 = memref.load %arg1[%get3A, %get3A_0] : memref<1x128xi32, #tpu.memory_space<smem>>
    %c0_i32 = arith.constant 0 : i32
    %c0_i32_2 = arith.constant 0 : i32
    %c0_i32_3 = arith.constant 0 : i32
    return %get3A_1, %c0_i32, %c0_i32_2 : i32, i32, i32
  }
  func.func @transform_2(%arg0: i32, %arg1: memref<1x128xi32, #tpu.memory_space<smem>>, %arg2: memref<1x128xi32, #tpu.memory_space<smem>>) -> (i32, i32) {
    %c0_i32 = arith.constant 0 : i32
    %c0_i32_0 = arith.constant 0 : i32
    %c0_i32_1 = arith.constant 0 : i32
    return %c0_i32, %c0_i32_0 : i32, i32
  }
  func.func @transform_3(%arg0: i32, %arg1: memref<1x128xi32, #tpu.memory_space<smem>>, %arg2: memref<1x128xi32, #tpu.memory_space<smem>>) -> (i32, i32) {
    %get3A = arith.constant 0 : index
    %get3A_0 = arith.index_cast %arg0 : i32 to index
    %get3A_1 = memref.load %arg2[%get3A, %get3A_0] : memref<1x128xi32, #tpu.memory_space<smem>>
    %eq3A = arith.constant 1 : i32
    %eq3A_2 = arith.cmpi eq, %get3A_1, %eq3A : i32
    %jit3A = arith.constant 16 : i32
    %select_n3A = arith.select %eq3A_2, %arg0, %jit3A : i32
    %c0_i32 = arith.constant 0 : i32
    %c0_i32_3 = arith.constant 0 : i32
    return %select_n3A, %c0_i32 : i32, i32
  }
}

module attributes {stable_mosaic.version = 14 : i64} {
  func.func @_classifier_body(%arg0: i32, %arg1: memref<1024x256xi32, #tpu.memory_space<vmem>>, %arg2: memref<1024x256xi32, #tpu.memory_space<vmem>>, %arg3: memref<1024x1xf32, #tpu.memory_space<vmem>>, %arg4: memref<1024x1xf32, #tpu.memory_space<vmem>>, %arg5: memref<1024x8xf32, #tpu.memory_space<vmem>>, %arg6: memref<8x1024xf32, #tpu.memory_space<vmem>>, %arg7: memref<1024x512xf32, #tpu.memory_space<vmem>>, %arg8: memref<1x512xf32, #tpu.memory_space<vmem>>, %arg9: memref<1x512xf32, #tpu.memory_space<vmem>>, %arg10: memref<1x512xf32, #tpu.memory_space<vmem>>, %arg11: memref<512x3xf32, #tpu.memory_space<vmem>>, %arg12: memref<1x3xf32, #tpu.memory_space<vmem>>, %arg13: memref<1024x3xf32, #tpu.memory_space<vmem>>) attributes {dimension_semantics = [#tpu.dimension_semantics<parallel>], iteration_bounds = array<i64: 2>, scalar_prefetch = 0 : i64, scratch_operands = 0 : i64, tpu.core_type = #tpu.core_type<tc>, window_params = [{transform_indices = @transform_0, window_bounds = array<i64: 1024, 256>}, {transform_indices = @transform_1, window_bounds = array<i64: 1024, 256>}, {transform_indices = @transform_2, window_bounds = array<i64: 1024, 1>}, {transform_indices = @transform_3, window_bounds = array<i64: 1024, 1>}, {transform_indices = @transform_4, window_bounds = array<i64: 1024, 8>}, {pipeline_mode = #tpu.pipeline_mode<synchronous>, transform_indices = @transform_5, window_bounds = array<i64: 8, 1024>}, {pipeline_mode = #tpu.pipeline_mode<synchronous>, transform_indices = @transform_6, window_bounds = array<i64: 1024, 512>}, {pipeline_mode = #tpu.pipeline_mode<synchronous>, transform_indices = @transform_7, window_bounds = array<i64: 1, 512>}, {pipeline_mode = #tpu.pipeline_mode<synchronous>, transform_indices = @transform_8, window_bounds = array<i64: 1, 512>}, {pipeline_mode = #tpu.pipeline_mode<synchronous>, transform_indices = @transform_9, window_bounds = array<i64: 1, 512>}, {pipeline_mode = #tpu.pipeline_mode<synchronous>, transform_indices = @transform_10, window_bounds = array<i64: 512, 3>}, {pipeline_mode = #tpu.pipeline_mode<synchronous>, transform_indices = @transform_11, window_bounds = array<i64: 1, 3>}, {transform_indices = @transform_12, window_bounds = array<i64: 1024, 3>}]} {
    %get3A = arith.constant 0 : index
    %get3A_0 = arith.constant 0 : index
    %get3A_1 = vector.load %arg6[%get3A, %get3A_0] : memref<8x1024xf32, #tpu.memory_space<vmem>>, vector<8x1024xf32>
    %get3A_2 = arith.constant 0 : index
    %get3A_3 = arith.constant 0 : index
    %get3A_4 = vector.load %arg7[%get3A_2, %get3A_3] : memref<1024x512xf32, #tpu.memory_space<vmem>>, vector<1024x512xf32>
    %dot_general3A = arith.constant dense<0.000000e+00> : vector<8x512xf32>
    %dot_general3A_5 = tpu.matmul %get3A_1, %get3A_4, %dot_general3A {dimension_numbers = #tpu.dot_dimension_numbers<[1], [0], [0], [1], [0, 0, 1, 1], [], []>, transpose_lhs_hint = false} : vector<8x1024xf32>, vector<1024x512xf32>, vector<8x512xf32> -> vector<8x512xf32>
    %get3A_6 = arith.constant 0 : index
    %get3A_7 = arith.constant 0 : index
    %get3A_8 = vector.load %arg1[%get3A_6, %get3A_7] : memref<1024x256xi32, #tpu.memory_space<vmem>>, vector<1024x256xi32>
    %bitcast_convert_type3A = tpu.bitcast %get3A_8 : vector<1024x256xi32> -> vector<1024x256xi32>
    %and3A = arith.constant 65535 : i32
    %and3A_9 = vector.broadcast %and3A : i32 to vector<1024x256xi32>
    %and3A_10 = arith.andi %bitcast_convert_type3A, %and3A_9 : vector<1024x256xi32>
    %convert_element_type3A = arith.trunci %and3A_10 : vector<1024x256xi32> to vector<1024x256xi16>
    %bitcast_convert_type3A_11 = tpu.bitcast %convert_element_type3A : vector<1024x256xi16> -> vector<1024x256xbf16>
    %shift_right_logical3A = arith.constant 16 : i32
    %shift_right_logical3A_12 = vector.broadcast %shift_right_logical3A : i32 to vector<1024x256xi32>
    %shift_right_logical3A_13 = arith.shrui %bitcast_convert_type3A, %shift_right_logical3A_12 : vector<1024x256xi32>
    %convert_element_type3A_14 = arith.trunci %shift_right_logical3A_13 : vector<1024x256xi32> to vector<1024x256xi16>
    %bitcast_convert_type3A_15 = tpu.bitcast %convert_element_type3A_14 : vector<1024x256xi16> -> vector<1024x256xbf16>
    %concatenate3A = tpu.concatenate %bitcast_convert_type3A_11, %bitcast_convert_type3A_15 in 1 : vector<1024x256xbf16>, vector<1024x256xbf16> -> vector<1024x512xbf16>
    %convert_element_type3A_16 = arith.extf %concatenate3A : vector<1024x512xbf16> to vector<1024x512xf32>
    %get3A_17 = arith.constant 0 : index
    %get3A_18 = arith.constant 0 : index
    %get3A_19 = vector.load %arg2[%get3A_17, %get3A_18] : memref<1024x256xi32, #tpu.memory_space<vmem>>, vector<1024x256xi32>
    %bitcast_convert_type3A_20 = tpu.bitcast %get3A_19 : vector<1024x256xi32> -> vector<1024x256xi32>
    %and3A_21 = arith.constant 65535 : i32
    %and3A_22 = vector.broadcast %and3A_21 : i32 to vector<1024x256xi32>
    %and3A_23 = arith.andi %bitcast_convert_type3A_20, %and3A_22 : vector<1024x256xi32>
    %convert_element_type3A_24 = arith.trunci %and3A_23 : vector<1024x256xi32> to vector<1024x256xi16>
    %bitcast_convert_type3A_25 = tpu.bitcast %convert_element_type3A_24 : vector<1024x256xi16> -> vector<1024x256xbf16>
    %shift_right_logical3A_26 = arith.constant 16 : i32
    %shift_right_logical3A_27 = vector.broadcast %shift_right_logical3A_26 : i32 to vector<1024x256xi32>
    %shift_right_logical3A_28 = arith.shrui %bitcast_convert_type3A_20, %shift_right_logical3A_27 : vector<1024x256xi32>
    %convert_element_type3A_29 = arith.trunci %shift_right_logical3A_28 : vector<1024x256xi32> to vector<1024x256xi16>
    %bitcast_convert_type3A_30 = tpu.bitcast %convert_element_type3A_29 : vector<1024x256xi16> -> vector<1024x256xbf16>
    %concatenate3A_31 = tpu.concatenate %bitcast_convert_type3A_25, %bitcast_convert_type3A_30 in 1 : vector<1024x256xbf16>, vector<1024x256xbf16> -> vector<1024x512xbf16>
    %convert_element_type3A_32 = arith.extf %concatenate3A_31 : vector<1024x512xbf16> to vector<1024x512xf32>
    %get3A_33 = arith.constant 0 : index
    %get3A_34 = arith.constant 0 : index
    %get3A_35 = vector.load %arg3[%get3A_33, %get3A_34] : memref<1024x1xf32, #tpu.memory_space<vmem>>, vector<1024x1xf32>
    %mul3A = vector.broadcast %get3A_35 : vector<1024x1xf32> to vector<1024x512xf32>
    %mul3A_36 = arith.mulf %convert_element_type3A_16, %mul3A : vector<1024x512xf32>
    %get3A_37 = arith.constant 0 : index
    %get3A_38 = arith.constant 0 : index
    %get3A_39 = vector.load %arg4[%get3A_37, %get3A_38] : memref<1024x1xf32, #tpu.memory_space<vmem>>, vector<1024x1xf32>
    %mul3A_40 = vector.broadcast %get3A_39 : vector<1024x1xf32> to vector<1024x512xf32>
    %mul3A_41 = arith.mulf %convert_element_type3A_32, %mul3A_40 : vector<1024x512xf32>
    %add3A = arith.addf %mul3A_36, %mul3A_41 : vector<1024x512xf32>
    %get3A_42 = arith.constant 0 : index
    %get3A_43 = arith.constant 0 : index
    %get3A_44 = vector.load %arg5[%get3A_42, %get3A_43] : memref<1024x8xf32, #tpu.memory_space<vmem>>, vector<1024x8xf32>
    %dot_general3A_45 = arith.constant dense<0.000000e+00> : vector<1024x512xf32>
    %dot_general3A_46 = tpu.matmul %get3A_44, %dot_general3A_5, %dot_general3A_45 {dimension_numbers = #tpu.dot_dimension_numbers<[1], [0], [0], [1], [0, 0, 1, 1], [], []>, transpose_lhs_hint = false} : vector<1024x8xf32>, vector<8x512xf32>, vector<1024x512xf32> -> vector<1024x512xf32>
    %add3A_47 = arith.addf %add3A, %dot_general3A_46 : vector<1024x512xf32>
    %get3A_48 = arith.constant 0 : index
    %get3A_49 = arith.constant 0 : index
    %get3A_50 = vector.load %arg8[%get3A_48, %get3A_49] : memref<1x512xf32, #tpu.memory_space<vmem>>, vector<1x512xf32>
    %add3A_51 = vector.broadcast %get3A_50 : vector<1x512xf32> to vector<1024x512xf32>
    %add3A_52 = arith.addf %add3A_47, %add3A_51 : vector<1024x512xf32>
    %get3A_53 = arith.constant 0 : index
    %get3A_54 = arith.constant 0 : index
    %get3A_55 = vector.load %arg9[%get3A_53, %get3A_54] : memref<1x512xf32, #tpu.memory_space<vmem>>, vector<1x512xf32>
    %get3A_56 = arith.constant 0 : index
    %get3A_57 = arith.constant 0 : index
    %get3A_58 = vector.load %arg10[%get3A_56, %get3A_57] : memref<1x512xf32, #tpu.memory_space<vmem>>, vector<1x512xf32>
    %reduce_sum3A = arith.constant dense<0.000000e+00> : vector<1024xf32>
    %reduce_sum3A_59 = vector.multi_reduction <add>, %add3A_52, %reduce_sum3A [1] : vector<1024x512xf32> to vector<1024xf32>
    %broadcast_in_dim3A = vector.shape_cast %reduce_sum3A_59 : vector<1024xf32> to vector<1024x1xf32>
    %div3A = arith.constant 5.120000e+02 : f32
    %div3A_60 = vector.broadcast %div3A : f32 to vector<1024x1xf32>
    %div3A_61 = arith.divf %broadcast_in_dim3A, %div3A_60 : vector<1024x1xf32>
    %sub3A = vector.broadcast %div3A_61 : vector<1024x1xf32> to vector<1024x512xf32>
    %sub3A_62 = arith.subf %add3A_52, %sub3A : vector<1024x512xf32>
    %integer_pow3A = arith.mulf %sub3A_62, %sub3A_62 : vector<1024x512xf32>
    %reduce_sum3A_63 = arith.constant dense<0.000000e+00> : vector<1024xf32>
    %reduce_sum3A_64 = vector.multi_reduction <add>, %integer_pow3A, %reduce_sum3A_63 [1] : vector<1024x512xf32> to vector<1024xf32>
    %broadcast_in_dim3A_65 = vector.shape_cast %reduce_sum3A_64 : vector<1024xf32> to vector<1024x1xf32>
    %div3A_66 = arith.constant 5.120000e+02 : f32
    %div3A_67 = vector.broadcast %div3A_66 : f32 to vector<1024x1xf32>
    %div3A_68 = arith.divf %broadcast_in_dim3A_65, %div3A_67 : vector<1024x1xf32>
    %sub3A_69 = vector.broadcast %div3A_61 : vector<1024x1xf32> to vector<1024x512xf32>
    %sub3A_70 = arith.subf %add3A_52, %sub3A_69 : vector<1024x512xf32>
    %add3A_71 = arith.constant 9.99999974E-6 : f32
    %add3A_72 = vector.broadcast %add3A_71 : f32 to vector<1024x1xf32>
    %add3A_73 = arith.addf %div3A_68, %add3A_72 : vector<1024x1xf32>
    %sqrt3A = math.sqrt %add3A_73 : vector<1024x1xf32>
    %div3A_74 = vector.broadcast %sqrt3A : vector<1024x1xf32> to vector<1024x512xf32>
    %div3A_75 = arith.divf %sub3A_70, %div3A_74 : vector<1024x512xf32>
    %mul3A_76 = vector.broadcast %get3A_55 : vector<1x512xf32> to vector<1024x512xf32>
    %mul3A_77 = arith.mulf %div3A_75, %mul3A_76 : vector<1024x512xf32>
    %add3A_78 = vector.broadcast %get3A_58 : vector<1x512xf32> to vector<1024x512xf32>
    %add3A_79 = arith.addf %mul3A_77, %add3A_78 : vector<1024x512xf32>
    %max3A = arith.constant 0.000000e+00 : f32
    %max3A_80 = vector.broadcast %max3A : f32 to vector<1024x512xf32>
    %max3A_81 = arith.maximumf %add3A_79, %max3A_80 : vector<1024x512xf32>
    %get3A_82 = arith.constant 0 : index
    %get3A_83 = arith.constant 0 : index
    %get3A_84 = vector.load %arg11[%get3A_82, %get3A_83] : memref<512x3xf32, #tpu.memory_space<vmem>>, vector<512x3xf32>
    %dot_general3A_85 = arith.constant dense<0.000000e+00> : vector<1024x3xf32>
    %dot_general3A_86 = tpu.matmul %max3A_81, %get3A_84, %dot_general3A_85 {dimension_numbers = #tpu.dot_dimension_numbers<[1], [0], [0], [1], [0, 0, 1, 1], [], []>, transpose_lhs_hint = false} : vector<1024x512xf32>, vector<512x3xf32>, vector<1024x3xf32> -> vector<1024x3xf32>
    %get3A_87 = arith.constant 0 : index
    %get3A_88 = arith.constant 0 : index
    %get3A_89 = vector.load %arg12[%get3A_87, %get3A_88] : memref<1x3xf32, #tpu.memory_space<vmem>>, vector<1x3xf32>
    %add3A_90 = vector.broadcast %get3A_89 : vector<1x3xf32> to vector<1024x3xf32>
    %add3A_91 = arith.addf %dot_general3A_86, %add3A_90 : vector<1024x3xf32>
    %swap3A = arith.constant 0 : index
    %swap3A_92 = arith.constant 0 : index
    %swap3A_93 = vector.load %arg13[%swap3A, %swap3A_92] : memref<1024x3xf32, #tpu.memory_space<vmem>>, vector<1024x3xf32>
    tpu.vector_store %arg13[%swap3A, %swap3A_92], %add3A_91 {strides = array<i32>} : memref<1024x3xf32, #tpu.memory_space<vmem>>, vector<1024x3xf32>,
    return
  }
  func.func @transform_0(%arg0: i32) -> (i32, i32) {
    %c0_i32 = arith.constant 0 : i32
    %c0_i32_0 = arith.constant 0 : i32
    return %arg0, %c0_i32 : i32, i32
  }
  func.func @transform_1(%arg0: i32) -> (i32, i32) {
    %c0_i32 = arith.constant 0 : i32
    %c0_i32_0 = arith.constant 0 : i32
    return %arg0, %c0_i32 : i32, i32
  }
  func.func @transform_2(%arg0: i32) -> (i32, i32) {
    %c0_i32 = arith.constant 0 : i32
    %c0_i32_0 = arith.constant 0 : i32
    return %arg0, %c0_i32 : i32, i32
  }
  func.func @transform_3(%arg0: i32) -> (i32, i32) {
    %c0_i32 = arith.constant 0 : i32
    %c0_i32_0 = arith.constant 0 : i32
    return %arg0, %c0_i32 : i32, i32
  }
  func.func @transform_4(%arg0: i32) -> (i32, i32) {
    %c0_i32 = arith.constant 0 : i32
    %c0_i32_0 = arith.constant 0 : i32
    return %arg0, %c0_i32 : i32, i32
  }
  func.func @transform_5(%arg0: i32) -> (i32, i32) {
    %c0_i32 = arith.constant 0 : i32
    %c0_i32_0 = arith.constant 0 : i32
    %c0_i32_1 = arith.constant 0 : i32
    return %c0_i32, %c0_i32_0 : i32, i32
  }
  func.func @transform_6(%arg0: i32) -> (i32, i32) {
    %c0_i32 = arith.constant 0 : i32
    %c0_i32_0 = arith.constant 0 : i32
    %c0_i32_1 = arith.constant 0 : i32
    return %c0_i32, %c0_i32_0 : i32, i32
  }
  func.func @transform_7(%arg0: i32) -> (i32, i32) {
    %c0_i32 = arith.constant 0 : i32
    %c0_i32_0 = arith.constant 0 : i32
    %c0_i32_1 = arith.constant 0 : i32
    return %c0_i32, %c0_i32_0 : i32, i32
  }
  func.func @transform_8(%arg0: i32) -> (i32, i32) {
    %c0_i32 = arith.constant 0 : i32
    %c0_i32_0 = arith.constant 0 : i32
    %c0_i32_1 = arith.constant 0 : i32
    return %c0_i32, %c0_i32_0 : i32, i32
  }
  func.func @transform_9(%arg0: i32) -> (i32, i32) {
    %c0_i32 = arith.constant 0 : i32
    %c0_i32_0 = arith.constant 0 : i32
    %c0_i32_1 = arith.constant 0 : i32
    return %c0_i32, %c0_i32_0 : i32, i32
  }
  func.func @transform_10(%arg0: i32) -> (i32, i32) {
    %c0_i32 = arith.constant 0 : i32
    %c0_i32_0 = arith.constant 0 : i32
    %c0_i32_1 = arith.constant 0 : i32
    return %c0_i32, %c0_i32_0 : i32, i32
  }
  func.func @transform_11(%arg0: i32) -> (i32, i32) {
    %c0_i32 = arith.constant 0 : i32
    %c0_i32_0 = arith.constant 0 : i32
    %c0_i32_1 = arith.constant 0 : i32
    return %c0_i32, %c0_i32_0 : i32, i32
  }
  func.func @transform_12(%arg0: i32) -> (i32, i32) {
    %c0_i32 = arith.constant 0 : i32
    %c0_i32_0 = arith.constant 0 : i32
    return %arg0, %c0_i32 : i32, i32
  }
}

</mosaic_0001>

<sc_bundles>
// kernel: kernel.10.cloned.1.call-start
scs
__scs_entry_jumppad:
0x0: {  	(pc) =	sbr.rel $0x88, $3  }
0x1: {  	(tag) =	ssettag $0x0;
	lr =	simm.s32 $0x1  }
0x2: {  	[smem:$0x3F92] =	sst lr;
	_ =	strace $0xD0000000  }
0x3: {  	_ = 	snop  }
0x4: {  	_ = 	snop  }
0x5: {  	_ = 	snop  }
0x6: {  	_ = 	snop  }
0x7: {  	_ = 	snop  }
__scs_overlays_trampoline_lowered:
0x8: {  	[smem:$0x3FA1] =	sst s0  }
0x9: {  	[smem:$0x3FA2] =	sst s1  }
0xa: {  	[smem:$0x3FA3] =	sst s2  }
0xb: {  	[smem:$0x3FA4] =	sst s3  }
0xc: {  	[smem:$0x3FA5] =	sst s4  }
0xd: {  	[smem:$0x3FA6] =	sst s5  }
0xe: {  	[smem:$0x3FA7] =	sst s6  }
0xf: {  	[smem:$0x3FA8] =	sst s7  }
0x10: {  	[smem:$0x3FA9] =	sst s8  }
0x11: {  	[smem:$0x3FAA] =	sst s9;
	s0 =	simm.s32 @!p0 $0x0  }
0x12: {  	s1 =	sld [smem:$0x3F90];
	s0 =	simm.s32 @p0 $0x1  }
0x13: {  	[smem:$0x3FAB] =	sst s0;
	s0 =	simm.s32 @!p1 $0x0  }
0x14: {  	s2 =	sld [smem:$0x3F8F];
	s0 =	simm.s32 @p1 $0x1  }
0x15: {  	[smem:$0x3FAC] =	sst s0;
	s0 =	simm.s32 @!p2 $0x0  }
0x16: {  	s3 =	sld [smem:$0x3FDB];
	s0 =	simm.s32 @p2 $0x1  }
0x17: {  	s4 =	simm.s32 $0x1BF5;
	[smem:$0x3FAE] =	sst s0  }
0x18: {  	s0 =	sld [smem:$0x3F91];
	_ =	swait.ge [sflag:s4], $0x0  }
0x19: {  	s7 =	sld [smem:$0x3F92]  }
0x1a: {  	s8 =	sadd.s32 $0xFFFFE003, lr  }
0x1b: {  	s9 =	sadd.s32 $0xFFFFFEF7, lr;
	s5 =	simm.s32 $0xFFFFFFFF;
	p2 =	slt.u32 s8, $0xFFFFF086  }
0x1c: {  	p1 =	slt.u32 s9, $0xF7A;
	s5 =	simm.s32 @!p2 $0x0  }
0x1d: {  	s5 =	simm.s32 @p1 $0x1;
	p0 =	seq.s32 s7, s2  }
0x1e: {  	s7 =	smul.u32 @!p0 $0xF7A, s2;
	p2 =	seq.s32 @!p0 s5, $0x0  }
0x1f: {  	s9 =	smul.u32 $0xF7A, s1;
	s8 =	simm.s32 @!p0 $0x1BF5;
	p2 =	por !p2, p0  }
0x20: {  	[sflag:s8] =	ssyncset.s32 @!p0 $0xFFFFF086;
	s6 =	sadd.s32 @!p0 s3, s7;
	s7 =	simm.s32 @!p0 $0x108  }
0x21: {  	s3 =	sadd.s32 s3, s9;
	s6 =	sadd.s32 @!p0 $0x88, s6;
	s7 =	simm.s32 @p2 $0x1082  }
0x22: {  	[simem:s7], [sflag:s8] =	dma.local @!p0 [hbm:s6], $0xF7A  }
0x23: {  	s9 =	sor.u32 $0xD0000000, s2;
	s6 =	simm.s32 $0x108;
	_ =	swait.ge @!p0 [sflag:s8], $0x0  }
0x24: {  	s3 =	sadd.s32 $0x88, s3;
	s6 =	simm.s32 @!p1 $0x1082;
	[sflag:s4] =	ssyncset.s32 $0xFFFFF086  }
0x25: {  	[simem:s6], [sflag:s4] =	dma.local [hbm:s3], $0xF7A  }
0x26: {  	[smem:$0x3F92] =	sst s1;
	(tag) =	ssettag s2;
	_ =	strace s9  }
0x27: {  	s1 =	sld [smem:$0x3FA2]  }
0x28: {  	s2 =	sld [smem:$0x3FA3]  }
0x29: {  	s4 =	sld [smem:$0x3FA5]  }
0x2a: {  	p0 =	seq.s32 s5, $0x0;
	s5 =	sld [smem:$0x3FA6]  }
0x2b: {  	s6 =	sld [smem:$0x3FA7]  }
0x2c: {  	s7 =	sld [smem:$0x3FA8]  }
0x2d: {  	s3 =	simm.s32 $0x108;
	s8 =	sld [smem:$0x3FA9]  }
0x2e: {  	s3 =	simm.s32 @!p0 $0x1082;
	s9 =	sld [smem:$0x3FAA]  }
0x2f: {  	lr =	sadd.s32 s0, s3;
	s0 =	sld [smem:$0x3FA1]  }
0x30: {  	s3 =	sld [smem:$0x3FA4]  }
0x31: {  	[smem:$0x3FAD] =	sst s10  }
0x32: {  	s10 =	sld [smem:$0x3FAB];
	_ =	sdelay $0x3  }
0x33: {  	p0 =	seq.s32 s10, $0x1;
	s10 =	sld [smem:$0x3FAD];
	_ =	sdelay $0x3  }
0x34: {  	[smem:$0x3FAD] =	sst s10  }
0x35: {  	s10 =	sld [smem:$0x3FAC];
	_ =	sdelay $0x3  }
0x36: {  	p1 =	seq.s32 s10, $0x1;
	s10 =	sld [smem:$0x3FAD];
	_ =	sdelay $0x3  }
0x37: {  	[smem:$0x3FAD] =	sst s10  }
0x38: {  	s10 =	sld [smem:$0x3FAE]  }
0x39: {  	_ = 	snop;
	(pc) =	sbr.ind lr, $3  }
0x3a: {  	_ = 	snop  }
0x3b: {  	_ = 	snop  }
0x3c: {  	p2 =	seq.s32 s10, $0x1;
	s10 =	sld [smem:$0x3FAD]  }
0x3d: {  	_ =	shalt  }
0x3e: {  	_ =	shalt  }
0x3f: {  	_ =	shalt  }
0x40: {  	_ =	shalt  }
0x41: {  	_ =	shalt  }
0x42: {  	_ =	shalt  }
0x43: {  	_ =	shalt  }
0x44: {  	_ =	shalt  }
0x45: {  	_ =	shalt  }
0x46: {  	_ =	shalt  }
0x47: {  	_ =	shalt  }
0x48: {  	_ =	shalt  }
0x49: {  	_ =	shalt  }
0x4a: {  	_ =	shalt  }
0x4b: {  	_ =	shalt  }
0x4c: {  	_ =	shalt  }
0x4d: {  	_ =	shalt  }
0x4e: {  	_ =	shalt  }
0x4f: {  	_ =	shalt  }
0x50: {  	_ =	shalt  }
0x51: {  	_ =	shalt  }
0x52: {  	_ =	shalt  }
0x53: {  	_ =	shalt  }
0x54: {  	_ =	shalt  }
0x55: {  	_ =	shalt  }
0x56: {  	_ =	shalt  }
0x57: {  	_ =	shalt  }
0x58: {  	_ =	shalt  }
0x59: {  	_ =	shalt  }
0x5a: {  	_ =	shalt  }
0x5b: {  	_ =	shalt  }
0x5c: {  	_ =	shalt  }
0x5d: {  	_ =	shalt  }
0x5e: {  	_ =	shalt  }
0x5f: {  	_ =	shalt  }
0x60: {  	_ =	shalt  }
0x61: {  	_ =	shalt  }
0x62: {  	_ =	shalt  }
0x63: {  	_ =	shalt  }
0x64: {  	_ =	shalt  }
0x65: {  	_ =	shalt  }
0x66: {  	_ =	shalt  }
0x67: {  	_ =	shalt  }
0x68: {  	_ =	shalt  }
0x69: {  	_ =	shalt  }
0x6a: {  	_ =	shalt  }
0x6b: {  	_ =	shalt  }
0x6c: {  	_ =	shalt  }
0x6d: {  	_ =	shalt  }
0x6e: {  	_ =	shalt  }
0x6f: {  	_ =	shalt  }
0x70: {  	_ =	shalt  }
0x71: {  	_ =	shalt  }
0x72: {  	_ =	shalt  }
0x73: {  	_ =	shalt  }
0x74: {  	_ =	shalt  }
0x75: {  	_ =	shalt  }
0x76: {  	_ =	shalt  }
0x77: {  	_ =	shalt  }
0x78: {  	_ =	shalt  }
0x79: {  	_ =	shalt  }
0x7a: {  	_ =	shalt  }
0x7b: {  	_ =	shalt  }
0x7c: {  	_ =	shalt  }
0x7d: {  	_ =	shalt  }
0x7e: {  	_ =	shalt  }
0x7f: {  	_ =	shalt  }
0x80: {  	_ =	shalt  }
0x81: {  	_ =	shalt  }
0x82: {  	_ =	shalt  }
0x83: {  	_ =	shalt  }
0x84: {  	_ =	shalt  }
0x85: {  	_ =	shalt  }
0x86: {  	_ =	shalt  }
0x87: {  	_ =	shalt  }
.Lfunc_end0:
.L_simem_size_0:
called_computation.1_lowered:
.L_overlay_start_0:
0x88: {  	s2 =	sld [smem:$0x3FD9]  }
0x89: {  	s3 =	sld [smem:$0x3FFE];
	_ =	sdelay $0x1  }
0x8a: {  	s1 =	srdreg.scid  }
0x8b: {  	s0 =	sand.u32 $0x1, s1  }
0x8c: {  	s16 =	sshll.u32 s0, $0xA;
	s2 =	sadd.s32 s3, s2  }
0x8d: {  	s2 =	sadd.s32 s2, s16  }
0x8e: {  	[smem:$0x3FB9] =	sst s2  }
0x8f: {  	_ = 	snop  }
0x90: {  	(tm) =	ssettm $0x1  }
0x91: {  	s17 =	sld [smem:$0x3FFB];
	_ =	sdelay $0x3  }
0x92: {  	_ =	strace s17  }
0x93: {  	s2 =	sld [smem:$0x3FFC];
	_ =	sdelay $0x3  }
0x94: {  	_ =	strace s2  }
0x95: {  	s2 =	sld [smem:$0x3FFD];
	_ =	sdelay $0x3  }
0x96: {  	_ =	strace s2  }
0x97: {  	_ =	strace $0x8FFFFFFF  }
0x98: {  	s18 =	sld [smem:$0x3FDB];
	_ =	sdelay $0x1  }
0x99: {  	s19 =	simm.s32 $_scs_section_size  }
0x9a: {  	s4 =	simm.s32 $_size__tile_overlayer_lowered;
	s5 =	simm.s32 $_tile_overlayer_lowered  }
0x9b: {  	s22 =	simm.s32 $0x1BFF;
	s21 =	sshll.u32 s5, $0x1;
	s2 =	sadd.s32 s19, s18  }
0x9c: {  	s6 =	simm.s32 $0x0;
	s20 =	sshll.u32 s4, $0x1;
	s4 =	sadd.s32 s21, s2  }
0x9d: {  	[timem:s6], [sflag:s22] =	dma.local [hbm:s4], s20  }
0x9e: {  	_ =	swait.ge [sflag:s22], s20  }
0x9f: {  	s3 =	ssub.s32 $0x0, s20;
	[sflag:s22] =	ssyncset.done $0x0  }
0xa0: {  	[sflag:s22] =	ssyncadd.s32 s3;
	_ =	sdelay $0x1  }
0xa1: {  	s23 =	simm.s32 $0x1B8B  }
0xa2: {  	_ =	swait.ge [sflag:s23], $0x1  }
0xa3: {  	[sflag:s23] =	ssyncset.done $0x0  }
0xa4: {  	s25 =	simm.s32 $0x1B8E;
	s24 =	sld [smem:$0x3FFE];
	[sflag:s23] =	ssyncadd.s32 $0xFFFFFFFF  }
0xa5: {  	s26 =	simm.s32 $execute0_lowered;
	[smem:$0x3FD2] =	sst s25  }
0xa6: {  	s4 =	sshll.u32 s26, $0x1;
	_ =	strace $0x80000049;
	[dreg:$0x1] =	wrdreg $0xFFFFFFFF  }
0xa7: {  	s28 =	simm.s32 $_size_execute0_lowered;
	s2 =	sadd.s32 s2, s4;
	[dreg:$0x0] =	wrdreg $0x0  }
0xa8: {  	s4 =	sshll.u32 s28, $0x1;
	[dreg:$0x2] =	wrdreg s2  }
0xa9: {  	[dreg:$0x3] =	wrdreg s4  }
0xaa: {  	[dreg:$0x4] =	wrdreg $0xC0  }
0xab: {  	_ =	task [dreg:s6], $0x5FFFF  }
0xac: {  	[dreg:$0x1] =	wrdreg $0xFFFFFFFF  }
0xad: {  	[dreg:$0x0] =	wrdreg $0x60  }
0xae: {  	[dreg:$0x2] =	wrdreg s24  }
0xaf: {  	[dreg:$0x3] =	wrdreg $0x9  }
0xb0: {  	_ =	task.clear_ibuf [dreg:s6], $0x4FFFF;
	_ =	strace $0x90000049  }
0xb1: {  	s29 =	simm.s32 $0x9;
	_ =	strace $0x8000004B  }
0xb2: {  	_ =	swait.ge [sflag:s29], $0x1  }
0xb3: {  	[sflag:s29] =	ssyncadd.s32 $0xFFFFFFFF  }
0xb4: {  	_ =	strace $0x9000004B  }
0xb5: {  	_ =	sfence  }
0xb6: {  	s30 =	sld [smem:$0x0];
	_ =	sdelay $0x2  }
0xb7: {  	s31 =	sshll.u32 s1, $0xD;
	s1 =	sshrl.u32 s1, $0x2  }
0xb8: {  	s3 =	sand.u32 $0x4000, s31;
	s1 =	sadd.s32 s1, s30  }
0xb9: {  	s0 =	sor.u32 s3, s0;
	s1 =	sshll.u32 s1, $0x11  }
0xba: {  	s0 =	sor.u32 s1, s0  }
0xbb: {  	s0 =	sadd.s32 $0x8F2B, s0  }
0xbc: {  	[sflag:s0] =	ssyncadd.remote.s32 $0x1  }
0xbd: {  	_ =	sfence.sel $0xFFFF  }
0xbe: {  	[dreg:$0x0] =	wrdreg $0xFFFFFFFF;
	(pc) =	sbr.abs _section_cstart, $3  }
0xbf: {  	[dreg:$0x1] =	wrdreg $0xFFFFFFFF  }
0xc0: {  	_ =	task.clear_ibuf [dreg:s6], $0x2FFFF;
	_ =	strace $0x9FFFFFFF  }
0xc1: {  	(tm) =	ssettm $0x7FFFFFFF  }
tec
execute0_lowered:
.L_overlay_start_1:
0x0: {  	(tag) =	ssettag $0x1  }
0x1: {  	s1 =	srdreg.scid  }
0x2: {  	s0 =	stileid.u32;
	s5 =	rddreg [dreg:$0x0];
	s2 =	simm.s32 $0x0  }
0x3: {  	s13 =	simm.s32 $0x100;
	s14 =	simm.s32 $0x900;
	s15 =	simm.s32 $0x1100  }
0x4: {  	s16 =	simm.s32 $0x1900;
	s17 =	simm.s32 $0x2100;
	s18 =	simm.s32 $0x2900  }
0x5: {  	s19 =	simm.s32 $0x3100;
	s20 =	simm.s32 $0x3900;
	s21 =	simm.s32 $0x1  }
0x6: {  	s22 =	simm.s32 $0x2;
	s4 =	sand.u32 $0x1, s1;
	s1 =	rddreg [dreg:$0x1]  }
0x7: {  	s3 =	sshll.u32 s0, $0x7;
	[smem:$0x7FF] =	sst s2;
	s8 =	sadd.s32 $0x47800, s5  }
0x8: {  	s9 =	sadd.s32 $0x57800, s5;
	s6 =	sshll.u32 s4, $0x6;
	s4 =	ssub.s32 $0x2, s4  }
0x9: {  	_ =	strace $0x8000004A;
	s6 =	sor.u32 s6, s3;
	s31 =	sshrl.u32 s4, $0x1  }
0xa: {  	s3 =	sshrl.u32 s6, $0x3;
	s10 =	sshll.u32 s6, $0x5;
	s11 =	ssub.s32 s4, s31  }
0xb: {  	s7 =	sadd.s32 s3, s5;
	s3 =	sadd.s32 $0x3800, s5;
	s12 =	sor.u32 $0x400, s10  }
0xc: {  	v2 =	vlaneseq.u32;
	s6 =	sadd.s32 s8, s10;
	s4 =	sadd.s32 $0xA3800, s7;
	s5 =	sadd.s32 $0xA3A00, s7  }
0xd: {  	vm0 =	vmmov $0xffff;
	v1 =	vshrl.u32 v2, $0x3;
	s7 =	sadd.s32 s8, s12;
	s8 =	sadd.s32 s9, s10;
	s9 =	sadd.s32 s9, s12  }
0xe: {  	v0 =	vand.u32 $0x7, v2;
	v2 =	vor.u32 $0x8, v2;
	v1 =	vmul.u32 $0x8, v1;
	s10 =	smax.u32 s11, $0x1;
	s11 =	simm.s32 $0x3;
	s12 =	simm.s32 $0x80  }
.LBB2_1:
0xf: {  	[tilespmem:s2], [sflag:$0x3] =	stream.linear.gather [hbm4b:s4+s2], $0x40, $0x38;
	[tilespmem:$0x4100] =	vst v63  }
0x10: {  	_ =	swait.ge [sflag:s11], $0x40  }
0x11: {  	[sflag:s11] =	ssyncset.done $0x0  }
0x12: {  	[sflag:s11] =	ssyncadd.s32 $0xFFFFFFC0  }
0x13: {  	[tilespmem:s12], [sflag:$0x3] =	stream.linear.gather [hbm4b:s5+s2], $0x40, $0x38;
	[tilespmem:$0x4100] =	vst v63  }
0x14: {  	_ =	swait.ge [sflag:s11], $0x40  }
0x15: {  	[sflag:s11] =	ssyncset.done $0x0  }
0x16: {  	[sflag:s11] =	ssyncadd.s32 $0xFFFFFFC0  }
0x17: {  	v3 =	vld [tilespmem:$0x0];
	_ =	sdelay $0x4  }
0x18: {  	v4 =	vshll.u32 v3, $0x1  }
0x19: {  	v3 =	vand.u32 $0x7, v3;
	v4 =	vand.u32 $0xFFFFFFF0, v4  }
0x1a: {  	v3 =	vor.u32 v3, v4  }
0x1b: {  	v4 =	vperm.xlane v3, v0;
	_ =	sdelay $0x1  }
0x1c: {  	v3 =	vperm.xlane v3, v2;
	v4 =	vadd.s32 v1, v4;
	_ =	sdelay $0x1  }
0x1d: {  	v3 =	vadd.s32 v1, v3;
	_ =	sdelay $0x2  }
0x1e: {  	[tilespmem:s13], [sflag:$0x1] =	stream.indirect_vreg.gather [hbm4b:s3+s2], $0x80, v4, vm0, $0xb8;
	[tilespmem:$0x4100] =	vst v63  }
0x1f: {  	_ = 	snop  }
0x20: {  	[tilespmem:s14], [sflag:$0x1] =	stream.indirect_vreg.gather [hbm4b:s3+s2], $0x80, v3, vm0, $0xb8;
	[tilespmem:$0x4100] =	vst v63  }
0x21: {  	v3 =	vld [tilespmem:$0x10];
	_ =	sdelay $0x4  }
0x22: {  	v57 =	vshll.u32 v3, $0x1  }
0x23: {  	v3 =	vand.u32 $0x7, v3;
	v4 =	vand.u32 $0xFFFFFFF0, v57  }
0x24: {  	v3 =	vor.u32 v3, v4  }
0x25: {  	v4 =	vperm.xlane v3, v0;
	_ =	sdelay $0x1  }
0x26: {  	v3 =	vperm.xlane v3, v2;
	v4 =	vadd.s32 v1, v4;
	_ =	sdelay $0x1  }
0x27: {  	v3 =	vadd.s32 v1, v3;
	_ =	sdelay $0x2  }
0x28: {  	[tilespmem:s15], [sflag:$0x1] =	stream.indirect_vreg.gather [hbm4b:s3+s2], $0x80, v4, vm0, $0xb8;
	[tilespmem:$0x4100] =	vst v63  }
0x29: {  	_ = 	snop  }
0x2a: {  	[tilespmem:s16], [sflag:$0x1] =	stream.indirect_vreg.gather [hbm4b:s3+s2], $0x80, v3, vm0, $0xb8;
	[tilespmem:$0x4100] =	vst v63  }
0x2b: {  	v3 =	vld [tilespmem:$0x20];
	_ =	sdelay $0x4  }
0x2c: {  	v58 =	vshll.u32 v3, $0x1  }
0x2d: {  	v3 =	vand.u32 $0x7, v3;
	v4 =	vand.u32 $0xFFFFFFF0, v58  }
0x2e: {  	v3 =	vor.u32 v3, v4  }
0x2f: {  	v4 =	vperm.xlane v3, v0;
	_ =	sdelay $0x1  }
0x30: {  	v3 =	vperm.xlane v3, v2;
	v4 =	vadd.s32 v1, v4;
	_ =	sdelay $0x1  }
0x31: {  	v3 =	vadd.s32 v1, v3;
	_ =	sdelay $0x2  }
0x32: {  	[tilespmem:s17], [sflag:$0x2] =	stream.indirect_vreg.gather [hbm4b:s3+s2], $0x80, v4, vm0, $0xb8;
	[tilespmem:$0x4100] =	vst v63  }
0x33: {  	_ = 	snop  }
0x34: {  	[tilespmem:s18], [sflag:$0x2] =	stream.indirect_vreg.gather [hbm4b:s3+s2], $0x80, v3, vm0, $0xb8;
	[tilespmem:$0x4100] =	vst v63  }
0x35: {  	v3 =	vld [tilespmem:$0x30];
	_ =	sdelay $0x4  }
0x36: {  	v59 =	vshll.u32 v3, $0x1  }
0x37: {  	v3 =	vand.u32 $0x7, v3;
	v4 =	vand.u32 $0xFFFFFFF0, v59  }
0x38: {  	v3 =	vor.u32 v3, v4  }
0x39: {  	v4 =	vperm.xlane v3, v0;
	_ =	sdelay $0x1  }
0x3a: {  	v3 =	vperm.xlane v3, v2;
	v4 =	vadd.s32 v1, v4;
	_ =	sdelay $0x1  }
0x3b: {  	v3 =	vadd.s32 v1, v3;
	_ =	sdelay $0x2  }
0x3c: {  	[tilespmem:s19], [sflag:$0x2] =	stream.indirect_vreg.gather [hbm4b:s3+s2], $0x80, v4, vm0, $0xb8;
	[tilespmem:$0x4100] =	vst v63  }
0x3d: {  	_ = 	snop  }
0x3e: {  	[tilespmem:s20], [sflag:$0x2] =	stream.indirect_vreg.gather [hbm4b:s3+s2], $0x80, v3, vm0, $0xb8;
	[tilespmem:$0x4100] =	vst v63  }
0x3f: {  	_ =	swait.ge [sflag:s21], $0x2000  }
0x40: {  	[sflag:s21] =	ssyncset.done $0x0  }
0x41: {  	[sflag:s21] =	ssyncadd.s32 $0xFFFFE000  }
0x42: {  	[hbm4b:s6+s2] =	stream.linear.scatter [tilespmem:s13], [sflag:$0x3], $0x2000, $0x38;
	[tilespmem:$0x4100] =	vst v63  }
0x43: {  	_ =	swait.ge [sflag:s11], $0x2000  }
0x44: {  	[sflag:s11] =	ssyncset.done $0x0  }
0x45: {  	[sflag:s11] =	ssyncadd.s32 $0xFFFFE000  }
0x46: {  	v3 =	vld [tilespmem:$0x80];
	_ =	sdelay $0x4  }
0x47: {  	v60 =	vshll.u32 v3, $0x1  }
0x48: {  	v3 =	vand.u32 $0x7, v3;
	v4 =	vand.u32 $0xFFFFFFF0, v60  }
0x49: {  	v3 =	vor.u32 v3, v4  }
0x4a: {  	v4 =	vperm.xlane v3, v0;
	_ =	sdelay $0x1  }
0x4b: {  	v3 =	vperm.xlane v3, v2;
	v4 =	vadd.s32 v1, v4;
	_ =	sdelay $0x1  }
0x4c: {  	v3 =	vadd.s32 v1, v3;
	_ =	sdelay $0x2  }
0x4d: {  	[tilespmem:s13], [sflag:$0x1] =	stream.indirect_vreg.gather [hbm4b:s3+s2], $0x80, v4, vm0, $0xb8;
	[tilespmem:$0x4100] =	vst v63  }
0x4e: {  	_ = 	snop  }
0x4f: {  	[tilespmem:s14], [sflag:$0x1] =	stream.indirect_vreg.gather [hbm4b:s3+s2], $0x80, v3, vm0, $0xb8;
	[tilespmem:$0x4100] =	vst v63  }
0x50: {  	v3 =	vld [tilespmem:$0x90];
	_ =	sdelay $0x4  }
0x51: {  	v61 =	vshll.u32 v3, $0x1  }
0x52: {  	v3 =	vand.u32 $0x7, v3;
	v4 =	vand.u32 $0xFFFFFFF0, v61  }
0x53: {  	v3 =	vor.u32 v3, v4  }
0x54: {  	v4 =	vperm.xlane v3, v0;
	_ =	sdelay $0x1  }
0x55: {  	v3 =	vperm.xlane v3, v2;
	v4 =	vadd.s32 v1, v4;
	_ =	sdelay $0x1  }
0x56: {  	v3 =	vadd.s32 v1, v3;
	_ =	sdelay $0x2  }
0x57: {  	[tilespmem:s15], [sflag:$0x1] =	stream.indirect_vreg.gather [hbm4b:s3+s2], $0x80, v4, vm0, $0xb8;
	[tilespmem:$0x4100] =	vst v63  }
0x58: {  	_ = 	snop  }
0x59: {  	[tilespmem:s16], [sflag:$0x1] =	stream.indirect_vreg.gather [hbm4b:s3+s2], $0x80, v3, vm0, $0xb8;
	[tilespmem:$0x4100] =	vst v63  }
0x5a: {  	_ =	swait.ge [sflag:s22], $0x2000  }
0x5b: {  	[sflag:s22] =	ssyncset.done $0x0  }
0x5c: {  	[sflag:s22] =	ssyncadd.s32 $0xFFFFE000  }
0x5d: {  	[hbm4b:s7+s2] =	stream.linear.scatter [tilespmem:s17], [sflag:$0x3], $0x2000, $0x38;
	[tilespmem:$0x4100] =	vst v63  }
0x5e: {  	_ =	swait.ge [sflag:s11], $0x2000  }
0x5f: {  	[sflag:s11] =	ssyncset.done $0x0  }
0x60: {  	[sflag:s11] =	ssyncadd.s32 $0xFFFFE000  }
0x61: {  	v3 =	vld [tilespmem:$0xA0];
	_ =	sdelay $0x4  }
0x62: {  	v62 =	vshll.u32 v3, $0x1  }
0x63: {  	v3 =	vand.u32 $0x7, v3;
	v4 =	vand.u32 $0xFFFFFFF0, v62  }
0x64: {  	v3 =	vor.u32 v3, v4  }
0x65: {  	v4 =	vperm.xlane v3, v0;
	_ =	sdelay $0x1  }
0x66: {  	v3 =	vperm.xlane v3, v2;
	v4 =	vadd.s32 v1, v4;
	_ =	sdelay $0x1  }
0x67: {  	v3 =	vadd.s32 v1, v3;
	_ =	sdelay $0x2  }
0x68: {  	[tilespmem:s17], [sflag:$0x2] =	stream.indirect_vreg.gather [hbm4b:s3+s2], $0x80, v4, vm0, $0xb8;
	[tilespmem:$0x4100] =	vst v63  }
0x69: {  	_ = 	snop  }
0x6a: {  	[tilespmem:s18], [sflag:$0x2] =	stream.indirect_vreg.gather [hbm4b:s3+s2], $0x80, v3, vm0, $0xb8;
	[tilespmem:$0x4100] =	vst v63  }
0x6b: {  	v3 =	vld [tilespmem:$0xB0];
	_ =	sdelay $0x4  }
0x6c: {  	v63 =	vshll.u32 v3, $0x1  }
0x6d: {  	v3 =	vand.u32 $0x7, v3;
	v4 =	vand.u32 $0xFFFFFFF0, v63  }
0x6e: {  	v3 =	vor.u32 v3, v4  }
0x6f: {  	v4 =	vperm.xlane v3, v0;
	_ =	sdelay $0x1  }
0x70: {  	v3 =	vperm.xlane v3, v2;
	v4 =	vadd.s32 v1, v4;
	_ =	sdelay $0x1  }
0x71: {  	v3 =	vadd.s32 v1, v3;
	_ =	sdelay $0x2  }
0x72: {  	[tilespmem:s19], [sflag:$0x2] =	stream.indirect_vreg.gather [hbm4b:s3+s2], $0x80, v4, vm0, $0xb8;
	[tilespmem:$0x4100] =	vst v63  }
0x73: {  	_ = 	snop  }
0x74: {  	[tilespmem:s20], [sflag:$0x2] =	stream.indirect_vreg.gather [hbm4b:s3+s2], $0x80, v3, vm0, $0xb8;
	[tilespmem:$0x4100] =	vst v63  }
0x75: {  	_ =	swait.ge [sflag:s21], $0x2000  }
0x76: {  	[sflag:s21] =	ssyncset.done $0x0  }
0x77: {  	[sflag:s21] =	ssyncadd.s32 $0xFFFFE000  }
0x78: {  	[hbm4b:s8+s2] =	stream.linear.scatter [tilespmem:s13], [sflag:$0x3], $0x2000, $0x38;
	[tilespmem:$0x4100] =	vst v63  }
0x79: {  	_ =	swait.ge [sflag:s11], $0x2000  }
0x7a: {  	[sflag:s11] =	ssyncset.done $0x0  }
0x7b: {  	[sflag:s11] =	ssyncadd.s32 $0xFFFFE000  }
0x7c: {  	_ =	swait.ge [sflag:s22], $0x2000  }
0x7d: {  	p0 =	sne.s32 s10, $0x1;
	[sflag:s22] =	ssyncset.done $0x0  }
.Ltmp0:
0x7e: {  	[sflag:s22] =	ssyncadd.s32 $0xFFFFE000;
	(pc) =	sbr.rel @p0 .LBB2_1-.Ltmp0, $4  }
0x7f: {  	[hbm4b:s9+s2] =	stream.linear.scatter [tilespmem:s17], [sflag:$0x3], $0x2000, $0x38;
	[tilespmem:$0x4100] =	vst v63  }
0x80: {  	_ =	swait.ge [sflag:s11], $0x2000  }
0x81: {  	[sflag:s11] =	ssyncset.done $0x0  }
0x82: {  	s10 =	sadd.s32 $0xFFFFFFFF, s10;
	[sflag:s11] =	ssyncadd.s32 $0xFFFFE000  }
0x83: {  	_ =	sfence.sel $0x180000  }
0x84: {  	[bflag:$0x0] =	sbarrier.arrive $0xFFFF  }
0x85: {  	p0 =	sne.s32 s0, $0x0;
	_ =	strace $0x9000004A  }
0x86: {  	s0 =	sadd.s32 @!p0 $0x100000, s1;
	[bflag:$0x2] =	sbarrier.arrive $0xFFFF  }
0x87: {  	[sflag:s0] =	ssyncadd.tile.s32 @!p0 $0x1;
	_ =	shalt  }
.Lfunc_end2:
_tile_overlayer_lowered:
.L_overlay_start_2:
0x88: {  	(tag) =	ssettag $0x2  }
0x89: {  	s0 =	rddreg [dreg:$0x0];
	s2 =	stileid.u32  }
0x8a: {  	s1 =	rddreg [dreg:$0x1];
	p0 =	sne.s32 s2, $0x0  }
0x8b: {  	s3 =	rddreg [dreg:$0x2];
	[bflag:$0x3] =	sbarrier.arrive $0xFFFF;
	s2 =	simm.s32 @!p0 $0x1C03  }
0x8c: {  	[timem:s3], [sflag:s2] =	dma.local @!p0 [hbm:s0], s1  }
0x8d: {  	s0 =	simm.s32 @!p0 $0x3  }
0x8e: {  	_ =	swait.ge @!p0 [sflag:s0], s1  }
0x8f: {  	s1 =	ssub.s32 @!p0 $0x0, s1;
	[sflag:s0] =	ssyncset.done @!p0 $0x0  }
0x90: {  	[sflag:s0] =	ssyncadd.s32 @!p0 s1  }
0x91: {  	[bflag:$0x3] =	sbarrier.arrive $0xFFFF  }
0x92: {  	_ =	shalt  }

// kernel: kernel.7.cloned.1.call-start
scs
__scs_entry_jumppad:
0x0: {  	(pc) =	sbr.rel $0x88, $3  }
0x1: {  	(tag) =	ssettag $0x0;
	lr =	simm.s32 $0x1  }
0x2: {  	[smem:$0x3F92] =	sst lr;
	_ =	strace $0xD0000000  }
0x3: {  	_ = 	snop  }
0x4: {  	_ = 	snop  }
0x5: {  	_ = 	snop  }
0x6: {  	_ = 	snop  }
0x7: {  	_ = 	snop  }
__scs_overlays_trampoline_lowered:
0x8: {  	[smem:$0x3FA1] =	sst s0  }
0x9: {  	[smem:$0x3FA2] =	sst s1  }
0xa: {  	[smem:$0x3FA3] =	sst s2  }
0xb: {  	[smem:$0x3FA4] =	sst s3  }
0xc: {  	[smem:$0x3FA5] =	sst s4  }
0xd: {  	[smem:$0x3FA6] =	sst s5  }
0xe: {  	[smem:$0x3FA7] =	sst s6  }
0xf: {  	[smem:$0x3FA8] =	sst s7  }
0x10: {  	[smem:$0x3FA9] =	sst s8  }
0x11: {  	[smem:$0x3FAA] =	sst s9;
	s0 =	simm.s32 @!p0 $0x0  }
0x12: {  	s1 =	sld [smem:$0x3F90];
	s0 =	simm.s32 @p0 $0x1  }
0x13: {  	[smem:$0x3FAB] =	sst s0;
	s0 =	simm.s32 @!p1 $0x0  }
0x14: {  	s2 =	sld [smem:$0x3F8F];
	s0 =	simm.s32 @p1 $0x1  }
0x15: {  	[smem:$0x3FAC] =	sst s0;
	s0 =	simm.s32 @!p2 $0x0  }
0x16: {  	s3 =	sld [smem:$0x3FDB];
	s0 =	simm.s32 @p2 $0x1  }
0x17: {  	s4 =	simm.s32 $0x1BF5;
	[smem:$0x3FAE] =	sst s0  }
0x18: {  	s0 =	sld [smem:$0x3F91];
	_ =	swait.ge [sflag:s4], $0x0  }
0x19: {  	s7 =	sld [smem:$0x3F92]  }
0x1a: {  	s8 =	sadd.s32 $0xFFFFE003, lr  }
0x1b: {  	s9 =	sadd.s32 $0xFFFFFEF7, lr;
	s5 =	simm.s32 $0xFFFFFFFF;
	p2 =	slt.u32 s8, $0xFFFFF086  }
0x1c: {  	p1 =	slt.u32 s9, $0xF7A;
	s5 =	simm.s32 @!p2 $0x0  }
0x1d: {  	s5 =	simm.s32 @p1 $0x1;
	p0 =	seq.s32 s7, s2  }
0x1e: {  	s7 =	smul.u32 @!p0 $0xF7A, s2;
	p2 =	seq.s32 @!p0 s5, $0x0  }
0x1f: {  	s9 =	smul.u32 $0xF7A, s1;
	s8 =	simm.s32 @!p0 $0x1BF5;
	p2 =	por !p2, p0  }
0x20: {  	[sflag:s8] =	ssyncset.s32 @!p0 $0xFFFFF086;
	s6 =	sadd.s32 @!p0 s3, s7;
	s7 =	simm.s32 @!p0 $0x108  }
0x21: {  	s3 =	sadd.s32 s3, s9;
	s6 =	sadd.s32 @!p0 $0x88, s6;
	s7 =	simm.s32 @p2 $0x1082  }
0x22: {  	[simem:s7], [sflag:s8] =	dma.local @!p0 [hbm:s6], $0xF7A  }
0x23: {  	s9 =	sor.u32 $0xD0000000, s2;
	s6 =	simm.s32 $0x108;
	_ =	swait.ge @!p0 [sflag:s8], $0x0  }
0x24: {  	s3 =	sadd.s32 $0x88, s3;
	s6 =	simm.s32 @!p1 $0x1082;
	[sflag:s4] =	ssyncset.s32 $0xFFFFF086  }
0x25: {  	[simem:s6], [sflag:s4] =	dma.local [hbm:s3], $0xF7A  }
0x26: {  	[smem:$0x3F92] =	sst s1;
	(tag) =	ssettag s2;
	_ =	strace s9  }
0x27: {  	s1 =	sld [smem:$0x3FA2]  }
0x28: {  	s2 =	sld [smem:$0x3FA3]  }
0x29: {  	s4 =	sld [smem:$0x3FA5]  }
0x2a: {  	p0 =	seq.s32 s5, $0x0;
	s5 =	sld [smem:$0x3FA6]  }
0x2b: {  	s6 =	sld [smem:$0x3FA7]  }
0x2c: {  	s7 =	sld [smem:$0x3FA8]  }
0x2d: {  	s3 =	simm.s32 $0x108;
	s8 =	sld [smem:$0x3FA9]  }
0x2e: {  	s3 =	simm.s32 @!p0 $0x1082;
	s9 =	sld [smem:$0x3FAA]  }
0x2f: {  	lr =	sadd.s32 s0, s3;
	s0 =	sld [smem:$0x3FA1]  }
0x30: {  	s3 =	sld [smem:$0x3FA4]  }
0x31: {  	[smem:$0x3FAD] =	sst s10  }
0x32: {  	s10 =	sld [smem:$0x3FAB];
	_ =	sdelay $0x3  }
0x33: {  	p0 =	seq.s32 s10, $0x1;
	s10 =	sld [smem:$0x3FAD];
	_ =	sdelay $0x3  }
0x34: {  	[smem:$0x3FAD] =	sst s10  }
0x35: {  	s10 =	sld [smem:$0x3FAC];
	_ =	sdelay $0x3  }
0x36: {  	p1 =	seq.s32 s10, $0x1;
	s10 =	sld [smem:$0x3FAD];
	_ =	sdelay $0x3  }
0x37: {  	[smem:$0x3FAD] =	sst s10  }
0x38: {  	s10 =	sld [smem:$0x3FAE]  }
0x39: {  	_ = 	snop;
	(pc) =	sbr.ind lr, $3  }
0x3a: {  	_ = 	snop  }
0x3b: {  	_ = 	snop  }
0x3c: {  	p2 =	seq.s32 s10, $0x1;
	s10 =	sld [smem:$0x3FAD]  }
0x3d: {  	_ =	shalt  }
0x3e: {  	_ =	shalt  }
0x3f: {  	_ =	shalt  }
0x40: {  	_ =	shalt  }
0x41: {  	_ =	shalt  }
0x42: {  	_ =	shalt  }
0x43: {  	_ =	shalt  }
0x44: {  	_ =	shalt  }
0x45: {  	_ =	shalt  }
0x46: {  	_ =	shalt  }
0x47: {  	_ =	shalt  }
0x48: {  	_ =	shalt  }
0x49: {  	_ =	shalt  }
0x4a: {  	_ =	shalt  }
0x4b: {  	_ =	shalt  }
0x4c: {  	_ =	shalt  }
0x4d: {  	_ =	shalt  }
0x4e: {  	_ =	shalt  }
0x4f: {  	_ =	shalt  }
0x50: {  	_ =	shalt  }
0x51: {  	_ =	shalt  }
0x52: {  	_ =	shalt  }
0x53: {  	_ =	shalt  }
0x54: {  	_ =	shalt  }
0x55: {  	_ =	shalt  }
0x56: {  	_ =	shalt  }
0x57: {  	_ =	shalt  }
0x58: {  	_ =	shalt  }
0x59: {  	_ =	shalt  }
0x5a: {  	_ =	shalt  }
0x5b: {  	_ =	shalt  }
0x5c: {  	_ =	shalt  }
0x5d: {  	_ =	shalt  }
0x5e: {  	_ =	shalt  }
0x5f: {  	_ =	shalt  }
0x60: {  	_ =	shalt  }
0x61: {  	_ =	shalt  }
0x62: {  	_ =	shalt  }
0x63: {  	_ =	shalt  }
0x64: {  	_ =	shalt  }
0x65: {  	_ =	shalt  }
0x66: {  	_ =	shalt  }
0x67: {  	_ =	shalt  }
0x68: {  	_ =	shalt  }
0x69: {  	_ =	shalt  }
0x6a: {  	_ =	shalt  }
0x6b: {  	_ =	shalt  }
0x6c: {  	_ =	shalt  }
0x6d: {  	_ =	shalt  }
0x6e: {  	_ =	shalt  }
0x6f: {  	_ =	shalt  }
0x70: {  	_ =	shalt  }
0x71: {  	_ =	shalt  }
0x72: {  	_ =	shalt  }
0x73: {  	_ =	shalt  }
0x74: {  	_ =	shalt  }
0x75: {  	_ =	shalt  }
0x76: {  	_ =	shalt  }
0x77: {  	_ =	shalt  }
0x78: {  	_ =	shalt  }
0x79: {  	_ =	shalt  }
0x7a: {  	_ =	shalt  }
0x7b: {  	_ =	shalt  }
0x7c: {  	_ =	shalt  }
0x7d: {  	_ =	shalt  }
0x7e: {  	_ =	shalt  }
0x7f: {  	_ =	shalt  }
0x80: {  	_ =	shalt  }
0x81: {  	_ =	shalt  }
0x82: {  	_ =	shalt  }
0x83: {  	_ =	shalt  }
0x84: {  	_ =	shalt  }
0x85: {  	_ =	shalt  }
0x86: {  	_ =	shalt  }
0x87: {  	_ =	shalt  }
.Lfunc_end0:
.L_simem_size_0:
called_computation_lowered:
.L_overlay_start_0:
0x88: {  	s2 =	sld [smem:$0x3FD9]  }
0x89: {  	s3 =	sld [smem:$0x3FFE];
	_ =	sdelay $0x1  }
0x8a: {  	s1 =	srdreg.scid  }
0x8b: {  	s0 =	sand.u32 $0x1, s1  }
0x8c: {  	s14 =	sshll.u32 s0, $0xA;
	s2 =	sadd.s32 s3, s2  }
0x8d: {  	s2 =	sadd.s32 s2, s14  }
0x8e: {  	[smem:$0x3FB9] =	sst s2  }
0x8f: {  	_ = 	snop  }
0x90: {  	s2 =	sld [smem:$0x3FD0];
	_ =	sdelay $0x2  }
0x91: {  	s15 =	simm.s32 $0xA;
	s4 =	simm.s32 $0x10  }
0x92: {  	[smem:s4], [sflag:s15] =	dma.local [hbm:s2], $0x1  }
0x93: {  	_ =	swait.eq [sflag:s15], $0x1  }
0x94: {  	[sflag:s15] =	ssyncset.done $0x0  }
0x95: {  	s16 =	sld [smem:$0x10];
	[sflag:s15] =	ssyncadd.s32 $0xFFFFFFFF  }
0x96: {  	s17 =	sld [smem:$0x11];
	(tm) =	ssettm $0x1  }
0x97: {  	s18 =	sld [smem:$0x3FFB];
	_ =	sdelay $0x3  }
0x98: {  	_ =	strace s18  }
0x99: {  	s4 =	sld [smem:$0x3FFC];
	_ =	sdelay $0x3  }
0x9a: {  	_ =	strace s4  }
0x9b: {  	s4 =	sld [smem:$0x3FFD];
	_ =	sdelay $0x3  }
0x9c: {  	_ =	strace s4  }
0x9d: {  	_ =	strace $0x8FFFFFFF  }
0x9e: {  	s19 =	sld [smem:$0x3FDB];
	_ =	sdelay $0x1  }
0x9f: {  	s5 =	simm.s32 $_scs_section_size  }
0xa0: {  	s6 =	simm.s32 $_size__tile_overlayer_lowered;
	s7 =	simm.s32 $_tile_overlayer_lowered  }
0xa1: {  	s22 =	simm.s32 $0x1BFF;
	s21 =	sshll.u32 s7, $0x1;
	s4 =	sadd.s32 s5, s19  }
0xa2: {  	s8 =	simm.s32 $0x0;
	s20 =	sshll.u32 s6, $0x1;
	s6 =	sadd.s32 s21, s4  }
0xa3: {  	[timem:s8], [sflag:s22] =	dma.local [hbm:s6], s20  }
0xa4: {  	_ =	swait.ge [sflag:s22], s20  }
0xa5: {  	s5 =	ssub.s32 $0x0, s20;
	[sflag:s22] =	ssyncset.done $0x0  }
0xa6: {  	[sflag:s22] =	ssyncadd.s32 s5;
	_ =	sdelay $0x1  }
0xa7: {  	s23 =	simm.s32 $0x1B8B  }
0xa8: {  	_ =	swait.ge [sflag:s23], $0x1  }
0xa9: {  	[sflag:s23] =	ssyncset.done $0x0  }
0xaa: {  	s25 =	simm.s32 $0x1B8E;
	s24 =	sld [smem:$0x3FFE];
	[sflag:s23] =	ssyncadd.s32 $0xFFFFFFFF  }
0xab: {  	s26 =	simm.s32 $execute0_lowered;
	[smem:$0x3FD2] =	sst s25  }
0xac: {  	s6 =	sshll.u32 s26, $0x1;
	_ =	strace $0x80000046;
	[dreg:$0x1] =	wrdreg $0xFFFFFFFF  }
0xad: {  	s28 =	simm.s32 $_size_execute0_lowered;
	s4 =	sadd.s32 s4, s6;
	[dreg:$0x0] =	wrdreg $0x0  }
0xae: {  	s6 =	sshll.u32 s28, $0x1;
	[dreg:$0x2] =	wrdreg s4  }
0xaf: {  	[dreg:$0x3] =	wrdreg s6  }
0xb0: {  	[dreg:$0x4] =	wrdreg $0xC0  }
0xb1: {  	_ =	task [dreg:s8], $0x5FFFF  }
0xb2: {  	[dreg:$0x1] =	wrdreg $0xFFFFFFFF  }
0xb3: {  	[dreg:$0x0] =	wrdreg $0x60  }
0xb4: {  	[dreg:$0x2] =	wrdreg s17  }
0xb5: {  	[dreg:$0x3] =	wrdreg s16  }
0xb6: {  	[dreg:$0x4] =	wrdreg s24  }
0xb7: {  	[dreg:$0x5] =	wrdreg $0x9  }
0xb8: {  	_ =	task.clear_ibuf [dreg:s8], $0x6FFFF;
	_ =	strace $0x90000046  }
0xb9: {  	s29 =	simm.s32 $0x9;
	_ =	strace $0x80000048  }
0xba: {  	_ =	swait.ge [sflag:s29], $0x1  }
0xbb: {  	[sflag:s29] =	ssyncadd.s32 $0xFFFFFFFF  }
0xbc: {  	_ =	strace $0x90000048  }
0xbd: {  	_ =	sfence  }
0xbe: {  	s30 =	sld [smem:$0x0];
	_ =	sdelay $0x2  }
0xbf: {  	s31 =	sshll.u32 s1, $0xD;
	s1 =	sshrl.u32 s1, $0x2  }
0xc0: {  	s3 =	sand.u32 $0x4000, s31;
	s1 =	sadd.s32 s1, s30  }
0xc1: {  	s0 =	sor.u32 s3, s0;
	s1 =	sshll.u32 s1, $0x11  }
0xc2: {  	s0 =	sor.u32 s1, s0  }
0xc3: {  	s0 =	sadd.s32 $0x8F2B, s0  }
0xc4: {  	[sflag:s0] =	ssyncadd.remote.s32 $0x1  }
0xc5: {  	_ =	sfence.sel $0xFFFF  }
0xc6: {  	[dreg:$0x0] =	wrdreg $0xFFFFFFFF;
	(pc) =	sbr.abs _section_cstart, $3  }
0xc7: {  	[dreg:$0x1] =	wrdreg $0xFFFFFFFF  }
0xc8: {  	_ =	task.clear_ibuf [dreg:s8], $0x2FFFF;
	_ =	strace $0x9FFFFFFF  }
0xc9: {  	(tm) =	ssettm $0x7FFFFFFF  }
tec
execute0_lowered:
.L_overlay_start_1:
0x0: {  	(tag) =	ssettag $0x1  }
0x1: {  	s0 =	rddreg [dreg:$0x0]  }
0x2: {  	s1 =	srdreg.scid;
	s4 =	rddreg [dreg:$0x1]  }
0x3: {  	s21 =	stileid.u32;
	s5 =	rddreg [dreg:$0x2]  }
0x4: {  	s10 =	simm.s32 $0x100;
	s11 =	simm.s32 $0x180;
	s12 =	simm.s32 $0x200  }
0x5: {  	s13 =	simm.s32 $0x280;
	s14 =	simm.s32 $0x300;
	s15 =	simm.s32 $0x1  }
0x6: {  	s16 =	simm.s32 $0xB80;
	s17 =	simm.s32 $0x1380;
	s18 =	simm.s32 $0x1B80  }
0x7: {  	s19 =	simm.s32 $0x2380;
	s20 =	simm.s32 $0x2B80;
	s28 =	simm.s32 $0x6380  }
0x8: {  	s29 =	simm.s32 $0x6B80;
	s30 =	simm.s32 $0x7380;
	s31 =	simm.s32 $0x7B80  }
0x9: {  	[dreg:$0x4] =	wrdreg s0;
	s1 =	sand.u32 $0x1, s1;
	s2 =	sshll.u32 s21, $0x7  }
0xa: {  	s21 =	simm.s32 $0x3380;
	s3 =	sshll.u32 s1, $0x6;
	s1 =	ssub.s32 $0x2, s1  }
0xb: {  	s6 =	sor.u32 s3, s2;
	s2 =	simm.s32 $0x0;
	s26 =	sshrl.u32 s1, $0x1  }
0xc: {  	s7 =	sshll.u32 s6, $0x2;
	[smem:$0x7FF] =	sst s2;
	s8 =	sshll.u32 s6, $0x6  }
0xd: {  	s6 =	sshrl.u32 s6, $0x3;
	s1 =	ssub.s32 s1, s26;
	s26 =	simm.s32 $0x5B80  }
0xe: {  	s9 =	sand.u32 $0x1E00, s7;
	_ =	strace $0x80000047;
	s8 =	sadd.s32 s8, s5  }
0xf: {  	s7 =	sor.u32 s3, s7;
	s6 =	sadd.s32 s6, s5;
	s9 =	sor.u32 s3, s9  }
0x10: {  	s8 =	sadd.s32 $0x3800, s8;
	s7 =	sshrl.u32 s7, $0x3;
	s25 =	sadd.s32 $0xA3800, s6  }
0x11: {  	s6 =	sadd.s32 $0xA3A00, s6;
	s9 =	sshrl.u32 s9, $0x3;
	[dreg:$0x5] =	wrdreg s8  }
0x12: {  	s23 =	sor.u32 $0x20, s7;
	s7 =	sor.u32 $0x30, s7;
	[dreg:$0x9] =	wrdreg s25  }
0x13: {  	[dreg:$0xa] =	wrdreg s6;
	s6 =	smax.u32 s1, $0x1;
	s8 =	simm.s32 $0x3  }
0x14: {  	s25 =	simm.s32 $0x5380;
	s1 =	simm.s32 $0x2;
	s3 =	sadd.s32 s4, s9  }
0x15: {  	s24 =	sadd.s32 s4, s23;
	s4 =	sadd.s32 s4, s7;
	s7 =	simm.s32 $0x380  }
0x16: {  	v2 =	vlaneseq.u32;
	s23 =	simm.s32 $0x4380;
	s22 =	sadd.s32 $0x10, s3;
	[dreg:$0x7] =	wrdreg s24  }
0x17: {  	vm0 =	vmmov $0xffff;
	v1 =	vshrl.u32 v2, $0x3;
	[dreg:$0x8] =	wrdreg s4;
	s4 =	sadd.s32 $0x23800, s5;
	s5 =	sadd.s32 $0x23900, s5  }
0x18: {  	v0 =	vand.u32 $0x7, v2;
	v2 =	vor.u32 $0x8, v2;
	v1 =	vmul.u32 $0x8, v1;
	s24 =	simm.s32 $0x4B80;
	[dreg:$0x6] =	wrdreg s22;
	s22 =	simm.s32 $0x3B80  }
.LBB2_1:
0x19: {  	s0 =	rddreg [dreg:$0x5]  }
0x1a: {  	[tilespmem:s7], [sflag:$0x1] =	stream.linear.gather [hbm4b:s0+s2], $0x8000, $0x38;
	[tilespmem:$0x8380] =	vst v63  }
0x1b: {  	s9 =	rddreg [dreg:$0x4]  }
0x1c: {  	[tilespmem:s2], [sflag:$0x3] =	stream.linear.gather [hbm4b:s9+s2], $0x10, $0x38;
	[tilespmem:$0x8380] =	vst v63  }
0x1d: {  	_ =	swait.ge [sflag:s8], $0x10  }
0x1e: {  	[sflag:s8] =	ssyncset.done $0x0  }
0x1f: {  	s9 =	simm.s32 $0x80;
	[sflag:s8] =	ssyncadd.s32 $0xFFFFFFF0  }
0x20: {  	[tilespmem:s9], [sflag:$0x3] =	stream.linear.gather [hbm4b:s3+s2], $0x40, $0x38;
	[tilespmem:$0x8380] =	vst v63  }
0x21: {  	_ =	swait.ge [sflag:s8], $0x40  }
0x22: {  	[sflag:s8] =	ssyncset.done $0x0  }
0x23: {  	s9 =	rddreg [dreg:$0x6];
	[sflag:s8] =	ssyncadd.s32 $0xFFFFFFC0  }
0x24: {  	[tilespmem:s10], [sflag:$0x3] =	stream.linear.gather [hbm4b:s9+s2], $0x40, $0x38;
	[tilespmem:$0x8380] =	vst v63  }
0x25: {  	_ =	swait.ge [sflag:s8], $0x40  }
0x26: {  	[sflag:s8] =	ssyncset.done $0x0  }
0x27: {  	s9 =	rddreg [dreg:$0x7];
	[sflag:s8] =	ssyncadd.s32 $0xFFFFFFC0  }
0x28: {  	[tilespmem:s11], [sflag:$0x3] =	stream.linear.gather [hbm4b:s9+s2], $0x40, $0x38;
	[tilespmem:$0x8380] =	vst v63  }
0x29: {  	_ =	swait.ge [sflag:s8], $0x40  }
0x2a: {  	[sflag:s8] =	ssyncset.done $0x0  }
0x2b: {  	s9 =	rddreg [dreg:$0x8];
	[sflag:s8] =	ssyncadd.s32 $0xFFFFFFC0  }
0x2c: {  	[tilespmem:s12], [sflag:$0x3] =	stream.linear.gather [hbm4b:s9+s2], $0x40, $0x38;
	[tilespmem:$0x8380] =	vst v63  }
0x2d: {  	_ =	swait.ge [sflag:s8], $0x40  }
0x2e: {  	[sflag:s8] =	ssyncset.done $0x0  }
0x2f: {  	[sflag:s8] =	ssyncadd.s32 $0xFFFFFFC0  }
0x30: {  	v4 =	vld [tilespmem:$0x0];
	_ =	sdelay $0x3  }
0x31: {  	v21 =	vld [tilespmem:$0x0]  }
0x32: {  	v8 =	vbroadcast v4, $0x0  }
0x33: {  	v3 =	vld [tilespmem:$0x80];
	v9 =	vbroadcast v4, $0x1;
	v62 =	vbroadcast v4, $0x2  }
0x34: {  	v5 =	vld [tilespmem:$0x100];
	v12 =	vbroadcast v4, $0x3;
	v11 =	vbroadcast v4, $0x4  }
0x35: {  	v46 =	vld [tilespmem:$0x0];
	v18 =	vbroadcast v4, $0x5;
	v20 =	vbroadcast v4, $0x6  }
0x36: {  	v4 =	vbroadcast v4, $0x7;
	v30 =	vbroadcast v21, $0x0  }
0x37: {  	v6 =	vld [tilespmem:$0x180];
	v32 =	vbroadcast v21, $0x1;
	v35 =	vbroadcast v21, $0x2  }
0x38: {  	v7 =	vld [tilespmem:$0x200];
	v38 =	vbroadcast v21, $0x3;
	v40 =	vbroadcast v21, $0x4  }
0x39: {  	vm1 =	veq.s32 v3, $0x0;
	v43 =	vbroadcast v21, $0x5;
	v48 =	vbroadcast v21, $0x6  }
0x3a: {  	vm2 =	veq.s32 v5, $0x0;
	v54 =	vbroadcast v46, $0x0;
	v58 =	vbroadcast v46, $0x1  }
0x3b: {  	v10 =	vnsel vm1, $0x0, v8;
	v8 =	vnsel vm2, $0x0, v8;
	vm1 =	veq.s32 v3, $0x1  }
0x3c: {  	v6 =	vadd.s32 v6, v10;
	v60 =	vnsel vm1, $0x0, v9;
	vm1 =	veq.s32 v5, $0x1  }
0x3d: {  	v7 =	vadd.s32 v8, v7;
	v61 =	vnsel vm1, $0x0, v9;
	v6 =	vadd.s32 v60, v6  }
0x3e: {  	vm1 =	veq.s32 v3, $0x2;
	v60 =	vbroadcast v46, $0x2;
	v9 =	vbroadcast v46, $0x7  }
0x3f: {  	v7 =	vadd.s32 v61, v7;
	v63 =	vnsel vm1, $0x0, v62;
	vm1 =	veq.s32 v5, $0x2  }
0x40: {  	v6 =	vadd.s32 v63, v6;
	v13 =	vnsel vm1, $0x0, v62;
	vm1 =	veq.s32 v3, $0x3  }
0x41: {  	v63 =	vbroadcast v46, $0x3;
	v14 =	vnsel vm1, $0x0, v12;
	vm1 =	veq.s32 v5, $0x3  }
0x42: {  	v7 =	vadd.s32 v13, v7;
	v15 =	vnsel vm1, $0x0, v12;
	vm1 =	veq.s32 v3, $0x4  }
0x43: {  	v6 =	vadd.s32 v14, v6;
	v16 =	vnsel vm1, $0x0, v11;
	vm1 =	veq.s32 v5, $0x4  }
0x44: {  	v7 =	vadd.s32 v15, v7;
	v17 =	vnsel vm1, $0x0, v11;
	v6 =	vadd.s32 v16, v6  }
0x45: {  	vm1 =	veq.s32 v3, $0x5;
	v11 =	vbroadcast v21, $0x7;
	v21 =	vbroadcast v46, $0x5  }
0x46: {  	v23 =	vld [tilespmem:$0x90];
	v7 =	vadd.s32 v17, v7;
	v19 =	vnsel vm1, $0x0, v18;
	vm1 =	veq.s32 v5, $0x5  }
0x47: {  	v13 =	vld [tilespmem:$0x110];
	v6 =	vadd.s32 v19, v6;
	v22 =	vnsel vm1, $0x0, v18;
	vm1 =	veq.s32 v3, $0x6  }
0x48: {  	v19 =	vbroadcast v46, $0x4;
	v12 =	vnsel vm1, $0x0, v20;
	vm1 =	veq.s32 v5, $0x6  }
0x49: {  	v7 =	vadd.s32 v22, v7;
	v24 =	vnsel vm1, $0x0, v20;
	vm1 =	veq.s32 v3, $0x7  }
0x4a: {  	v25 =	vld [tilespmem:$0x190];
	v3 =	vadd.s32 v12, v6;
	v26 =	vnsel vm1, $0x0, v4;
	vm1 =	veq.s32 v5, $0x7  }
0x4b: {  	v29 =	vld [tilespmem:$0x210];
	v27 =	vadd.s32 v24, v7;
	v28 =	vnsel vm1, $0x0, v4;
	vm1 =	veq.s32 v23, $0x0  }
0x4c: {  	v24 =	vbroadcast v46, $0x6;
	v31 =	vnsel vm1, $0x0, v30;
	vm1 =	veq.s32 v13, $0x0  }
0x4d: {  	v4 =	vadd.s32 v26, v3;
	v33 =	vnsel vm1, $0x0, v30;
	vm1 =	veq.s32 v23, $0x1  }
0x4e: {  	v3 =	vadd.s32 v28, v27;
	v34 =	vnsel vm1, $0x0, v32;
	vm1 =	veq.s32 v13, $0x1  }
0x4f: {  	v5 =	vadd.s32 v25, v31;
	v6 =	vnsel vm1, $0x0, v32;
	vm1 =	veq.s32 v23, $0x2  }
0x50: {  	v7 =	vadd.s32 v33, v29;
	v36 =	vnsel vm1, $0x0, v35;
	vm1 =	veq.s32 v13, $0x2  }
0x51: {  	v5 =	vadd.s32 v34, v5;
	v37 =	vnsel vm1, $0x0, v35;
	vm1 =	veq.s32 v23, $0x3  }
0x52: {  	v6 =	vadd.s32 v6, v7;
	v39 =	vnsel vm1, $0x0, v38;
	vm1 =	veq.s32 v13, $0x3  }
0x53: {  	v5 =	vadd.s32 v36, v5;
	v41 =	vnsel vm1, $0x0, v38;
	vm1 =	veq.s32 v23, $0x4  }
0x54: {  	v6 =	vadd.s32 v37, v6;
	v42 =	vnsel vm1, $0x0, v40;
	vm1 =	veq.s32 v13, $0x4  }
0x55: {  	v5 =	vadd.s32 v39, v5;
	v44 =	vnsel vm1, $0x0, v40;
	vm1 =	veq.s32 v23, $0x5  }
0x56: {  	v14 =	vld [tilespmem:$0xA0];
	v6 =	vadd.s32 v41, v6;
	v45 =	vnsel vm1, $0x0, v43;
	vm1 =	veq.s32 v13, $0x5  }
0x57: {  	v49 =	vld [tilespmem:$0x120];
	v5 =	vadd.s32 v42, v5;
	v47 =	vnsel vm1, $0x0, v43;
	vm1 =	veq.s32 v23, $0x6  }
0x58: {  	v6 =	vadd.s32 v44, v6;
	v50 =	vnsel vm1, $0x0, v48;
	vm1 =	veq.s32 v13, $0x6  }
0x59: {  	v5 =	vadd.s32 v45, v5;
	v51 =	vnsel vm1, $0x0, v48;
	vm1 =	veq.s32 v23, $0x7  }
0x5a: {  	v15 =	vld [tilespmem:$0x1A0];
	v6 =	vadd.s32 v47, v6;
	v53 =	vnsel vm1, $0x0, v11;
	vm1 =	veq.s32 v13, $0x7  }
0x5b: {  	v52 =	vld [tilespmem:$0x220];
	v5 =	vadd.s32 v50, v5;
	v55 =	vnsel vm1, $0x0, v11;
	vm1 =	veq.s32 v14, $0x0  }
0x5c: {  	v6 =	vadd.s32 v51, v6;
	v56 =	vnsel vm1, $0x0, v54;
	vm1 =	veq.s32 v49, $0x0  }
0x5d: {  	v5 =	vadd.s32 v53, v5;
	v57 =	vnsel vm1, $0x0, v54;
	vm1 =	veq.s32 v14, $0x1  }
0x5e: {  	v6 =	vadd.s32 v55, v6;
	v59 =	vnsel vm1, $0x0, v58;
	vm1 =	veq.s32 v49, $0x1  }
0x5f: {  	v11 =	vadd.s32 v15, v56;
	v61 =	vnsel vm1, $0x0, v58;
	vm1 =	veq.s32 v14, $0x2  }
0x60: {  	v8 =	vadd.s32 v57, v52;
	v62 =	vnsel vm1, $0x0, v60;
	vm1 =	veq.s32 v49, $0x2  }
0x61: {  	v8 =	vadd.s32 v61, v8;
	v16 =	vnsel vm1, $0x0, v60;
	vm1 =	veq.s32 v14, $0x3  }
0x62: {  	v17 =	vnsel vm1, $0x0, v63;
	vm1 =	veq.s32 v49, $0x3;
	v8 =	vadd.s32 v16, v8;
	v16 =	vld [tilespmem:$0x0]  }
0x63: {  	v10 =	vadd.s32 v59, v11;
	v18 =	vnsel vm1, $0x0, v63;
	vm1 =	veq.s32 v14, $0x4  }
0x64: {  	v10 =	vadd.s32 v62, v10;
	v20 =	vnsel vm1, $0x0, v19;
	vm1 =	veq.s32 v49, $0x4  }
0x65: {  	v10 =	vadd.s32 v17, v10;
	v22 =	vnsel vm1, $0x0, v19;
	vm1 =	veq.s32 v14, $0x5  }
0x66: {  	v8 =	vadd.s32 v18, v8;
	v10 =	vadd.s32 v20, v10;
	v23 =	vnsel vm1, $0x0, v21  }
0x67: {  	vm1 =	veq.s32 v49, $0x5;
	v8 =	vadd.s32 v22, v8;
	v32 =	vbroadcast v16, $0x0  }
0x68: {  	v25 =	vnsel vm1, $0x0, v21;
	v34 =	vbroadcast v16, $0x1;
	v38 =	vbroadcast v16, $0x2  }
0x69: {  	v26 =	vld [tilespmem:$0xB0];
	vm1 =	veq.s32 v14, $0x6;
	v40 =	vbroadcast v16, $0x3;
	v43 =	vbroadcast v16, $0x4  }
0x6a: {  	v17 =	vld [tilespmem:$0x130];
	v10 =	vadd.s32 v23, v10;
	v47 =	vbroadcast v16, $0x5;
	v52 =	vbroadcast v16, $0x7  }
0x6b: {  	v27 =	vnsel vm1, $0x0, v24;
	vm1 =	veq.s32 v49, $0x6;
	v8 =	vadd.s32 v25, v8  }
0x6c: {  	v29 =	vld [tilespmem:$0x1B0];
	v28 =	vnsel vm1, $0x0, v24;
	v10 =	vadd.s32 v27, v10;
	vm1 =	veq.s32 v14, $0x7  }
0x6d: {  	v31 =	vld [tilespmem:$0x230];
	v8 =	vadd.s32 v28, v8;
	v30 =	vnsel vm1, $0x0, v9;
	vm1 =	veq.s32 v49, $0x7  }
0x6e: {  	v49 =	vbroadcast v16, $0x6;
	v9 =	vnsel vm1, $0x0, v9;
	vm1 =	veq.s32 v26, $0x0  }
0x6f: {  	v10 =	vadd.s32 v30, v10;
	v33 =	vnsel vm1, $0x0, v32;
	vm1 =	veq.s32 v17, $0x0  }
0x70: {  	v8 =	vadd.s32 v9, v8;
	v35 =	vnsel vm1, $0x0, v32;
	vm1 =	veq.s32 v26, $0x1  }
0x71: {  	v11 =	vadd.s32 v29, v33;
	v36 =	vnsel vm1, $0x0, v34;
	vm1 =	veq.s32 v17, $0x1  }
0x72: {  	v7 =	vadd.s32 v35, v31;
	v37 =	vnsel vm1, $0x0, v34;
	vm1 =	veq.s32 v26, $0x2  }
0x73: {  	v11 =	vadd.s32 v36, v11;
	v39 =	vnsel vm1, $0x0, v38;
	vm1 =	veq.s32 v17, $0x2  }
0x74: {  	v7 =	vadd.s32 v37, v7;
	v41 =	vnsel vm1, $0x0, v38;
	vm1 =	veq.s32 v26, $0x3  }
0x75: {  	v9 =	vadd.s32 v39, v11;
	v42 =	vnsel vm1, $0x0, v40;
	vm1 =	veq.s32 v17, $0x3  }
0x76: {  	v7 =	vadd.s32 v41, v7;
	v44 =	vnsel vm1, $0x0, v40;
	vm1 =	veq.s32 v26, $0x4  }
0x77: {  	v9 =	vadd.s32 v42, v9;
	v45 =	vnsel vm1, $0x0, v43;
	vm1 =	veq.s32 v17, $0x4  }
0x78: {  	v7 =	vadd.s32 v44, v7;
	v46 =	vnsel vm1, $0x0, v43;
	vm1 =	veq.s32 v26, $0x5  }
0x79: {  	[tilespmem:$0x280] =	vst v4;
	v9 =	vadd.s32 v45, v9;
	v48 =	vnsel vm1, $0x0, v47;
	vm1 =	veq.s32 v17, $0x5  }
0x7a: {  	[tilespmem:$0x300] =	vst v3;
	v7 =	vadd.s32 v46, v7;
	v50 =	vnsel vm1, $0x0, v47;
	vm1 =	veq.s32 v26, $0x6  }
0x7b: {  	[tilespmem:$0x290] =	vst v5;
	v3 =	vadd.s32 v48, v9;
	v51 =	vnsel vm1, $0x0, v49;
	vm1 =	veq.s32 v17, $0x6  }
0x7c: {  	[tilespmem:$0x310] =	vst v6;
	v4 =	vadd.s32 v50, v7;
	v53 =	vnsel vm1, $0x0, v49;
	vm1 =	veq.s32 v26, $0x7  }
0x7d: {  	[tilespmem:$0x2A0] =	vst v10;
	v3 =	vadd.s32 v51, v3;
	v54 =	vnsel vm1, $0x0, v52;
	vm1 =	veq.s32 v17, $0x7  }
0x7e: {  	[tilespmem:$0x320] =	vst v8;
	v4 =	vadd.s32 v53, v4;
	v3 =	vadd.s32 v54, v3;
	v55 =	vnsel vm1, $0x0, v52  }
0x7f: {  	v4 =	vadd.s32 v55, v4;
	[tilespmem:$0x2B0] =	vst v3  }
0x80: {  	s9 =	rddreg [dreg:$0x9];
	[tilespmem:$0x330] =	vst v4  }
0x81: {  	[hbm4b:s9+s2] =	stream.linear.scatter [tilespmem:s13], [sflag:$0x3], $0x40, $0x38;
	[tilespmem:$0x8380] =	vst v63  }
0x82: {  	_ =	swait.ge [sflag:s8], $0x40  }
0x83: {  	[sflag:s8] =	ssyncset.done $0x0  }
0x84: {  	s9 =	rddreg [dreg:$0xa];
	[sflag:s8] =	ssyncadd.s32 $0xFFFFFFC0  }
0x85: {  	[hbm4b:s9+s2] =	stream.linear.scatter [tilespmem:s14], [sflag:$0x3], $0x40, $0x38;
	[tilespmem:$0x8380] =	vst v63  }
0x86: {  	_ =	swait.ge [sflag:s8], $0x40  }
0x87: {  	[sflag:s8] =	ssyncset.done $0x0  }
0x88: {  	[sflag:s8] =	ssyncadd.s32 $0xFFFFFFC0  }
0x89: {  	_ =	swait.ge [sflag:s15], $0x8000  }
0x8a: {  	[sflag:s15] =	ssyncset.done $0x0  }
0x8b: {  	[sflag:s15] =	ssyncadd.s32 $0xFFFF8000  }
0x8c: {  	v3 =	vld [tilespmem:$0x280];
	_ =	sdelay $0x4  }
0x8d: {  	v56 =	vshll.u32 v3, $0x2  }
0x8e: {  	v3 =	vand.u32 $0x7, v3;
	v4 =	vand.u32 $0xFFFFFFE0, v56  }
0x8f: {  	v3 =	vor.u32 v3, v4  }
0x90: {  	v4 =	vperm.xlane v3, v0;
	_ =	sdelay $0x1  }
0x91: {  	v4 =	vadd.s32 v1, v4;
	_ =	sdelay $0x1  }
0x92: {  	v3 =	vperm.xlane v3, v2;
	_ =	sdelay $0x1  }
0x93: {  	v3 =	vadd.s32 v1, v3  }
0x94: {  	[hbm4b:s4+s2] =	stream.indirect_vreg.scatter [tilespmem:s7], [sflag:$0x1], $0x80, v4, vm0, $0xb8;
	[tilespmem:$0x8380] =	vst v63  }
0x95: {  	_ = 	snop  }
0x96: {  	[hbm4b:s5+s2] =	stream.indirect_vreg.scatter [tilespmem:s16], [sflag:$0x1], $0x80, v4, vm0, $0xb8;
	[tilespmem:$0x8380] =	vst v63  }
0x97: {  	_ = 	snop  }
0x98: {  	[hbm4b:s4+s2] =	stream.indirect_vreg.scatter [tilespmem:s17], [sflag:$0x1], $0x80, v3, vm0, $0xb8;
	[tilespmem:$0x8380] =	vst v63  }
0x99: {  	_ = 	snop  }
0x9a: {  	[hbm4b:s5+s2] =	stream.indirect_vreg.scatter [tilespmem:s18], [sflag:$0x1], $0x80, v3, vm0, $0xb8;
	[tilespmem:$0x8380] =	vst v63  }
0x9b: {  	v3 =	vld [tilespmem:$0x290];
	_ =	sdelay $0x4  }
0x9c: {  	v57 =	vshll.u32 v3, $0x2  }
0x9d: {  	v3 =	vand.u32 $0x7, v3;
	v4 =	vand.u32 $0xFFFFFFE0, v57  }
0x9e: {  	v3 =	vor.u32 v3, v4  }
0x9f: {  	v4 =	vperm.xlane v3, v0;
	_ =	sdelay $0x1  }
0xa0: {  	v4 =	vadd.s32 v1, v4;
	_ =	sdelay $0x1  }
0xa1: {  	v3 =	vperm.xlane v3, v2;
	_ =	sdelay $0x1  }
0xa2: {  	v3 =	vadd.s32 v1, v3  }
0xa3: {  	[hbm4b:s4+s2] =	stream.indirect_vreg.scatter [tilespmem:s19], [sflag:$0x1], $0x80, v4, vm0, $0xb8;
	[tilespmem:$0x8380] =	vst v63  }
0xa4: {  	_ = 	snop  }
0xa5: {  	[hbm4b:s5+s2] =	stream.indirect_vreg.scatter [tilespmem:s20], [sflag:$0x1], $0x80, v4, vm0, $0xb8;
	[tilespmem:$0x8380] =	vst v63  }
0xa6: {  	_ = 	snop  }
0xa7: {  	[hbm4b:s4+s2] =	stream.indirect_vreg.scatter [tilespmem:s21], [sflag:$0x1], $0x80, v3, vm0, $0xb8;
	[tilespmem:$0x8380] =	vst v63  }
0xa8: {  	_ = 	snop  }
0xa9: {  	[hbm4b:s5+s2] =	stream.indirect_vreg.scatter [tilespmem:s22], [sflag:$0x1], $0x80, v3, vm0, $0xb8;
	[tilespmem:$0x8380] =	vst v63  }
0xaa: {  	v3 =	vld [tilespmem:$0x2A0];
	_ =	sdelay $0x4  }
0xab: {  	v58 =	vshll.u32 v3, $0x2  }
0xac: {  	v3 =	vand.u32 $0x7, v3;
	v4 =	vand.u32 $0xFFFFFFE0, v58  }
0xad: {  	v3 =	vor.u32 v3, v4  }
0xae: {  	v4 =	vperm.xlane v3, v0;
	_ =	sdelay $0x1  }
0xaf: {  	v4 =	vadd.s32 v1, v4;
	_ =	sdelay $0x1  }
0xb0: {  	v3 =	vperm.xlane v3, v2;
	_ =	sdelay $0x1  }
0xb1: {  	v3 =	vadd.s32 v1, v3  }
0xb2: {  	[hbm4b:s4+s2] =	stream.indirect_vreg.scatter [tilespmem:s23], [sflag:$0x1], $0x80, v4, vm0, $0xb8;
	[tilespmem:$0x8380] =	vst v63  }
0xb3: {  	_ = 	snop  }
0xb4: {  	[hbm4b:s5+s2] =	stream.indirect_vreg.scatter [tilespmem:s24], [sflag:$0x1], $0x80, v4, vm0, $0xb8;
	[tilespmem:$0x8380] =	vst v63  }
0xb5: {  	_ = 	snop  }
0xb6: {  	[hbm4b:s4+s2] =	stream.indirect_vreg.scatter [tilespmem:s25], [sflag:$0x1], $0x80, v3, vm0, $0xb8;
	[tilespmem:$0x8380] =	vst v63  }
0xb7: {  	_ = 	snop  }
0xb8: {  	[hbm4b:s5+s2] =	stream.indirect_vreg.scatter [tilespmem:s26], [sflag:$0x1], $0x80, v3, vm0, $0xb8;
	[tilespmem:$0x8380] =	vst v63  }
0xb9: {  	v3 =	vld [tilespmem:$0x2B0];
	_ =	sdelay $0x4  }
0xba: {  	v59 =	vshll.u32 v3, $0x2  }
0xbb: {  	v3 =	vand.u32 $0x7, v3;
	v4 =	vand.u32 $0xFFFFFFE0, v59  }
0xbc: {  	v3 =	vor.u32 v3, v4  }
0xbd: {  	v4 =	vperm.xlane v3, v0;
	_ =	sdelay $0x1  }
0xbe: {  	v4 =	vadd.s32 v1, v4;
	_ =	sdelay $0x1  }
0xbf: {  	v3 =	vperm.xlane v3, v2;
	_ =	sdelay $0x1  }
0xc0: {  	v3 =	vadd.s32 v1, v3  }
0xc1: {  	[hbm4b:s4+s2] =	stream.indirect_vreg.scatter [tilespmem:s28], [sflag:$0x1], $0x80, v4, vm0, $0xb8;
	[tilespmem:$0x8380] =	vst v63  }
0xc2: {  	_ = 	snop  }
0xc3: {  	[hbm4b:s5+s2] =	stream.indirect_vreg.scatter [tilespmem:s29], [sflag:$0x1], $0x80, v4, vm0, $0xb8;
	[tilespmem:$0x8380] =	vst v63  }
0xc4: {  	_ = 	snop  }
0xc5: {  	[hbm4b:s4+s2] =	stream.indirect_vreg.scatter [tilespmem:s30], [sflag:$0x1], $0x80, v3, vm0, $0xb8;
	[tilespmem:$0x8380] =	vst v63  }
0xc6: {  	_ = 	snop  }
0xc7: {  	[hbm4b:s5+s2] =	stream.indirect_vreg.scatter [tilespmem:s31], [sflag:$0x1], $0x80, v3, vm0, $0xb8;
	[tilespmem:$0x8380] =	vst v63  }
0xc8: {  	v3 =	vld [tilespmem:$0x300];
	_ =	sdelay $0x4  }
0xc9: {  	v60 =	vshll.u32 v3, $0x2  }
0xca: {  	v3 =	vand.u32 $0x7, v3;
	v4 =	vand.u32 $0xFFFFFFE0, v60  }
0xcb: {  	v3 =	vor.u32 v3, v4  }
0xcc: {  	v4 =	vperm.xlane v3, v0;
	_ =	sdelay $0x1  }
0xcd: {  	v4 =	vadd.s32 v1, v4;
	_ =	sdelay $0x1  }
0xce: {  	v3 =	vperm.xlane v3, v2;
	_ =	sdelay $0x1  }
0xcf: {  	v3 =	vadd.s32 v1, v3  }
0xd0: {  	[hbm4b:s4+s2] =	stream.indirect_vreg.scatter [tilespmem:s7], [sflag:$0x2], $0x80, v4, vm0, $0xb8;
	[tilespmem:$0x8380] =	vst v63  }
0xd1: {  	_ = 	snop  }
0xd2: {  	[hbm4b:s5+s2] =	stream.indirect_vreg.scatter [tilespmem:s16], [sflag:$0x2], $0x80, v4, vm0, $0xb8;
	[tilespmem:$0x8380] =	vst v63  }
0xd3: {  	_ = 	snop  }
0xd4: {  	[hbm4b:s4+s2] =	stream.indirect_vreg.scatter [tilespmem:s17], [sflag:$0x2], $0x80, v3, vm0, $0xb8;
	[tilespmem:$0x8380] =	vst v63  }
0xd5: {  	_ = 	snop  }
0xd6: {  	[hbm4b:s5+s2] =	stream.indirect_vreg.scatter [tilespmem:s18], [sflag:$0x2], $0x80, v3, vm0, $0xb8;
	[tilespmem:$0x8380] =	vst v63  }
0xd7: {  	v3 =	vld [tilespmem:$0x310];
	_ =	sdelay $0x4  }
0xd8: {  	v61 =	vshll.u32 v3, $0x2  }
0xd9: {  	v3 =	vand.u32 $0x7, v3;
	v4 =	vand.u32 $0xFFFFFFE0, v61  }
0xda: {  	v3 =	vor.u32 v3, v4  }
0xdb: {  	v4 =	vperm.xlane v3, v0;
	_ =	sdelay $0x1  }
0xdc: {  	v4 =	vadd.s32 v1, v4;
	_ =	sdelay $0x1  }
0xdd: {  	v3 =	vperm.xlane v3, v2;
	_ =	sdelay $0x1  }
0xde: {  	v3 =	vadd.s32 v1, v3  }
0xdf: {  	[hbm4b:s4+s2] =	stream.indirect_vreg.scatter [tilespmem:s19], [sflag:$0x2], $0x80, v4, vm0, $0xb8;
	[tilespmem:$0x8380] =	vst v63  }
0xe0: {  	_ = 	snop  }
0xe1: {  	[hbm4b:s5+s2] =	stream.indirect_vreg.scatter [tilespmem:s20], [sflag:$0x2], $0x80, v4, vm0, $0xb8;
	[tilespmem:$0x8380] =	vst v63  }
0xe2: {  	_ = 	snop  }
0xe3: {  	[hbm4b:s4+s2] =	stream.indirect_vreg.scatter [tilespmem:s21], [sflag:$0x2], $0x80, v3, vm0, $0xb8;
	[tilespmem:$0x8380] =	vst v63  }
0xe4: {  	_ = 	snop  }
0xe5: {  	[hbm4b:s5+s2] =	stream.indirect_vreg.scatter [tilespmem:s22], [sflag:$0x2], $0x80, v3, vm0, $0xb8;
	[tilespmem:$0x8380] =	vst v63  }
0xe6: {  	v3 =	vld [tilespmem:$0x320];
	_ =	sdelay $0x4  }
0xe7: {  	v62 =	vshll.u32 v3, $0x2  }
0xe8: {  	v3 =	vand.u32 $0x7, v3;
	v4 =	vand.u32 $0xFFFFFFE0, v62  }
0xe9: {  	v3 =	vor.u32 v3, v4  }
0xea: {  	v4 =	vperm.xlane v3, v0;
	_ =	sdelay $0x1  }
0xeb: {  	v4 =	vadd.s32 v1, v4;
	_ =	sdelay $0x1  }
0xec: {  	v3 =	vperm.xlane v3, v2;
	_ =	sdelay $0x1  }
0xed: {  	v3 =	vadd.s32 v1, v3  }
0xee: {  	[hbm4b:s4+s2] =	stream.indirect_vreg.scatter [tilespmem:s23], [sflag:$0x2], $0x80, v4, vm0, $0xb8;
	[tilespmem:$0x8380] =	vst v63  }
0xef: {  	_ = 	snop  }
0xf0: {  	[hbm4b:s5+s2] =	stream.indirect_vreg.scatter [tilespmem:s24], [sflag:$0x2], $0x80, v4, vm0, $0xb8;
	[tilespmem:$0x8380] =	vst v63  }
0xf1: {  	_ = 	snop  }
0xf2: {  	[hbm4b:s4+s2] =	stream.indirect_vreg.scatter [tilespmem:s25], [sflag:$0x2], $0x80, v3, vm0, $0xb8;
	[tilespmem:$0x8380] =	vst v63  }
0xf3: {  	_ = 	snop  }
0xf4: {  	[hbm4b:s5+s2] =	stream.indirect_vreg.scatter [tilespmem:s26], [sflag:$0x2], $0x80, v3, vm0, $0xb8;
	[tilespmem:$0x8380] =	vst v63  }
0xf5: {  	v3 =	vld [tilespmem:$0x330];
	_ =	sdelay $0x4  }
0xf6: {  	v63 =	vshll.u32 v3, $0x2  }
0xf7: {  	v3 =	vand.u32 $0x7, v3;
	v4 =	vand.u32 $0xFFFFFFE0, v63  }
0xf8: {  	v3 =	vor.u32 v3, v4  }
0xf9: {  	v4 =	vperm.xlane v3, v0;
	_ =	sdelay $0x1  }
0xfa: {  	v4 =	vadd.s32 v1, v4;
	_ =	sdelay $0x1  }
0xfb: {  	v3 =	vperm.xlane v3, v2;
	_ =	sdelay $0x1  }
0xfc: {  	v3 =	vadd.s32 v1, v3  }
0xfd: {  	[hbm4b:s4+s2] =	stream.indirect_vreg.scatter [tilespmem:s28], [sflag:$0x2], $0x80, v4, vm0, $0xb8;
	[tilespmem:$0x8380] =	vst v63  }
0xfe: {  	_ = 	snop  }
0xff: {  	[hbm4b:s5+s2] =	stream.indirect_vreg.scatter [tilespmem:s29], [sflag:$0x2], $0x80, v4, vm0, $0xb8;
	[tilespmem:$0x8380] =	vst v63  }
0x100: {  	_ = 	snop  }
0x101: {  	[hbm4b:s4+s2] =	stream.indirect_vreg.scatter [tilespmem:s30], [sflag:$0x2], $0x80, v3, vm0, $0xb8;
	[tilespmem:$0x8380] =	vst v63  }
0x102: {  	_ = 	snop  }
0x103: {  	[hbm4b:s5+s2] =	stream.indirect_vreg.scatter [tilespmem:s31], [sflag:$0x2], $0x80, v3, vm0, $0xb8;
	[tilespmem:$0x8380] =	vst v63  }
0x104: {  	p0 =	sne.s32 s6, $0x1;
	_ =	swait.ge [sflag:s15], $0x8000  }
.Ltmp0:
0x105: {  	[sflag:s15] =	ssyncset.done $0x0;
	(pc) =	sbr.rel @p0 .LBB2_1-.Ltmp0, $4  }
0x106: {  	[sflag:s15] =	ssyncadd.s32 $0xFFFF8000  }
0x107: {  	_ =	swait.ge [sflag:s1], $0x8000  }
0x108: {  	[sflag:s1] =	ssyncset.done $0x0  }
0x109: {  	s6 =	sadd.s32 $0xFFFFFFFF, s6;
	[sflag:s1] =	ssyncadd.s32 $0xFFFF8000  }
0x10a: {  	_ =	sfence.sel $0x180000  }
0x10b: {  	[bflag:$0x0] =	sbarrier.arrive $0xFFFF  }
0x10c: {  	_ =	strace $0x90000047  }
0x10d: {  	s0 =	stileid.u32;
	[bflag:$0x2] =	sbarrier.arrive $0xFFFF  }
0x10e: {  	p0 =	sne.s32 s0, $0x0;
	s0 =	rddreg [dreg:$0x3]  }
0x10f: {  	s0 =	sadd.s32 @!p0 $0x100000, s0  }
0x110: {  	[sflag:s0] =	ssyncadd.tile.s32 @!p0 $0x1;
	_ =	shalt  }
.Lfunc_end2:
_tile_overlayer_lowered:
.L_overlay_start_2:
0x111: {  	(tag) =	ssettag $0x2  }
0x112: {  	s0 =	rddreg [dreg:$0x0];
	s2 =	stileid.u32  }
0x113: {  	s1 =	rddreg [dreg:$0x1];
	p0 =	sne.s32 s2, $0x0  }
0x114: {  	s3 =	rddreg [dreg:$0x2];
	[bflag:$0x3] =	sbarrier.arrive $0xFFFF;
	s2 =	simm.s32 @!p0 $0x1C03  }
0x115: {  	[timem:s3], [sflag:s2] =	dma.local @!p0 [hbm:s0], s1  }
0x116: {  	s0 =	simm.s32 @!p0 $0x3  }
0x117: {  	_ =	swait.ge @!p0 [sflag:s0], s1  }
0x118: {  	s1 =	ssub.s32 @!p0 $0x0, s1;
	[sflag:s0] =	ssyncset.done @!p0 $0x0  }
0x119: {  	[sflag:s0] =	ssyncadd.s32 @!p0 s1  }
0x11a: {  	[bflag:$0x3] =	sbarrier.arrive $0xFFFF  }
0x11b: {  	_ =	shalt  }

</sc_bundles>
